<compile_context>
chip_gen: v7x
topology: tpu7x:2x2x1
jax: 0.10.2.dev20260603
libtpu: 0.0.44.dev20260713+nightly
codegen_flags: <defaults>
</compile_context>

<pallas_src>
import functools

import jax
import jax.numpy as jnp
from jax import lax
from jax.experimental import pallas as pl
from jax.experimental.pallas import tpu as pltpu
from jax.experimental.pallas import tpu_sc as plsc

_NC = 2
_NS = 16
_NW = _NC * _NS
_LANES = 16
_ROWS = 8
_COLS = 3200
_NBUF = 4


def _add_pos(buf, posv, col0):

    @plsc.parallel_loop(0, (_COLS // 128) * 8, unroll=2)
    def _(i):
        c = (i // 8) * 128 + (i % 8) * _LANES
        pv = posv[pl.ds(col0 + c, _LANES)]
        for r in range(_ROWS):
            plsc.addupdate(buf.at[r, pl.ds(c, _LANES)], pv)


def _sc_body(x_hbm, pos_hbm, out_hbm, posv, bufs, isems, osems, n, nch):
    wid = lax.axis_index("s") * _NC + lax.axis_index("c")
    panels = n // _COLS

    def chunk_slices(c):
        g = c // panels
        p = c % panels
        rows = pl.ds((wid * (nch // panels) + g) * _ROWS, _ROWS)
        cols = pl.ds(p * _COLS, _COLS)
        return rows, cols, p * _COLS

    pltpu.sync_copy(pos_hbm, posv)

    def start_in(c, cur):
        rows, cols, _ = chunk_slices(c)
        pltpu.async_copy(x_hbm.at[rows, cols], bufs[cur], isems[cur])

    def wait_in(c, cur):
        rows, cols, _ = chunk_slices(c)
        pltpu.make_async_copy(x_hbm.at[rows, cols], bufs[cur], isems[cur]).wait()

    def start_out(c, cur):
        rows, cols, _ = chunk_slices(c)
        pltpu.async_copy(bufs[cur], out_hbm.at[rows, cols], osems[cur])

    def wait_out(c, cur):
        rows, cols, _ = chunk_slices(c)
        pltpu.make_async_copy(bufs[cur], out_hbm.at[rows, cols], osems[cur]).wait()

    def process(c, cur, wait_prev, prefetch):
        wait_in(c, cur)
        _, _, col0 = chunk_slices(c)
        _add_pos(bufs[cur], posv, col0)
        start_out(c, cur)
        if wait_prev:
            wait_out(c - 2, (cur + 2) % _NBUF)
        if prefetch:
            start_in(c + 2, (cur + 2) % _NBUF)

    start_in(0, 0)
    start_in(1, 1)
    for cur in range(_NBUF):
        process(cur, cur, wait_prev=cur >= 2, prefetch=True)

    def outer(k, _):
        c0 = _NBUF * k
        for cur in range(_NBUF):
            process(c0 + cur, cur, wait_prev=True, prefetch=True)
        return 0

    lax.fori_loop(1, nch // _NBUF - 1, outer, 0)

    c0 = nch - _NBUF
    for cur in range(_NBUF):
        process(c0 + cur, cur, wait_prev=True, prefetch=cur < 2)

    for cur in range(2):
        wait_out(nch - 2 + cur, (cur + 2) % _NBUF)


def kernel(x, pos_table):
    B, L, D = x.shape
    N = L * D
    panels = N // _COLS
    nch = (B // _NW // _ROWS) * panels
    mesh = plsc.VectorSubcoreMesh(core_axis_name="c", subcore_axis_name="s")
    body = functools.partial(_sc_body, n=N, nch=nch)
    run = pl.kernel(
        body,
        out_type=jax.ShapeDtypeStruct((B, N), x.dtype),
        mesh=mesh,
        compiler_params=pltpu.CompilerParams(use_tc_tiling_on_sc=True),
        scratch_types=[
            pltpu.VMEM((N,), x.dtype),
            [pltpu.VMEM((_ROWS, _COLS), x.dtype) for _ in range(_NBUF)],
            [pltpu.SemaphoreType.DMA for _ in range(_NBUF)],
            [pltpu.SemaphoreType.DMA for _ in range(_NBUF)],
        ],
    )
    out = run(x.reshape(B, N), pos_table.reshape(N))
    return out.reshape(B, L, D)

# --- scband reference (transcript-rebuilt; emitter-appended) ---
"""Pipeline reference for scband-positional-embedding-8194797600883 (READ-ONLY COPY).

The authoritative reference and input builder live on the scoring server;
editing this copy changes nothing except your own understanding.
"""

import jax, jax.numpy as jnp
import numpy as np

MAX_LEN = 200
EMBED_DIM = 64
BATCH = 4096
SEQ_LEN = 200


def setup_inputs(seed: int = 0) -> dict:
    key = jax.random.key(seed)
    k_x, k_tab = jax.random.split(key)
    x = jax.random.normal(k_x, (BATCH, SEQ_LEN, EMBED_DIM), dtype=jnp.float32)
    # Keras Embedding default initializer is uniform(-0.05, 0.05)
    pos_table = jax.random.uniform(k_tab, (MAX_LEN, EMBED_DIM), dtype=jnp.float32, minval=-0.05, maxval=0.05)
    return {"x": x, "pos_table": pos_table}


def reference(x, pos_table):
    # positions = tf.range(0, tf.shape(x)[1])
    L = x.shape[1]
    positions = jnp.arange(L, dtype=jnp.int32)
    # embedding lookup: gather rows of the positional table
    pos = jnp.take(pos_table, positions, axis=0)  # [L, embed_dim]
    # broadcast-add over batch
    return x + pos[None, :, :]

if __name__ == "__main__":
    import jax
    _d = setup_inputs()
    print(jax.jit(kernel)(*tuple(_d.values())))

</pallas_src>

<mosaic_0001>
#map = affine_map<(d0, d1) -> (0, 0)>
#map1 = affine_map<(d0, d1) -> (0)>
module attributes {stable_mosaic.version = 14 : i64} {
  func.func @_sc_body(%arg0: i32, %arg1: i32, %arg2: memref<4096x12800xf32, #tpu.memory_space<hbm>>, %arg3: memref<12800xf32, #tpu.memory_space<hbm>>, %arg4: memref<4096x12800xf32, #tpu.memory_space<hbm>>, %arg5: memref<12800xf32, #tpu.memory_space<vmem>>, %arg6: memref<8x3200xf32, #tpu.memory_space<vmem>>, %arg7: memref<8x3200xf32, #tpu.memory_space<vmem>>, %arg8: memref<8x3200xf32, #tpu.memory_space<vmem>>, %arg9: memref<8x3200xf32, #tpu.memory_space<vmem>>, %arg10: memref<!tpu.dma_semaphore, #tpu.memory_space<semaphore_mem>>, %arg11: memref<!tpu.dma_semaphore, #tpu.memory_space<semaphore_mem>>, %arg12: memref<!tpu.dma_semaphore, #tpu.memory_space<semaphore_mem>>, %arg13: memref<!tpu.dma_semaphore, #tpu.memory_space<semaphore_mem>>, %arg14: memref<!tpu.dma_semaphore, #tpu.memory_space<semaphore_mem>>, %arg15: memref<!tpu.dma_semaphore, #tpu.memory_space<semaphore_mem>>, %arg16: memref<!tpu.dma_semaphore, #tpu.memory_space<semaphore_mem>>, %arg17: memref<!tpu.dma_semaphore, #tpu.memory_space<semaphore_mem>>) attributes {dimension_semantics = [#tpu.dimension_semantics<core_parallel>, #tpu.dimension_semantics<subcore_parallel>], iteration_bounds = array<i64: 2, 16>, scalar_prefetch = 0 : i64, scratch_operands = 13 : i64, tpu.core_type = #tpu.core_type<sc_vector_subcore>, window_params = [{transform_indices = #map}, {transform_indices = #map1}, {transform_indices = #map}]} {
    %mul3A = arith.constant 2 : i32
    %mul3A_0 = arith.muli %arg1, %mul3A : i32
    %add3A = arith.addi %mul3A_0, %arg0 : i32
    "tpu.region"() ({
      %run_scoped3A = tpu.sem_alloc : memref<!tpu.dma_semaphore, #tpu.memory_space<semaphore_mem>>
      tpu.enqueue_dma source(%arg3 : memref<12800xf32, #tpu.memory_space<hbm>>) target(%arg5 : memref<12800xf32, #tpu.memory_space<vmem>>) target_semaphore(%run_scoped3A : memref<!tpu.dma_semaphore, #tpu.memory_space<semaphore_mem>>)
      tpu.wait_dma2 semaphore(%run_scoped3A : memref<!tpu.dma_semaphore, #tpu.memory_space<semaphore_mem>>) src(%arg3 : memref<12800xf32, #tpu.memory_space<hbm>>) dst(%arg5 : memref<12800xf32, #tpu.memory_space<vmem>>)
      tpu.yield
    }) : () -> ()
    %mul3A_1 = arith.constant 16 : i32
    %mul3A_2 = arith.muli %add3A, %mul3A_1 : i32
    %add3A_3 = arith.constant 0 : i32
    %add3A_4 = arith.addi %mul3A_2, %add3A_3 : i32
    %mul3A_5 = arith.constant 8 : i32
    %mul3A_6 = arith.muli %add3A_4, %mul3A_5 : i32
    %dma_start3A = arith.constant 0 : i32
    %dma_start3A_7 = tpu.memref_slice %arg2[%mul3A_6, %dma_start3A] : memref<4096x12800xf32, #tpu.memory_space<hbm>> -> memref<8x3200xf32, #tpu.memory_space<hbm>>
    %dma_start3A_8 = arith.constant 0 : i32
    %dma_start3A_9 = tpu.memref_slice %arg2[%mul3A_6, %dma_start3A_8] : memref<4096x12800xf32, #tpu.memory_space<hbm>> -> memref<8x3200xf32, #tpu.memory_space<hbm>>
    tpu.enqueue_dma source(%dma_start3A_9 : memref<8x3200xf32, #tpu.memory_space<hbm>>) target(%arg6 : memref<8x3200xf32, #tpu.memory_space<vmem>>) target_semaphore(%arg10 : memref<!tpu.dma_semaphore, #tpu.memory_space<semaphore_mem>>)
    %mul3A_10 = arith.constant 16 : i32
    %mul3A_11 = arith.muli %add3A, %mul3A_10 : i32
    %add3A_12 = arith.constant 0 : i32
    %add3A_13 = arith.addi %mul3A_11, %add3A_12 : i32
    %mul3A_14 = arith.constant 8 : i32
    %mul3A_15 = arith.muli %add3A_13, %mul3A_14 : i32
    %dma_start3A_16 = arith.constant 3200 : i32
    %dma_start3A_17 = tpu.memref_slice %arg2[%mul3A_15, %dma_start3A_16] : memref<4096x12800xf32, #tpu.memory_space<hbm>> -> memref<8x3200xf32, #tpu.memory_space<hbm>>
    %dma_start3A_18 = arith.constant 3200 : i32
    %dma_start3A_19 = tpu.memref_slice %arg2[%mul3A_15, %dma_start3A_18] : memref<4096x12800xf32, #tpu.memory_space<hbm>> -> memref<8x3200xf32, #tpu.memory_space<hbm>>
    tpu.enqueue_dma source(%dma_start3A_19 : memref<8x3200xf32, #tpu.memory_space<hbm>>) target(%arg7 : memref<8x3200xf32, #tpu.memory_space<vmem>>) target_semaphore(%arg11 : memref<!tpu.dma_semaphore, #tpu.memory_space<semaphore_mem>>)
    %mul3A_20 = arith.constant 16 : i32
    %mul3A_21 = arith.muli %add3A, %mul3A_20 : i32
    %add3A_22 = arith.constant 0 : i32
    %add3A_23 = arith.addi %mul3A_21, %add3A_22 : i32
    %mul3A_24 = arith.constant 8 : i32
    %mul3A_25 = arith.muli %add3A_23, %mul3A_24 : i32
    %dma_wait3A = arith.constant 0 : i32
    %dma_wait3A_26 = tpu.memref_slice %arg2[%mul3A_25, %dma_wait3A] : memref<4096x12800xf32, #tpu.memory_space<hbm>> -> memref<8x3200xf32, #tpu.memory_space<hbm>>
    %dma_wait3A_27 = arith.constant 0 : i32
    %dma_wait3A_28 = tpu.memref_slice %arg2[%mul3A_25, %dma_wait3A_27] : memref<4096x12800xf32, #tpu.memory_space<hbm>> -> memref<8x3200xf32, #tpu.memory_space<hbm>>
    tpu.wait_dma2 semaphore(%arg10 : memref<!tpu.dma_semaphore, #tpu.memory_space<semaphore_mem>>) src(%dma_wait3A_28 : memref<8x3200xf32, #tpu.memory_space<hbm>>) dst(%arg6 : memref<8x3200xf32, #tpu.memory_space<vmem>>)
    %mul3A_29 = arith.constant 16 : i32
    %mul3A_30 = arith.muli %add3A, %mul3A_29 : i32
    %add3A_31 = arith.constant 0 : i32
    %add3A_32 = arith.addi %mul3A_30, %add3A_31 : i32
    %mul3A_33 = arith.constant 8 : i32
    %mul3A_34 = arith.muli %add3A_32, %mul3A_33 : i32
    %parallel_loop3A = arith.constant 0 : i32
    %parallel_loop3A_35 = arith.constant 200 : i32
    %parallel_loop3A_36 = arith.constant 1 : i32
    scf.for %parallel_loop3A_396 = %parallel_loop3A to %parallel_loop3A_35 step %parallel_loop3A_36  : i32 {
      %parallel_loop3A_397 = arith.constant 8 : i32
      %parallel_loop3A_398 = arith.divsi %parallel_loop3A_396, %parallel_loop3A_397 : i32
      %parallel_loop3A_399 = arith.constant 0 : i32
      %parallel_loop3A_400 = arith.cmpi sgt, %parallel_loop3A_396, %parallel_loop3A_399 : i32
      %parallel_loop3A_401 = arith.extui %parallel_loop3A_400 : i1 to i32
      %parallel_loop3A_402 = arith.constant 0 : i32
      %parallel_loop3A_403 = arith.cmpi slt, %parallel_loop3A_396, %parallel_loop3A_402 : i32
      %parallel_loop3A_404 = arith.extui %parallel_loop3A_403 : i1 to i32
      %parallel_loop3A_405 = arith.subi %parallel_loop3A_401, %parallel_loop3A_404 : i32
      %parallel_loop3A_406 = arith.constant 0 : i32
      %parallel_loop3A_407 = arith.cmpi sgt, %parallel_loop3A_397, %parallel_loop3A_406 : i32
      %parallel_loop3A_408 = arith.extui %parallel_loop3A_407 : i1 to i32
      %parallel_loop3A_409 = arith.constant 0 : i32
      %parallel_loop3A_410 = arith.cmpi slt, %parallel_loop3A_397, %parallel_loop3A_409 : i32
      %parallel_loop3A_411 = arith.extui %parallel_loop3A_410 : i1 to i32
      %parallel_loop3A_412 = arith.subi %parallel_loop3A_408, %parallel_loop3A_411 : i32
      %parallel_loop3A_413 = arith.cmpi ne, %parallel_loop3A_405, %parallel_loop3A_412 : i32
      %parallel_loop3A_414 = arith.remsi %parallel_loop3A_396, %parallel_loop3A_397 : i32
      %parallel_loop3A_415 = arith.constant 0 : i32
      %parallel_loop3A_416 = arith.cmpi ne, %parallel_loop3A_414, %parallel_loop3A_415 : i32
      %parallel_loop3A_417 = arith.andi %parallel_loop3A_413, %parallel_loop3A_416 : i1
      %parallel_loop3A_418 = arith.constant 1 : i32
      %parallel_loop3A_419 = arith.subi %parallel_loop3A_398, %parallel_loop3A_418 : i32
      %parallel_loop3A_420 = arith.select %parallel_loop3A_417, %parallel_loop3A_419, %parallel_loop3A_398 : i32
      %parallel_loop3A_421 = arith.constant 128 : i32
      %parallel_loop3A_422 = arith.muli %parallel_loop3A_420, %parallel_loop3A_421 : i32
      %parallel_loop3A_423 = arith.constant 8 : i32
      %parallel_loop3A_424 = arith.constant 0 : i32
      %parallel_loop3A_425 = arith.cmpi eq, %parallel_loop3A_423, %parallel_loop3A_424 : i32
      %parallel_loop3A_426 = arith.constant 1 : i32
      %parallel_loop3A_427 = arith.select %parallel_loop3A_425, %parallel_loop3A_426, %parallel_loop3A_423 : i32
      %parallel_loop3A_428 = arith.remsi %parallel_loop3A_396, %parallel_loop3A_427 : i32
      %parallel_loop3A_429 = arith.constant 0 : i32
      %parallel_loop3A_430 = arith.cmpi ne, %parallel_loop3A_428, %parallel_loop3A_429 : i32
      %parallel_loop3A_431 = arith.constant 0 : i32
      %parallel_loop3A_432 = arith.cmpi slt, %parallel_loop3A_428, %parallel_loop3A_431 : i32
      %parallel_loop3A_433 = arith.constant 0 : i32
      %parallel_loop3A_434 = arith.cmpi slt, %parallel_loop3A_427, %parallel_loop3A_433 : i32
      %parallel_loop3A_435 = arith.xori %parallel_loop3A_432, %parallel_loop3A_434 : i1
      %parallel_loop3A_436 = arith.andi %parallel_loop3A_435, %parallel_loop3A_430 : i1
      %parallel_loop3A_437 = arith.addi %parallel_loop3A_428, %parallel_loop3A_427 : i32
      %parallel_loop3A_438 = arith.select %parallel_loop3A_436, %parallel_loop3A_437, %parallel_loop3A_428 : i32
      %parallel_loop3A_439 = arith.constant 16 : i32
      %parallel_loop3A_440 = arith.muli %parallel_loop3A_438, %parallel_loop3A_439 : i32
      %parallel_loop3A_441 = arith.addi %parallel_loop3A_422, %parallel_loop3A_440 : i32
      %parallel_loop3A_442 = arith.constant 0 : i32
      %parallel_loop3A_443 = arith.addi %parallel_loop3A_442, %parallel_loop3A_441 : i32
      %parallel_loop3A_444 = arith.index_cast %parallel_loop3A_443 : i32 to index
      %parallel_loop3A_445 = tpu.vector_load %arg5[%parallel_loop3A_444] {strides = array<i32>} : memref<12800xf32, #tpu.memory_space<vmem>>, vector<16xf32>,
      %parallel_loop3A_446 = vector.shape_cast %parallel_loop3A_445 : vector<16xf32> to vector<16xf32>
      %parallel_loop3A_447 = arith.constant 0 : i32
      %parallel_loop3A_448 = arith.index_cast %parallel_loop3A_447 : i32 to index
      %parallel_loop3A_449 = arith.index_cast %parallel_loop3A_441 : i32 to index
      %parallel_loop3A_450 = tpu.vector_load %arg6[%parallel_loop3A_448, %parallel_loop3A_449] {strides = array<i32>} : memref<8x3200xf32, #tpu.memory_space<vmem>>, vector<1x16xf32>,
      %parallel_loop3A_451 = vector.shape_cast %parallel_loop3A_450 : vector<1x16xf32> to vector<16xf32>
      %parallel_loop3A_452 = vector.shape_cast %parallel_loop3A_446 : vector<16xf32> to vector<1x16xf32>
      tpu.vector_store %arg6[%parallel_loop3A_448, %parallel_loop3A_449], %parallel_loop3A_452 {add = true, strides = array<i32>} : memref<8x3200xf32, #tpu.memory_space<vmem>>, vector<1x16xf32>,
      %parallel_loop3A_453 = arith.constant 1 : i32
      %parallel_loop3A_454 = arith.index_cast %parallel_loop3A_453 : i32 to index
      %parallel_loop3A_455 = arith.index_cast %parallel_loop3A_441 : i32 to index
      %parallel_loop3A_456 = tpu.vector_load %arg6[%parallel_loop3A_454, %parallel_loop3A_455] {strides = array<i32>} : memref<8x3200xf32, #tpu.memory_space<vmem>>, vector<1x16xf32>,
      %parallel_loop3A_457 = vector.shape_cast %parallel_loop3A_456 : vector<1x16xf32> to vector<16xf32>
      %parallel_loop3A_458 = vector.shape_cast %parallel_loop3A_446 : vector<16xf32> to vector<1x16xf32>
      tpu.vector_store %arg6[%parallel_loop3A_454, %parallel_loop3A_455], %parallel_loop3A_458 {add = true, strides = array<i32>} : memref<8x3200xf32, #tpu.memory_space<vmem>>, vector<1x16xf32>,
      %parallel_loop3A_459 = arith.constant 2 : i32
      %parallel_loop3A_460 = arith.index_cast %parallel_loop3A_459 : i32 to index
      %parallel_loop3A_461 = arith.index_cast %parallel_loop3A_441 : i32 to index
      %parallel_loop3A_462 = tpu.vector_load %arg6[%parallel_loop3A_460, %parallel_loop3A_461] {strides = array<i32>} : memref<8x3200xf32, #tpu.memory_space<vmem>>, vector<1x16xf32>,
      %parallel_loop3A_463 = vector.shape_cast %parallel_loop3A_462 : vector<1x16xf32> to vector<16xf32>
      %parallel_loop3A_464 = vector.shape_cast %parallel_loop3A_446 : vector<16xf32> to vector<1x16xf32>
      tpu.vector_store %arg6[%parallel_loop3A_460, %parallel_loop3A_461], %parallel_loop3A_464 {add = true, strides = array<i32>} : memref<8x3200xf32, #tpu.memory_space<vmem>>, vector<1x16xf32>,
      %parallel_loop3A_465 = arith.constant 3 : i32
      %parallel_loop3A_466 = arith.index_cast %parallel_loop3A_465 : i32 to index
      %parallel_loop3A_467 = arith.index_cast %parallel_loop3A_441 : i32 to index
      %parallel_loop3A_468 = tpu.vector_load %arg6[%parallel_loop3A_466, %parallel_loop3A_467] {strides = array<i32>} : memref<8x3200xf32, #tpu.memory_space<vmem>>, vector<1x16xf32>,
      %parallel_loop3A_469 = vector.shape_cast %parallel_loop3A_468 : vector<1x16xf32> to vector<16xf32>
      %parallel_loop3A_470 = vector.shape_cast %parallel_loop3A_446 : vector<16xf32> to vector<1x16xf32>
      tpu.vector_store %arg6[%parallel_loop3A_466, %parallel_loop3A_467], %parallel_loop3A_470 {add = true, strides = array<i32>} : memref<8x3200xf32, #tpu.memory_space<vmem>>, vector<1x16xf32>,
      %parallel_loop3A_471 = arith.constant 4 : i32
      %parallel_loop3A_472 = arith.index_cast %parallel_loop3A_471 : i32 to index
      %parallel_loop3A_473 = arith.index_cast %parallel_loop3A_441 : i32 to index
      %parallel_loop3A_474 = tpu.vector_load %arg6[%parallel_loop3A_472, %parallel_loop3A_473] {strides = array<i32>} : memref<8x3200xf32, #tpu.memory_space<vmem>>, vector<1x16xf32>,
      %parallel_loop3A_475 = vector.shape_cast %parallel_loop3A_474 : vector<1x16xf32> to vector<16xf32>
      %parallel_loop3A_476 = vector.shape_cast %parallel_loop3A_446 : vector<16xf32> to vector<1x16xf32>
      tpu.vector_store %arg6[%parallel_loop3A_472, %parallel_loop3A_473], %parallel_loop3A_476 {add = true, strides = array<i32>} : memref<8x3200xf32, #tpu.memory_space<vmem>>, vector<1x16xf32>,
      %parallel_loop3A_477 = arith.constant 5 : i32
      %parallel_loop3A_478 = arith.index_cast %parallel_loop3A_477 : i32 to index
      %parallel_loop3A_479 = arith.index_cast %parallel_loop3A_441 : i32 to index
      %parallel_loop3A_480 = tpu.vector_load %arg6[%parallel_loop3A_478, %parallel_loop3A_479] {strides = array<i32>} : memref<8x3200xf32, #tpu.memory_space<vmem>>, vector<1x16xf32>,
      %parallel_loop3A_481 = vector.shape_cast %parallel_loop3A_480 : vector<1x16xf32> to vector<16xf32>
      %parallel_loop3A_482 = vector.shape_cast %parallel_loop3A_446 : vector<16xf32> to vector<1x16xf32>
      tpu.vector_store %arg6[%parallel_loop3A_478, %parallel_loop3A_479], %parallel_loop3A_482 {add = true, strides = array<i32>} : memref<8x3200xf32, #tpu.memory_space<vmem>>, vector<1x16xf32>,
      %parallel_loop3A_483 = arith.constant 6 : i32
      %parallel_loop3A_484 = arith.index_cast %parallel_loop3A_483 : i32 to index
      %parallel_loop3A_485 = arith.index_cast %parallel_loop3A_441 : i32 to index
      %parallel_loop3A_486 = tpu.vector_load %arg6[%parallel_loop3A_484, %parallel_loop3A_485] {strides = array<i32>} : memref<8x3200xf32, #tpu.memory_space<vmem>>, vector<1x16xf32>,
      %parallel_loop3A_487 = vector.shape_cast %parallel_loop3A_486 : vector<1x16xf32> to vector<16xf32>
      %parallel_loop3A_488 = vector.shape_cast %parallel_loop3A_446 : vector<16xf32> to vector<1x16xf32>
      tpu.vector_store %arg6[%parallel_loop3A_484, %parallel_loop3A_485], %parallel_loop3A_488 {add = true, strides = array<i32>} : memref<8x3200xf32, #tpu.memory_space<vmem>>, vector<1x16xf32>,
      %parallel_loop3A_489 = arith.constant 7 : i32
      %parallel_loop3A_490 = arith.index_cast %parallel_loop3A_489 : i32 to index
      %parallel_loop3A_491 = arith.index_cast %parallel_loop3A_441 : i32 to index
      %parallel_loop3A_492 = tpu.vector_load %arg6[%parallel_loop3A_490, %parallel_loop3A_491] {strides = array<i32>} : memref<8x3200xf32, #tpu.memory_space<vmem>>, vector<1x16xf32>,
      %parallel_loop3A_493 = vector.shape_cast %parallel_loop3A_492 : vector<1x16xf32> to vector<16xf32>
      %parallel_loop3A_494 = vector.shape_cast %parallel_loop3A_446 : vector<16xf32> to vector<1x16xf32>
      tpu.vector_store %arg6[%parallel_loop3A_490, %parallel_loop3A_491], %parallel_loop3A_494 {add = true, strides = array<i32>} : memref<8x3200xf32, #tpu.memory_space<vmem>>, vector<1x16xf32>,
    } {sc.loop_unroll_factor = 2 : i64, sc.parallel_access}
    %mul3A_37 = arith.constant 16 : i32
    %mul3A_38 = arith.muli %add3A, %mul3A_37 : i32
    %add3A_39 = arith.constant 0 : i32
    %add3A_40 = arith.addi %mul3A_38, %add3A_39 : i32
    %mul3A_41 = arith.constant 8 : i32
    %mul3A_42 = arith.muli %add3A_40, %mul3A_41 : i32
    %dma_start3A_43 = arith.constant 0 : i32
    %dma_start3A_44 = tpu.memref_slice %arg4[%mul3A_42, %dma_start3A_43] : memref<4096x12800xf32, #tpu.memory_space<hbm>> -> memref<8x3200xf32, #tpu.memory_space<hbm>>
    %dma_start3A_45 = arith.constant 0 : i32
    %dma_start3A_46 = tpu.memref_slice %arg4[%mul3A_42, %dma_start3A_45] : memref<4096x12800xf32, #tpu.memory_space<hbm>> -> memref<8x3200xf32, #tpu.memory_space<hbm>>
    tpu.enqueue_dma source(%arg6 : memref<8x3200xf32, #tpu.memory_space<vmem>>) target(%dma_start3A_46 : memref<8x3200xf32, #tpu.memory_space<hbm>>) target_semaphore(%arg14 : memref<!tpu.dma_semaphore, #tpu.memory_space<semaphore_mem>>)
    %mul3A_47 = arith.constant 16 : i32
    %mul3A_48 = arith.muli %add3A, %mul3A_47 : i32
    %add3A_49 = arith.constant 0 : i32
    %add3A_50 = arith.addi %mul3A_48, %add3A_49 : i32
    %mul3A_51 = arith.constant 8 : i32
    %mul3A_52 = arith.muli %add3A_50, %mul3A_51 : i32
    %dma_start3A_53 = arith.constant 6400 : i32
    %dma_start3A_54 = tpu.memref_slice %arg2[%mul3A_52, %dma_start3A_53] : memref<4096x12800xf32, #tpu.memory_space<hbm>> -> memref<8x3200xf32, #tpu.memory_space<hbm>>
    %dma_start3A_55 = arith.constant 6400 : i32
    %dma_start3A_56 = tpu.memref_slice %arg2[%mul3A_52, %dma_start3A_55] : memref<4096x12800xf32, #tpu.memory_space<hbm>> -> memref<8x3200xf32, #tpu.memory_space<hbm>>
    tpu.enqueue_dma source(%dma_start3A_56 : memref<8x3200xf32, #tpu.memory_space<hbm>>) target(%arg8 : memref<8x3200xf32, #tpu.memory_space<vmem>>) target_semaphore(%arg12 : memref<!tpu.dma_semaphore, #tpu.memory_space<semaphore_mem>>)
    %mul3A_57 = arith.constant 16 : i32
    %mul3A_58 = arith.muli %add3A, %mul3A_57 : i32
    %add3A_59 = arith.constant 0 : i32
    %add3A_60 = arith.addi %mul3A_58, %add3A_59 : i32
    %mul3A_61 = arith.constant 8 : i32
    %mul3A_62 = arith.muli %add3A_60, %mul3A_61 : i32
    %dma_wait3A_63 = arith.constant 3200 : i32
    %dma_wait3A_64 = tpu.memref_slice %arg2[%mul3A_62, %dma_wait3A_63] : memref<4096x12800xf32, #tpu.memory_space<hbm>> -> memref<8x3200xf32, #tpu.memory_space<hbm>>
    %dma_wait3A_65 = arith.constant 3200 : i32
    %dma_wait3A_66 = tpu.memref_slice %arg2[%mul3A_62, %dma_wait3A_65] : memref<4096x12800xf32, #tpu.memory_space<hbm>> -> memref<8x3200xf32, #tpu.memory_space<hbm>>
    tpu.wait_dma2 semaphore(%arg11 : memref<!tpu.dma_semaphore, #tpu.memory_space<semaphore_mem>>) src(%dma_wait3A_66 : memref<8x3200xf32, #tpu.memory_space<hbm>>) dst(%arg7 : memref<8x3200xf32, #tpu.memory_space<vmem>>)
    %mul3A_67 = arith.constant 16 : i32
    %mul3A_68 = arith.muli %add3A, %mul3A_67 : i32
    %add3A_69 = arith.constant 0 : i32
    %add3A_70 = arith.addi %mul3A_68, %add3A_69 : i32
    %mul3A_71 = arith.constant 8 : i32
    %mul3A_72 = arith.muli %add3A_70, %mul3A_71 : i32
    %parallel_loop3A_73 = arith.constant 0 : i32
    %parallel_loop3A_74 = arith.constant 200 : i32
    %parallel_loop3A_75 = arith.constant 1 : i32
    scf.for %parallel_loop3A_396 = %parallel_loop3A_73 to %parallel_loop3A_74 step %parallel_loop3A_75  : i32 {
      %parallel_loop3A_397 = arith.constant 8 : i32
      %parallel_loop3A_398 = arith.divsi %parallel_loop3A_396, %parallel_loop3A_397 : i32
      %parallel_loop3A_399 = arith.constant 0 : i32
      %parallel_loop3A_400 = arith.cmpi sgt, %parallel_loop3A_396, %parallel_loop3A_399 : i32
      %parallel_loop3A_401 = arith.extui %parallel_loop3A_400 : i1 to i32
      %parallel_loop3A_402 = arith.constant 0 : i32
      %parallel_loop3A_403 = arith.cmpi slt, %parallel_loop3A_396, %parallel_loop3A_402 : i32
      %parallel_loop3A_404 = arith.extui %parallel_loop3A_403 : i1 to i32
      %parallel_loop3A_405 = arith.subi %parallel_loop3A_401, %parallel_loop3A_404 : i32
      %parallel_loop3A_406 = arith.constant 0 : i32
      %parallel_loop3A_407 = arith.cmpi sgt, %parallel_loop3A_397, %parallel_loop3A_406 : i32
      %parallel_loop3A_408 = arith.extui %parallel_loop3A_407 : i1 to i32
      %parallel_loop3A_409 = arith.constant 0 : i32
      %parallel_loop3A_410 = arith.cmpi slt, %parallel_loop3A_397, %parallel_loop3A_409 : i32
      %parallel_loop3A_411 = arith.extui %parallel_loop3A_410 : i1 to i32
      %parallel_loop3A_412 = arith.subi %parallel_loop3A_408, %parallel_loop3A_411 : i32
      %parallel_loop3A_413 = arith.cmpi ne, %parallel_loop3A_405, %parallel_loop3A_412 : i32
      %parallel_loop3A_414 = arith.remsi %parallel_loop3A_396, %parallel_loop3A_397 : i32
      %parallel_loop3A_415 = arith.constant 0 : i32
      %parallel_loop3A_416 = arith.cmpi ne, %parallel_loop3A_414, %parallel_loop3A_415 : i32
      %parallel_loop3A_417 = arith.andi %parallel_loop3A_413, %parallel_loop3A_416 : i1
      %parallel_loop3A_418 = arith.constant 1 : i32
      %parallel_loop3A_419 = arith.subi %parallel_loop3A_398, %parallel_loop3A_418 : i32
      %parallel_loop3A_420 = arith.select %parallel_loop3A_417, %parallel_loop3A_419, %parallel_loop3A_398 : i32
      %parallel_loop3A_421 = arith.constant 128 : i32
      %parallel_loop3A_422 = arith.muli %parallel_loop3A_420, %parallel_loop3A_421 : i32
      %parallel_loop3A_423 = arith.constant 8 : i32
      %parallel_loop3A_424 = arith.constant 0 : i32
      %parallel_loop3A_425 = arith.cmpi eq, %parallel_loop3A_423, %parallel_loop3A_424 : i32
      %parallel_loop3A_426 = arith.constant 1 : i32
      %parallel_loop3A_427 = arith.select %parallel_loop3A_425, %parallel_loop3A_426, %parallel_loop3A_423 : i32
      %parallel_loop3A_428 = arith.remsi %parallel_loop3A_396, %parallel_loop3A_427 : i32
      %parallel_loop3A_429 = arith.constant 0 : i32
      %parallel_loop3A_430 = arith.cmpi ne, %parallel_loop3A_428, %parallel_loop3A_429 : i32
      %parallel_loop3A_431 = arith.constant 0 : i32
      %parallel_loop3A_432 = arith.cmpi slt, %parallel_loop3A_428, %parallel_loop3A_431 : i32
      %parallel_loop3A_433 = arith.constant 0 : i32
      %parallel_loop3A_434 = arith.cmpi slt, %parallel_loop3A_427, %parallel_loop3A_433 : i32
      %parallel_loop3A_435 = arith.xori %parallel_loop3A_432, %parallel_loop3A_434 : i1
      %parallel_loop3A_436 = arith.andi %parallel_loop3A_435, %parallel_loop3A_430 : i1
      %parallel_loop3A_437 = arith.addi %parallel_loop3A_428, %parallel_loop3A_427 : i32
      %parallel_loop3A_438 = arith.select %parallel_loop3A_436, %parallel_loop3A_437, %parallel_loop3A_428 : i32
      %parallel_loop3A_439 = arith.constant 16 : i32
      %parallel_loop3A_440 = arith.muli %parallel_loop3A_438, %parallel_loop3A_439 : i32
      %parallel_loop3A_441 = arith.addi %parallel_loop3A_422, %parallel_loop3A_440 : i32
      %parallel_loop3A_442 = arith.constant 3200 : i32
      %parallel_loop3A_443 = arith.addi %parallel_loop3A_442, %parallel_loop3A_441 : i32
      %parallel_loop3A_444 = arith.index_cast %parallel_loop3A_443 : i32 to index
      %parallel_loop3A_445 = tpu.vector_load %arg5[%parallel_loop3A_444] {strides = array<i32>} : memref<12800xf32, #tpu.memory_space<vmem>>, vector<16xf32>,
      %parallel_loop3A_446 = vector.shape_cast %parallel_loop3A_445 : vector<16xf32> to vector<16xf32>
      %parallel_loop3A_447 = arith.constant 0 : i32
      %parallel_loop3A_448 = arith.index_cast %parallel_loop3A_447 : i32 to index
      %parallel_loop3A_449 = arith.index_cast %parallel_loop3A_441 : i32 to index
      %parallel_loop3A_450 = tpu.vector_load %arg7[%parallel_loop3A_448, %parallel_loop3A_449] {strides = array<i32>} : memref<8x3200xf32, #tpu.memory_space<vmem>>, vector<1x16xf32>,
      %parallel_loop3A_451 = vector.shape_cast %parallel_loop3A_450 : vector<1x16xf32> to vector<16xf32>
      %parallel_loop3A_452 = vector.shape_cast %parallel_loop3A_446 : vector<16xf32> to vector<1x16xf32>
      tpu.vector_store %arg7[%parallel_loop3A_448, %parallel_loop3A_449], %parallel_loop3A_452 {add = true, strides = array<i32>} : memref<8x3200xf32, #tpu.memory_space<vmem>>, vector<1x16xf32>,
      %parallel_loop3A_453 = arith.constant 1 : i32
      %parallel_loop3A_454 = arith.index_cast %parallel_loop3A_453 : i32 to index
      %parallel_loop3A_455 = arith.index_cast %parallel_loop3A_441 : i32 to index
      %parallel_loop3A_456 = tpu.vector_load %arg7[%parallel_loop3A_454, %parallel_loop3A_455] {strides = array<i32>} : memref<8x3200xf32, #tpu.memory_space<vmem>>, vector<1x16xf32>,
      %parallel_loop3A_457 = vector.shape_cast %parallel_loop3A_456 : vector<1x16xf32> to vector<16xf32>
      %parallel_loop3A_458 = vector.shape_cast %parallel_loop3A_446 : vector<16xf32> to vector<1x16xf32>
      tpu.vector_store %arg7[%parallel_loop3A_454, %parallel_loop3A_455], %parallel_loop3A_458 {add = true, strides = array<i32>} : memref<8x3200xf32, #tpu.memory_space<vmem>>, vector<1x16xf32>,
      %parallel_loop3A_459 = arith.constant 2 : i32
      %parallel_loop3A_460 = arith.index_cast %parallel_loop3A_459 : i32 to index
      %parallel_loop3A_461 = arith.index_cast %parallel_loop3A_441 : i32 to index
      %parallel_loop3A_462 = tpu.vector_load %arg7[%parallel_loop3A_460, %parallel_loop3A_461] {strides = array<i32>} : memref<8x3200xf32, #tpu.memory_space<vmem>>, vector<1x16xf32>,
      %parallel_loop3A_463 = vector.shape_cast %parallel_loop3A_462 : vector<1x16xf32> to vector<16xf32>
      %parallel_loop3A_464 = vector.shape_cast %parallel_loop3A_446 : vector<16xf32> to vector<1x16xf32>
      tpu.vector_store %arg7[%parallel_loop3A_460, %parallel_loop3A_461], %parallel_loop3A_464 {add = true, strides = array<i32>} : memref<8x3200xf32, #tpu.memory_space<vmem>>, vector<1x16xf32>,
      %parallel_loop3A_465 = arith.constant 3 : i32
      %parallel_loop3A_466 = arith.index_cast %parallel_loop3A_465 : i32 to index
      %parallel_loop3A_467 = arith.index_cast %parallel_loop3A_441 : i32 to index
      %parallel_loop3A_468 = tpu.vector_load %arg7[%parallel_loop3A_466, %parallel_loop3A_467] {strides = array<i32>} : memref<8x3200xf32, #tpu.memory_space<vmem>>, vector<1x16xf32>,
      %parallel_loop3A_469 = vector.shape_cast %parallel_loop3A_468 : vector<1x16xf32> to vector<16xf32>
      %parallel_loop3A_470 = vector.shape_cast %parallel_loop3A_446 : vector<16xf32> to vector<1x16xf32>
      tpu.vector_store %arg7[%parallel_loop3A_466, %parallel_loop3A_467], %parallel_loop3A_470 {add = true, strides = array<i32>} : memref<8x3200xf32, #tpu.memory_space<vmem>>, vector<1x16xf32>,
      %parallel_loop3A_471 = arith.constant 4 : i32
      %parallel_loop3A_472 = arith.index_cast %parallel_loop3A_471 : i32 to index
      %parallel_loop3A_473 = arith.index_cast %parallel_loop3A_441 : i32 to index
      %parallel_loop3A_474 = tpu.vector_load %arg7[%parallel_loop3A_472, %parallel_loop3A_473] {strides = array<i32>} : memref<8x3200xf32, #tpu.memory_space<vmem>>, vector<1x16xf32>,
      %parallel_loop3A_475 = vector.shape_cast %parallel_loop3A_474 : vector<1x16xf32> to vector<16xf32>
      %parallel_loop3A_476 = vector.shape_cast %parallel_loop3A_446 : vector<16xf32> to vector<1x16xf32>
      tpu.vector_store %arg7[%parallel_loop3A_472, %parallel_loop3A_473], %parallel_loop3A_476 {add = true, strides = array<i32>} : memref<8x3200xf32, #tpu.memory_space<vmem>>, vector<1x16xf32>,
      %parallel_loop3A_477 = arith.constant 5 : i32
      %parallel_loop3A_478 = arith.index_cast %parallel_loop3A_477 : i32 to index
      %parallel_loop3A_479 = arith.index_cast %parallel_loop3A_441 : i32 to index
      %parallel_loop3A_480 = tpu.vector_load %arg7[%parallel_loop3A_478, %parallel_loop3A_479] {strides = array<i32>} : memref<8x3200xf32, #tpu.memory_space<vmem>>, vector<1x16xf32>,
      %parallel_loop3A_481 = vector.shape_cast %parallel_loop3A_480 : vector<1x16xf32> to vector<16xf32>
      %parallel_loop3A_482 = vector.shape_cast %parallel_loop3A_446 : vector<16xf32> to vector<1x16xf32>
      tpu.vector_store %arg7[%parallel_loop3A_478, %parallel_loop3A_479], %parallel_loop3A_482 {add = true, strides = array<i32>} : memref<8x3200xf32, #tpu.memory_space<vmem>>, vector<1x16xf32>,
      %parallel_loop3A_483 = arith.constant 6 : i32
      %parallel_loop3A_484 = arith.index_cast %parallel_loop3A_483 : i32 to index
      %parallel_loop3A_485 = arith.index_cast %parallel_loop3A_441 : i32 to index
      %parallel_loop3A_486 = tpu.vector_load %arg7[%parallel_loop3A_484, %parallel_loop3A_485] {strides = array<i32>} : memref<8x3200xf32, #tpu.memory_space<vmem>>, vector<1x16xf32>,
      %parallel_loop3A_487 = vector.shape_cast %parallel_loop3A_486 : vector<1x16xf32> to vector<16xf32>
      %parallel_loop3A_488 = vector.shape_cast %parallel_loop3A_446 : vector<16xf32> to vector<1x16xf32>
      tpu.vector_store %arg7[%parallel_loop3A_484, %parallel_loop3A_485], %parallel_loop3A_488 {add = true, strides = array<i32>} : memref<8x3200xf32, #tpu.memory_space<vmem>>, vector<1x16xf32>,
      %parallel_loop3A_489 = arith.constant 7 : i32
      %parallel_loop3A_490 = arith.index_cast %parallel_loop3A_489 : i32 to index
      %parallel_loop3A_491 = arith.index_cast %parallel_loop3A_441 : i32 to index
      %parallel_loop3A_492 = tpu.vector_load %arg7[%parallel_loop3A_490, %parallel_loop3A_491] {strides = array<i32>} : memref<8x3200xf32, #tpu.memory_space<vmem>>, vector<1x16xf32>,
      %parallel_loop3A_493 = vector.shape_cast %parallel_loop3A_492 : vector<1x16xf32> to vector<16xf32>
      %parallel_loop3A_494 = vector.shape_cast %parallel_loop3A_446 : vector<16xf32> to vector<1x16xf32>
      tpu.vector_store %arg7[%parallel_loop3A_490, %parallel_loop3A_491], %parallel_loop3A_494 {add = true, strides = array<i32>} : memref<8x3200xf32, #tpu.memory_space<vmem>>, vector<1x16xf32>,
    } {sc.loop_unroll_factor = 2 : i64, sc.parallel_access}
    %mul3A_76 = arith.constant 16 : i32
    %mul3A_77 = arith.muli %add3A, %mul3A_76 : i32
    %add3A_78 = arith.constant 0 : i32
    %add3A_79 = arith.addi %mul3A_77, %add3A_78 : i32
    %mul3A_80 = arith.constant 8 : i32
    %mul3A_81 = arith.muli %add3A_79, %mul3A_80 : i32
    %dma_start3A_82 = arith.constant 3200 : i32
    %dma_start3A_83 = tpu.memref_slice %arg4[%mul3A_81, %dma_start3A_82] : memref<4096x12800xf32, #tpu.memory_space<hbm>> -> memref<8x3200xf32, #tpu.memory_space<hbm>>
    %dma_start3A_84 = arith.constant 3200 : i32
    %dma_start3A_85 = tpu.memref_slice %arg4[%mul3A_81, %dma_start3A_84] : memref<4096x12800xf32, #tpu.memory_space<hbm>> -> memref<8x3200xf32, #tpu.memory_space<hbm>>
    tpu.enqueue_dma source(%arg7 : memref<8x3200xf32, #tpu.memory_space<vmem>>) target(%dma_start3A_85 : memref<8x3200xf32, #tpu.memory_space<hbm>>) target_semaphore(%arg15 : memref<!tpu.dma_semaphore, #tpu.memory_space<semaphore_mem>>)
    %mul3A_86 = arith.constant 16 : i32
    %mul3A_87 = arith.muli %add3A, %mul3A_86 : i32
    %add3A_88 = arith.constant 0 : i32
    %add3A_89 = arith.addi %mul3A_87, %add3A_88 : i32
    %mul3A_90 = arith.constant 8 : i32
    %mul3A_91 = arith.muli %add3A_89, %mul3A_90 : i32
    %dma_start3A_92 = arith.constant 9600 : i32
    %dma_start3A_93 = tpu.memref_slice %arg2[%mul3A_91, %dma_start3A_92] : memref<4096x12800xf32, #tpu.memory_space<hbm>> -> memref<8x3200xf32, #tpu.memory_space<hbm>>
    %dma_start3A_94 = arith.constant 9600 : i32
    %dma_start3A_95 = tpu.memref_slice %arg2[%mul3A_91, %dma_start3A_94] : memref<4096x12800xf32, #tpu.memory_space<hbm>> -> memref<8x3200xf32, #tpu.memory_space<hbm>>
    tpu.enqueue_dma source(%dma_start3A_95 : memref<8x3200xf32, #tpu.memory_space<hbm>>) target(%arg9 : memref<8x3200xf32, #tpu.memory_space<vmem>>) target_semaphore(%arg13 : memref<!tpu.dma_semaphore, #tpu.memory_space<semaphore_mem>>)
    %mul3A_96 = arith.constant 16 : i32
    %mul3A_97 = arith.muli %add3A, %mul3A_96 : i32
    %add3A_98 = arith.constant 0 : i32
    %add3A_99 = arith.addi %mul3A_97, %add3A_98 : i32
    %mul3A_100 = arith.constant 8 : i32
    %mul3A_101 = arith.muli %add3A_99, %mul3A_100 : i32
    %dma_wait3A_102 = arith.constant 6400 : i32
    %dma_wait3A_103 = tpu.memref_slice %arg2[%mul3A_101, %dma_wait3A_102] : memref<4096x12800xf32, #tpu.memory_space<hbm>> -> memref<8x3200xf32, #tpu.memory_space<hbm>>
    %dma_wait3A_104 = arith.constant 6400 : i32
    %dma_wait3A_105 = tpu.memref_slice %arg2[%mul3A_101, %dma_wait3A_104] : memref<4096x12800xf32, #tpu.memory_space<hbm>> -> memref<8x3200xf32, #tpu.memory_space<hbm>>
    tpu.wait_dma2 semaphore(%arg12 : memref<!tpu.dma_semaphore, #tpu.memory_space<semaphore_mem>>) src(%dma_wait3A_105 : memref<8x3200xf32, #tpu.memory_space<hbm>>) dst(%arg8 : memref<8x3200xf32, #tpu.memory_space<vmem>>)
    %mul3A_106 = arith.constant 16 : i32
    %mul3A_107 = arith.muli %add3A, %mul3A_106 : i32
    %add3A_108 = arith.constant 0 : i32
    %add3A_109 = arith.addi %mul3A_107, %add3A_108 : i32
    %mul3A_110 = arith.constant 8 : i32
    %mul3A_111 = arith.muli %add3A_109, %mul3A_110 : i32
    %parallel_loop3A_112 = arith.constant 0 : i32
    %parallel_loop3A_113 = arith.constant 200 : i32
    %parallel_loop3A_114 = arith.constant 1 : i32
    scf.for %parallel_loop3A_396 = %parallel_loop3A_112 to %parallel_loop3A_113 step %parallel_loop3A_114  : i32 {
      %parallel_loop3A_397 = arith.constant 8 : i32
      %parallel_loop3A_398 = arith.divsi %parallel_loop3A_396, %parallel_loop3A_397 : i32
      %parallel_loop3A_399 = arith.constant 0 : i32
      %parallel_loop3A_400 = arith.cmpi sgt, %parallel_loop3A_396, %parallel_loop3A_399 : i32
      %parallel_loop3A_401 = arith.extui %parallel_loop3A_400 : i1 to i32
      %parallel_loop3A_402 = arith.constant 0 : i32
      %parallel_loop3A_403 = arith.cmpi slt, %parallel_loop3A_396, %parallel_loop3A_402 : i32
      %parallel_loop3A_404 = arith.extui %parallel_loop3A_403 : i1 to i32
      %parallel_loop3A_405 = arith.subi %parallel_loop3A_401, %parallel_loop3A_404 : i32
      %parallel_loop3A_406 = arith.constant 0 : i32
      %parallel_loop3A_407 = arith.cmpi sgt, %parallel_loop3A_397, %parallel_loop3A_406 : i32
      %parallel_loop3A_408 = arith.extui %parallel_loop3A_407 : i1 to i32
      %parallel_loop3A_409 = arith.constant 0 : i32
      %parallel_loop3A_410 = arith.cmpi slt, %parallel_loop3A_397, %parallel_loop3A_409 : i32
      %parallel_loop3A_411 = arith.extui %parallel_loop3A_410 : i1 to i32
      %parallel_loop3A_412 = arith.subi %parallel_loop3A_408, %parallel_loop3A_411 : i32
      %parallel_loop3A_413 = arith.cmpi ne, %parallel_loop3A_405, %parallel_loop3A_412 : i32
      %parallel_loop3A_414 = arith.remsi %parallel_loop3A_396, %parallel_loop3A_397 : i32
      %parallel_loop3A_415 = arith.constant 0 : i32
      %parallel_loop3A_416 = arith.cmpi ne, %parallel_loop3A_414, %parallel_loop3A_415 : i32
      %parallel_loop3A_417 = arith.andi %parallel_loop3A_413, %parallel_loop3A_416 : i1
      %parallel_loop3A_418 = arith.constant 1 : i32
      %parallel_loop3A_419 = arith.subi %parallel_loop3A_398, %parallel_loop3A_418 : i32
      %parallel_loop3A_420 = arith.select %parallel_loop3A_417, %parallel_loop3A_419, %parallel_loop3A_398 : i32
      %parallel_loop3A_421 = arith.constant 128 : i32
      %parallel_loop3A_422 = arith.muli %parallel_loop3A_420, %parallel_loop3A_421 : i32
      %parallel_loop3A_423 = arith.constant 8 : i32
      %parallel_loop3A_424 = arith.constant 0 : i32
      %parallel_loop3A_425 = arith.cmpi eq, %parallel_loop3A_423, %parallel_loop3A_424 : i32
      %parallel_loop3A_426 = arith.constant 1 : i32
      %parallel_loop3A_427 = arith.select %parallel_loop3A_425, %parallel_loop3A_426, %parallel_loop3A_423 : i32
      %parallel_loop3A_428 = arith.remsi %parallel_loop3A_396, %parallel_loop3A_427 : i32
      %parallel_loop3A_429 = arith.constant 0 : i32
      %parallel_loop3A_430 = arith.cmpi ne, %parallel_loop3A_428, %parallel_loop3A_429 : i32
      %parallel_loop3A_431 = arith.constant 0 : i32
      %parallel_loop3A_432 = arith.cmpi slt, %parallel_loop3A_428, %parallel_loop3A_431 : i32
      %parallel_loop3A_433 = arith.constant 0 : i32
      %parallel_loop3A_434 = arith.cmpi slt, %parallel_loop3A_427, %parallel_loop3A_433 : i32
      %parallel_loop3A_435 = arith.xori %parallel_loop3A_432, %parallel_loop3A_434 : i1
      %parallel_loop3A_436 = arith.andi %parallel_loop3A_435, %parallel_loop3A_430 : i1
      %parallel_loop3A_437 = arith.addi %parallel_loop3A_428, %parallel_loop3A_427 : i32
      %parallel_loop3A_438 = arith.select %parallel_loop3A_436, %parallel_loop3A_437, %parallel_loop3A_428 : i32
      %parallel_loop3A_439 = arith.constant 16 : i32
      %parallel_loop3A_440 = arith.muli %parallel_loop3A_438, %parallel_loop3A_439 : i32
      %parallel_loop3A_441 = arith.addi %parallel_loop3A_422, %parallel_loop3A_440 : i32
      %parallel_loop3A_442 = arith.constant 6400 : i32
      %parallel_loop3A_443 = arith.addi %parallel_loop3A_442, %parallel_loop3A_441 : i32
      %parallel_loop3A_444 = arith.index_cast %parallel_loop3A_443 : i32 to index
      %parallel_loop3A_445 = tpu.vector_load %arg5[%parallel_loop3A_444] {strides = array<i32>} : memref<12800xf32, #tpu.memory_space<vmem>>, vector<16xf32>,
      %parallel_loop3A_446 = vector.shape_cast %parallel_loop3A_445 : vector<16xf32> to vector<16xf32>
      %parallel_loop3A_447 = arith.constant 0 : i32
      %parallel_loop3A_448 = arith.index_cast %parallel_loop3A_447 : i32 to index
      %parallel_loop3A_449 = arith.index_cast %parallel_loop3A_441 : i32 to index
      %parallel_loop3A_450 = tpu.vector_load %arg8[%parallel_loop3A_448, %parallel_loop3A_449] {strides = array<i32>} : memref<8x3200xf32, #tpu.memory_space<vmem>>, vector<1x16xf32>,
      %parallel_loop3A_451 = vector.shape_cast %parallel_loop3A_450 : vector<1x16xf32> to vector<16xf32>
      %parallel_loop3A_452 = vector.shape_cast %parallel_loop3A_446 : vector<16xf32> to vector<1x16xf32>
      tpu.vector_store %arg8[%parallel_loop3A_448, %parallel_loop3A_449], %parallel_loop3A_452 {add = true, strides = array<i32>} : memref<8x3200xf32, #tpu.memory_space<vmem>>, vector<1x16xf32>,
      %parallel_loop3A_453 = arith.constant 1 : i32
      %parallel_loop3A_454 = arith.index_cast %parallel_loop3A_453 : i32 to index
      %parallel_loop3A_455 = arith.index_cast %parallel_loop3A_441 : i32 to index
      %parallel_loop3A_456 = tpu.vector_load %arg8[%parallel_loop3A_454, %parallel_loop3A_455] {strides = array<i32>} : memref<8x3200xf32, #tpu.memory_space<vmem>>, vector<1x16xf32>,
      %parallel_loop3A_457 = vector.shape_cast %parallel_loop3A_456 : vector<1x16xf32> to vector<16xf32>
      %parallel_loop3A_458 = vector.shape_cast %parallel_loop3A_446 : vector<16xf32> to vector<1x16xf32>
      tpu.vector_store %arg8[%parallel_loop3A_454, %parallel_loop3A_455], %parallel_loop3A_458 {add = true, strides = array<i32>} : memref<8x3200xf32, #tpu.memory_space<vmem>>, vector<1x16xf32>,
      %parallel_loop3A_459 = arith.constant 2 : i32
      %parallel_loop3A_460 = arith.index_cast %parallel_loop3A_459 : i32 to index
      %parallel_loop3A_461 = arith.index_cast %parallel_loop3A_441 : i32 to index
      %parallel_loop3A_462 = tpu.vector_load %arg8[%parallel_loop3A_460, %parallel_loop3A_461] {strides = array<i32>} : memref<8x3200xf32, #tpu.memory_space<vmem>>, vector<1x16xf32>,
      %parallel_loop3A_463 = vector.shape_cast %parallel_loop3A_462 : vector<1x16xf32> to vector<16xf32>
      %parallel_loop3A_464 = vector.shape_cast %parallel_loop3A_446 : vector<16xf32> to vector<1x16xf32>
      tpu.vector_store %arg8[%parallel_loop3A_460, %parallel_loop3A_461], %parallel_loop3A_464 {add = true, strides = array<i32>} : memref<8x3200xf32, #tpu.memory_space<vmem>>, vector<1x16xf32>,
      %parallel_loop3A_465 = arith.constant 3 : i32
      %parallel_loop3A_466 = arith.index_cast %parallel_loop3A_465 : i32 to index
      %parallel_loop3A_467 = arith.index_cast %parallel_loop3A_441 : i32 to index
      %parallel_loop3A_468 = tpu.vector_load %arg8[%parallel_loop3A_466, %parallel_loop3A_467] {strides = array<i32>} : memref<8x3200xf32, #tpu.memory_space<vmem>>, vector<1x16xf32>,
      %parallel_loop3A_469 = vector.shape_cast %parallel_loop3A_468 : vector<1x16xf32> to vector<16xf32>
      %parallel_loop3A_470 = vector.shape_cast %parallel_loop3A_446 : vector<16xf32> to vector<1x16xf32>
      tpu.vector_store %arg8[%parallel_loop3A_466, %parallel_loop3A_467], %parallel_loop3A_470 {add = true, strides = array<i32>} : memref<8x3200xf32, #tpu.memory_space<vmem>>, vector<1x16xf32>,
      %parallel_loop3A_471 = arith.constant 4 : i32
      %parallel_loop3A_472 = arith.index_cast %parallel_loop3A_471 : i32 to index
      %parallel_loop3A_473 = arith.index_cast %parallel_loop3A_441 : i32 to index
      %parallel_loop3A_474 = tpu.vector_load %arg8[%parallel_loop3A_472, %parallel_loop3A_473] {strides = array<i32>} : memref<8x3200xf32, #tpu.memory_space<vmem>>, vector<1x16xf32>,
      %parallel_loop3A_475 = vector.shape_cast %parallel_loop3A_474 : vector<1x16xf32> to vector<16xf32>
      %parallel_loop3A_476 = vector.shape_cast %parallel_loop3A_446 : vector<16xf32> to vector<1x16xf32>
      tpu.vector_store %arg8[%parallel_loop3A_472, %parallel_loop3A_473], %parallel_loop3A_476 {add = true, strides = array<i32>} : memref<8x3200xf32, #tpu.memory_space<vmem>>, vector<1x16xf32>,
      %parallel_loop3A_477 = arith.constant 5 : i32
      %parallel_loop3A_478 = arith.index_cast %parallel_loop3A_477 : i32 to index
      %parallel_loop3A_479 = arith.index_cast %parallel_loop3A_441 : i32 to index
      %parallel_loop3A_480 = tpu.vector_load %arg8[%parallel_loop3A_478, %parallel_loop3A_479] {strides = array<i32>} : memref<8x3200xf32, #tpu.memory_space<vmem>>, vector<1x16xf32>,
      %parallel_loop3A_481 = vector.shape_cast %parallel_loop3A_480 : vector<1x16xf32> to vector<16xf32>
      %parallel_loop3A_482 = vector.shape_cast %parallel_loop3A_446 : vector<16xf32> to vector<1x16xf32>
      tpu.vector_store %arg8[%parallel_loop3A_478, %parallel_loop3A_479], %parallel_loop3A_482 {add = true, strides = array<i32>} : memref<8x3200xf32, #tpu.memory_space<vmem>>, vector<1x16xf32>,
      %parallel_loop3A_483 = arith.constant 6 : i32
      %parallel_loop3A_484 = arith.index_cast %parallel_loop3A_483 : i32 to index
      %parallel_loop3A_485 = arith.index_cast %parallel_loop3A_441 : i32 to index
      %parallel_loop3A_486 = tpu.vector_load %arg8[%parallel_loop3A_484, %parallel_loop3A_485] {strides = array<i32>} : memref<8x3200xf32, #tpu.memory_space<vmem>>, vector<1x16xf32>,
      %parallel_loop3A_487 = vector.shape_cast %parallel_loop3A_486 : vector<1x16xf32> to vector<16xf32>
      %parallel_loop3A_488 = vector.shape_cast %parallel_loop3A_446 : vector<16xf32> to vector<1x16xf32>
      tpu.vector_store %arg8[%parallel_loop3A_484, %parallel_loop3A_485], %parallel_loop3A_488 {add = true, strides = array<i32>} : memref<8x3200xf32, #tpu.memory_space<vmem>>, vector<1x16xf32>,
      %parallel_loop3A_489 = arith.constant 7 : i32
      %parallel_loop3A_490 = arith.index_cast %parallel_loop3A_489 : i32 to index
      %parallel_loop3A_491 = arith.index_cast %parallel_loop3A_441 : i32 to index
      %parallel_loop3A_492 = tpu.vector_load %arg8[%parallel_loop3A_490, %parallel_loop3A_491] {strides = array<i32>} : memref<8x3200xf32, #tpu.memory_space<vmem>>, vector<1x16xf32>,
      %parallel_loop3A_493 = vector.shape_cast %parallel_loop3A_492 : vector<1x16xf32> to vector<16xf32>
      %parallel_loop3A_494 = vector.shape_cast %parallel_loop3A_446 : vector<16xf32> to vector<1x16xf32>
      tpu.vector_store %arg8[%parallel_loop3A_490, %parallel_loop3A_491], %parallel_loop3A_494 {add = true, strides = array<i32>} : memref<8x3200xf32, #tpu.memory_space<vmem>>, vector<1x16xf32>,
    } {sc.loop_unroll_factor = 2 : i64, sc.parallel_access}
    %mul3A_115 = arith.constant 16 : i32
    %mul3A_116 = arith.muli %add3A, %mul3A_115 : i32
    %add3A_117 = arith.constant 0 : i32
    %add3A_118 = arith.addi %mul3A_116, %add3A_117 : i32
    %mul3A_119 = arith.constant 8 : i32
    %mul3A_120 = arith.muli %add3A_118, %mul3A_119 : i32
    %dma_start3A_121 = arith.constant 6400 : i32
    %dma_start3A_122 = tpu.memref_slice %arg4[%mul3A_120, %dma_start3A_121] : memref<4096x12800xf32, #tpu.memory_space<hbm>> -> memref<8x3200xf32, #tpu.memory_space<hbm>>
    %dma_start3A_123 = arith.constant 6400 : i32
    %dma_start3A_124 = tpu.memref_slice %arg4[%mul3A_120, %dma_start3A_123] : memref<4096x12800xf32, #tpu.memory_space<hbm>> -> memref<8x3200xf32, #tpu.memory_space<hbm>>
    tpu.enqueue_dma source(%arg8 : memref<8x3200xf32, #tpu.memory_space<vmem>>) target(%dma_start3A_124 : memref<8x3200xf32, #tpu.memory_space<hbm>>) target_semaphore(%arg16 : memref<!tpu.dma_semaphore, #tpu.memory_space<semaphore_mem>>)
    %mul3A_125 = arith.constant 16 : i32
    %mul3A_126 = arith.muli %add3A, %mul3A_125 : i32
    %add3A_127 = arith.constant 0 : i32
    %add3A_128 = arith.addi %mul3A_126, %add3A_127 : i32
    %mul3A_129 = arith.constant 8 : i32
    %mul3A_130 = arith.muli %add3A_128, %mul3A_129 : i32
    %dma_wait3A_131 = arith.constant 0 : i32
    %dma_wait3A_132 = tpu.memref_slice %arg4[%mul3A_130, %dma_wait3A_131] : memref<4096x12800xf32, #tpu.memory_space<hbm>> -> memref<8x3200xf32, #tpu.memory_space<hbm>>
    %dma_wait3A_133 = arith.constant 0 : i32
    %dma_wait3A_134 = tpu.memref_slice %arg4[%mul3A_130, %dma_wait3A_133] : memref<4096x12800xf32, #tpu.memory_space<hbm>> -> memref<8x3200xf32, #tpu.memory_space<hbm>>
    tpu.wait_dma2 semaphore(%arg14 : memref<!tpu.dma_semaphore, #tpu.memory_space<semaphore_mem>>) src(%arg6 : memref<8x3200xf32, #tpu.memory_space<vmem>>) dst(%dma_wait3A_134 : memref<8x3200xf32, #tpu.memory_space<hbm>>)
    %mul3A_135 = arith.constant 16 : i32
    %mul3A_136 = arith.muli %add3A, %mul3A_135 : i32
    %add3A_137 = arith.constant 1 : i32
    %add3A_138 = arith.addi %mul3A_136, %add3A_137 : i32
    %mul3A_139 = arith.constant 8 : i32
    %mul3A_140 = arith.muli %add3A_138, %mul3A_139 : i32
    %dma_start3A_141 = arith.constant 0 : i32
    %dma_start3A_142 = tpu.memref_slice %arg2[%mul3A_140, %dma_start3A_141] : memref<4096x12800xf32, #tpu.memory_space<hbm>> -> memref<8x3200xf32, #tpu.memory_space<hbm>>
    %dma_start3A_143 = arith.constant 0 : i32
    %dma_start3A_144 = tpu.memref_slice %arg2[%mul3A_140, %dma_start3A_143] : memref<4096x12800xf32, #tpu.memory_space<hbm>> -> memref<8x3200xf32, #tpu.memory_space<hbm>>
    tpu.enqueue_dma source(%dma_start3A_144 : memref<8x3200xf32, #tpu.memory_space<hbm>>) target(%arg6 : memref<8x3200xf32, #tpu.memory_space<vmem>>) target_semaphore(%arg10 : memref<!tpu.dma_semaphore, #tpu.memory_space<semaphore_mem>>)
    %mul3A_145 = arith.constant 16 : i32
    %mul3A_146 = arith.muli %add3A, %mul3A_145 : i32
    %add3A_147 = arith.constant 0 : i32
    %add3A_148 = arith.addi %mul3A_146, %add3A_147 : i32
    %mul3A_149 = arith.constant 8 : i32
    %mul3A_150 = arith.muli %add3A_148, %mul3A_149 : i32
    %dma_wait3A_151 = arith.constant 9600 : i32
    %dma_wait3A_152 = tpu.memref_slice %arg2[%mul3A_150, %dma_wait3A_151] : memref<4096x12800xf32, #tpu.memory_space<hbm>> -> memref<8x3200xf32, #tpu.memory_space<hbm>>
    %dma_wait3A_153 = arith.constant 9600 : i32
    %dma_wait3A_154 = tpu.memref_slice %arg2[%mul3A_150, %dma_wait3A_153] : memref<4096x12800xf32, #tpu.memory_space<hbm>> -> memref<8x3200xf32, #tpu.memory_space<hbm>>
    tpu.wait_dma2 semaphore(%arg13 : memref<!tpu.dma_semaphore, #tpu.memory_space<semaphore_mem>>) src(%dma_wait3A_154 : memref<8x3200xf32, #tpu.memory_space<hbm>>) dst(%arg9 : memref<8x3200xf32, #tpu.memory_space<vmem>>)
    %mul3A_155 = arith.constant 16 : i32
    %mul3A_156 = arith.muli %add3A, %mul3A_155 : i32
    %add3A_157 = arith.constant 0 : i32
    %add3A_158 = arith.addi %mul3A_156, %add3A_157 : i32
    %mul3A_159 = arith.constant 8 : i32
    %mul3A_160 = arith.muli %add3A_158, %mul3A_159 : i32
    %parallel_loop3A_161 = arith.constant 0 : i32
    %parallel_loop3A_162 = arith.constant 200 : i32
    %parallel_loop3A_163 = arith.constant 1 : i32
    scf.for %parallel_loop3A_396 = %parallel_loop3A_161 to %parallel_loop3A_162 step %parallel_loop3A_163  : i32 {
      %parallel_loop3A_397 = arith.constant 8 : i32
      %parallel_loop3A_398 = arith.divsi %parallel_loop3A_396, %parallel_loop3A_397 : i32
      %parallel_loop3A_399 = arith.constant 0 : i32
      %parallel_loop3A_400 = arith.cmpi sgt, %parallel_loop3A_396, %parallel_loop3A_399 : i32
      %parallel_loop3A_401 = arith.extui %parallel_loop3A_400 : i1 to i32
      %parallel_loop3A_402 = arith.constant 0 : i32
      %parallel_loop3A_403 = arith.cmpi slt, %parallel_loop3A_396, %parallel_loop3A_402 : i32
      %parallel_loop3A_404 = arith.extui %parallel_loop3A_403 : i1 to i32
      %parallel_loop3A_405 = arith.subi %parallel_loop3A_401, %parallel_loop3A_404 : i32
      %parallel_loop3A_406 = arith.constant 0 : i32
      %parallel_loop3A_407 = arith.cmpi sgt, %parallel_loop3A_397, %parallel_loop3A_406 : i32
      %parallel_loop3A_408 = arith.extui %parallel_loop3A_407 : i1 to i32
      %parallel_loop3A_409 = arith.constant 0 : i32
      %parallel_loop3A_410 = arith.cmpi slt, %parallel_loop3A_397, %parallel_loop3A_409 : i32
      %parallel_loop3A_411 = arith.extui %parallel_loop3A_410 : i1 to i32
      %parallel_loop3A_412 = arith.subi %parallel_loop3A_408, %parallel_loop3A_411 : i32
      %parallel_loop3A_413 = arith.cmpi ne, %parallel_loop3A_405, %parallel_loop3A_412 : i32
      %parallel_loop3A_414 = arith.remsi %parallel_loop3A_396, %parallel_loop3A_397 : i32
      %parallel_loop3A_415 = arith.constant 0 : i32
      %parallel_loop3A_416 = arith.cmpi ne, %parallel_loop3A_414, %parallel_loop3A_415 : i32
      %parallel_loop3A_417 = arith.andi %parallel_loop3A_413, %parallel_loop3A_416 : i1
      %parallel_loop3A_418 = arith.constant 1 : i32
      %parallel_loop3A_419 = arith.subi %parallel_loop3A_398, %parallel_loop3A_418 : i32
      %parallel_loop3A_420 = arith.select %parallel_loop3A_417, %parallel_loop3A_419, %parallel_loop3A_398 : i32
      %parallel_loop3A_421 = arith.constant 128 : i32
      %parallel_loop3A_422 = arith.muli %parallel_loop3A_420, %parallel_loop3A_421 : i32
      %parallel_loop3A_423 = arith.constant 8 : i32
      %parallel_loop3A_424 = arith.constant 0 : i32
      %parallel_loop3A_425 = arith.cmpi eq, %parallel_loop3A_423, %parallel_loop3A_424 : i32
      %parallel_loop3A_426 = arith.constant 1 : i32
      %parallel_loop3A_427 = arith.select %parallel_loop3A_425, %parallel_loop3A_426, %parallel_loop3A_423 : i32
      %parallel_loop3A_428 = arith.remsi %parallel_loop3A_396, %parallel_loop3A_427 : i32
      %parallel_loop3A_429 = arith.constant 0 : i32
      %parallel_loop3A_430 = arith.cmpi ne, %parallel_loop3A_428, %parallel_loop3A_429 : i32
      %parallel_loop3A_431 = arith.constant 0 : i32
      %parallel_loop3A_432 = arith.cmpi slt, %parallel_loop3A_428, %parallel_loop3A_431 : i32
      %parallel_loop3A_433 = arith.constant 0 : i32
      %parallel_loop3A_434 = arith.cmpi slt, %parallel_loop3A_427, %parallel_loop3A_433 : i32
      %parallel_loop3A_435 = arith.xori %parallel_loop3A_432, %parallel_loop3A_434 : i1
      %parallel_loop3A_436 = arith.andi %parallel_loop3A_435, %parallel_loop3A_430 : i1
      %parallel_loop3A_437 = arith.addi %parallel_loop3A_428, %parallel_loop3A_427 : i32
      %parallel_loop3A_438 = arith.select %parallel_loop3A_436, %parallel_loop3A_437, %parallel_loop3A_428 : i32
      %parallel_loop3A_439 = arith.constant 16 : i32
      %parallel_loop3A_440 = arith.muli %parallel_loop3A_438, %parallel_loop3A_439 : i32
      %parallel_loop3A_441 = arith.addi %parallel_loop3A_422, %parallel_loop3A_440 : i32
      %parallel_loop3A_442 = arith.constant 9600 : i32
      %parallel_loop3A_443 = arith.addi %parallel_loop3A_442, %parallel_loop3A_441 : i32
      %parallel_loop3A_444 = arith.index_cast %parallel_loop3A_443 : i32 to index
      %parallel_loop3A_445 = tpu.vector_load %arg5[%parallel_loop3A_444] {strides = array<i32>} : memref<12800xf32, #tpu.memory_space<vmem>>, vector<16xf32>,
      %parallel_loop3A_446 = vector.shape_cast %parallel_loop3A_445 : vector<16xf32> to vector<16xf32>
      %parallel_loop3A_447 = arith.constant 0 : i32
      %parallel_loop3A_448 = arith.index_cast %parallel_loop3A_447 : i32 to index
      %parallel_loop3A_449 = arith.index_cast %parallel_loop3A_441 : i32 to index
      %parallel_loop3A_450 = tpu.vector_load %arg9[%parallel_loop3A_448, %parallel_loop3A_449] {strides = array<i32>} : memref<8x3200xf32, #tpu.memory_space<vmem>>, vector<1x16xf32>,
      %parallel_loop3A_451 = vector.shape_cast %parallel_loop3A_450 : vector<1x16xf32> to vector<16xf32>
      %parallel_loop3A_452 = vector.shape_cast %parallel_loop3A_446 : vector<16xf32> to vector<1x16xf32>
      tpu.vector_store %arg9[%parallel_loop3A_448, %parallel_loop3A_449], %parallel_loop3A_452 {add = true, strides = array<i32>} : memref<8x3200xf32, #tpu.memory_space<vmem>>, vector<1x16xf32>,
      %parallel_loop3A_453 = arith.constant 1 : i32
      %parallel_loop3A_454 = arith.index_cast %parallel_loop3A_453 : i32 to index
      %parallel_loop3A_455 = arith.index_cast %parallel_loop3A_441 : i32 to index
      %parallel_loop3A_456 = tpu.vector_load %arg9[%parallel_loop3A_454, %parallel_loop3A_455] {strides = array<i32>} : memref<8x3200xf32, #tpu.memory_space<vmem>>, vector<1x16xf32>,
      %parallel_loop3A_457 = vector.shape_cast %parallel_loop3A_456 : vector<1x16xf32> to vector<16xf32>
      %parallel_loop3A_458 = vector.shape_cast %parallel_loop3A_446 : vector<16xf32> to vector<1x16xf32>
      tpu.vector_store %arg9[%parallel_loop3A_454, %parallel_loop3A_455], %parallel_loop3A_458 {add = true, strides = array<i32>} : memref<8x3200xf32, #tpu.memory_space<vmem>>, vector<1x16xf32>,
      %parallel_loop3A_459 = arith.constant 2 : i32
      %parallel_loop3A_460 = arith.index_cast %parallel_loop3A_459 : i32 to index
      %parallel_loop3A_461 = arith.index_cast %parallel_loop3A_441 : i32 to index
      %parallel_loop3A_462 = tpu.vector_load %arg9[%parallel_loop3A_460, %parallel_loop3A_461] {strides = array<i32>} : memref<8x3200xf32, #tpu.memory_space<vmem>>, vector<1x16xf32>,
      %parallel_loop3A_463 = vector.shape_cast %parallel_loop3A_462 : vector<1x16xf32> to vector<16xf32>
      %parallel_loop3A_464 = vector.shape_cast %parallel_loop3A_446 : vector<16xf32> to vector<1x16xf32>
      tpu.vector_store %arg9[%parallel_loop3A_460, %parallel_loop3A_461], %parallel_loop3A_464 {add = true, strides = array<i32>} : memref<8x3200xf32, #tpu.memory_space<vmem>>, vector<1x16xf32>,
      %parallel_loop3A_465 = arith.constant 3 : i32
      %parallel_loop3A_466 = arith.index_cast %parallel_loop3A_465 : i32 to index
      %parallel_loop3A_467 = arith.index_cast %parallel_loop3A_441 : i32 to index
      %parallel_loop3A_468 = tpu.vector_load %arg9[%parallel_loop3A_466, %parallel_loop3A_467] {strides = array<i32>} : memref<8x3200xf32, #tpu.memory_space<vmem>>, vector<1x16xf32>,
      %parallel_loop3A_469 = vector.shape_cast %parallel_loop3A_468 : vector<1x16xf32> to vector<16xf32>
      %parallel_loop3A_470 = vector.shape_cast %parallel_loop3A_446 : vector<16xf32> to vector<1x16xf32>
      tpu.vector_store %arg9[%parallel_loop3A_466, %parallel_loop3A_467], %parallel_loop3A_470 {add = true, strides = array<i32>} : memref<8x3200xf32, #tpu.memory_space<vmem>>, vector<1x16xf32>,
      %parallel_loop3A_471 = arith.constant 4 : i32
      %parallel_loop3A_472 = arith.index_cast %parallel_loop3A_471 : i32 to index
      %parallel_loop3A_473 = arith.index_cast %parallel_loop3A_441 : i32 to index
      %parallel_loop3A_474 = tpu.vector_load %arg9[%parallel_loop3A_472, %parallel_loop3A_473] {strides = array<i32>} : memref<8x3200xf32, #tpu.memory_space<vmem>>, vector<1x16xf32>,
      %parallel_loop3A_475 = vector.shape_cast %parallel_loop3A_474 : vector<1x16xf32> to vector<16xf32>
      %parallel_loop3A_476 = vector.shape_cast %parallel_loop3A_446 : vector<16xf32> to vector<1x16xf32>
      tpu.vector_store %arg9[%parallel_loop3A_472, %parallel_loop3A_473], %parallel_loop3A_476 {add = true, strides = array<i32>} : memref<8x3200xf32, #tpu.memory_space<vmem>>, vector<1x16xf32>,
      %parallel_loop3A_477 = arith.constant 5 : i32
      %parallel_loop3A_478 = arith.index_cast %parallel_loop3A_477 : i32 to index
      %parallel_loop3A_479 = arith.index_cast %parallel_loop3A_441 : i32 to index
      %parallel_loop3A_480 = tpu.vector_load %arg9[%parallel_loop3A_478, %parallel_loop3A_479] {strides = array<i32>} : memref<8x3200xf32, #tpu.memory_space<vmem>>, vector<1x16xf32>,
      %parallel_loop3A_481 = vector.shape_cast %parallel_loop3A_480 : vector<1x16xf32> to vector<16xf32>
      %parallel_loop3A_482 = vector.shape_cast %parallel_loop3A_446 : vector<16xf32> to vector<1x16xf32>
      tpu.vector_store %arg9[%parallel_loop3A_478, %parallel_loop3A_479], %parallel_loop3A_482 {add = true, strides = array<i32>} : memref<8x3200xf32, #tpu.memory_space<vmem>>, vector<1x16xf32>,
      %parallel_loop3A_483 = arith.constant 6 : i32
      %parallel_loop3A_484 = arith.index_cast %parallel_loop3A_483 : i32 to index
      %parallel_loop3A_485 = arith.index_cast %parallel_loop3A_441 : i32 to index
      %parallel_loop3A_486 = tpu.vector_load %arg9[%parallel_loop3A_484, %parallel_loop3A_485] {strides = array<i32>} : memref<8x3200xf32, #tpu.memory_space<vmem>>, vector<1x16xf32>,
      %parallel_loop3A_487 = vector.shape_cast %parallel_loop3A_486 : vector<1x16xf32> to vector<16xf32>
      %parallel_loop3A_488 = vector.shape_cast %parallel_loop3A_446 : vector<16xf32> to vector<1x16xf32>
      tpu.vector_store %arg9[%parallel_loop3A_484, %parallel_loop3A_485], %parallel_loop3A_488 {add = true, strides = array<i32>} : memref<8x3200xf32, #tpu.memory_space<vmem>>, vector<1x16xf32>,
      %parallel_loop3A_489 = arith.constant 7 : i32
      %parallel_loop3A_490 = arith.index_cast %parallel_loop3A_489 : i32 to index
      %parallel_loop3A_491 = arith.index_cast %parallel_loop3A_441 : i32 to index
      %parallel_loop3A_492 = tpu.vector_load %arg9[%parallel_loop3A_490, %parallel_loop3A_491] {strides = array<i32>} : memref<8x3200xf32, #tpu.memory_space<vmem>>, vector<1x16xf32>,
      %parallel_loop3A_493 = vector.shape_cast %parallel_loop3A_492 : vector<1x16xf32> to vector<16xf32>
      %parallel_loop3A_494 = vector.shape_cast %parallel_loop3A_446 : vector<16xf32> to vector<1x16xf32>
      tpu.vector_store %arg9[%parallel_loop3A_490, %parallel_loop3A_491], %parallel_loop3A_494 {add = true, strides = array<i32>} : memref<8x3200xf32, #tpu.memory_space<vmem>>, vector<1x16xf32>,
    } {sc.loop_unroll_factor = 2 : i64, sc.parallel_access}
    %mul3A_164 = arith.constant 16 : i32
    %mul3A_165 = arith.muli %add3A, %mul3A_164 : i32
    %add3A_166 = arith.constant 0 : i32
    %add3A_167 = arith.addi %mul3A_165, %add3A_166 : i32
    %mul3A_168 = arith.constant 8 : i32
    %mul3A_169 = arith.muli %add3A_167, %mul3A_168 : i32
    %dma_start3A_170 = arith.constant 9600 : i32
    %dma_start3A_171 = tpu.memref_slice %arg4[%mul3A_169, %dma_start3A_170] : memref<4096x12800xf32, #tpu.memory_space<hbm>> -> memref<8x3200xf32, #tpu.memory_space<hbm>>
    %dma_start3A_172 = arith.constant 9600 : i32
    %dma_start3A_173 = tpu.memref_slice %arg4[%mul3A_169, %dma_start3A_172] : memref<4096x12800xf32, #tpu.memory_space<hbm>> -> memref<8x3200xf32, #tpu.memory_space<hbm>>
    tpu.enqueue_dma source(%arg9 : memref<8x3200xf32, #tpu.memory_space<vmem>>) target(%dma_start3A_173 : memref<8x3200xf32, #tpu.memory_space<hbm>>) target_semaphore(%arg17 : memref<!tpu.dma_semaphore, #tpu.memory_space<semaphore_mem>>)
    %mul3A_174 = arith.constant 16 : i32
    %mul3A_175 = arith.muli %add3A, %mul3A_174 : i32
    %add3A_176 = arith.constant 0 : i32
    %add3A_177 = arith.addi %mul3A_175, %add3A_176 : i32
    %mul3A_178 = arith.constant 8 : i32
    %mul3A_179 = arith.muli %add3A_177, %mul3A_178 : i32
    %dma_wait3A_180 = arith.constant 3200 : i32
    %dma_wait3A_181 = tpu.memref_slice %arg4[%mul3A_179, %dma_wait3A_180] : memref<4096x12800xf32, #tpu.memory_space<hbm>> -> memref<8x3200xf32, #tpu.memory_space<hbm>>
    %dma_wait3A_182 = arith.constant 3200 : i32
    %dma_wait3A_183 = tpu.memref_slice %arg4[%mul3A_179, %dma_wait3A_182] : memref<4096x12800xf32, #tpu.memory_space<hbm>> -> memref<8x3200xf32, #tpu.memory_space<hbm>>
    tpu.wait_dma2 semaphore(%arg15 : memref<!tpu.dma_semaphore, #tpu.memory_space<semaphore_mem>>) src(%arg7 : memref<8x3200xf32, #tpu.memory_space<vmem>>) dst(%dma_wait3A_183 : memref<8x3200xf32, #tpu.memory_space<hbm>>)
    %mul3A_184 = arith.constant 16 : i32
    %mul3A_185 = arith.muli %add3A, %mul3A_184 : i32
    %add3A_186 = arith.constant 1 : i32
    %add3A_187 = arith.addi %mul3A_185, %add3A_186 : i32
    %mul3A_188 = arith.constant 8 : i32
    %mul3A_189 = arith.muli %add3A_187, %mul3A_188 : i32
    %dma_start3A_190 = arith.constant 3200 : i32
    %dma_start3A_191 = tpu.memref_slice %arg2[%mul3A_189, %dma_start3A_190] : memref<4096x12800xf32, #tpu.memory_space<hbm>> -> memref<8x3200xf32, #tpu.memory_space<hbm>>
    %dma_start3A_192 = arith.constant 3200 : i32
    %dma_start3A_193 = tpu.memref_slice %arg2[%mul3A_189, %dma_start3A_192] : memref<4096x12800xf32, #tpu.memory_space<hbm>> -> memref<8x3200xf32, #tpu.memory_space<hbm>>
    tpu.enqueue_dma source(%dma_start3A_193 : memref<8x3200xf32, #tpu.memory_space<hbm>>) target(%arg7 : memref<8x3200xf32, #tpu.memory_space<vmem>>) target_semaphore(%arg11 : memref<!tpu.dma_semaphore, #tpu.memory_space<semaphore_mem>>)
    %scan3A = arith.constant 0 : i32
    %scan3A_194 = arith.constant 1 : i32
    %scan3A_195 = arith.constant 14 : i32
    %scan3A_196 = arith.addi %scan3A_194, %scan3A_195 : i32
    %scan3A_197 = arith.constant 1 : i32
    %scan3A_198 = scf.for %scan3A_396 = %scan3A_194 to %scan3A_196 step %scan3A_197 iter_args(%scan3A_397 = %scan3A) -> (i32)  : i32 {
      %mul3A_398 = arith.constant 4 : i32
      %mul3A_399 = arith.muli %mul3A_398, %scan3A_396 : i32
      %add3A_400 = arith.constant 0 : i32
      %add3A_401 = arith.addi %mul3A_399, %add3A_400 : i32
      %jit3A = arith.constant 4 : i32
      %div3A = arith.divsi %add3A_401, %jit3A : i32
      %sign3A = arith.constant 0 : i32
      %sign3A_402 = arith.cmpi sgt, %add3A_401, %sign3A : i32
      %sign3A_403 = arith.extui %sign3A_402 : i1 to i32
      %sign3A_404 = arith.constant 0 : i32
      %sign3A_405 = arith.cmpi slt, %add3A_401, %sign3A_404 : i32
      %sign3A_406 = arith.extui %sign3A_405 : i1 to i32
      %sign3A_407 = arith.subi %sign3A_403, %sign3A_406 : i32
      %sign3A_408 = arith.constant 0 : i32
      %sign3A_409 = arith.cmpi sgt, %jit3A, %sign3A_408 : i32
      %sign3A_410 = arith.extui %sign3A_409 : i1 to i32
      %sign3A_411 = arith.constant 0 : i32
      %sign3A_412 = arith.cmpi slt, %jit3A, %sign3A_411 : i32
      %sign3A_413 = arith.extui %sign3A_412 : i1 to i32
      %sign3A_414 = arith.subi %sign3A_410, %sign3A_413 : i32
      %ne3A = arith.cmpi ne, %sign3A_407, %sign3A_414 : i32
      %rem3A = arith.remsi %add3A_401, %jit3A : i32
      %ne3A_415 = arith.constant 0 : i32
      %ne3A_416 = arith.cmpi ne, %rem3A, %ne3A_415 : i32
      %and3A = arith.andi %ne3A, %ne3A_416 : i1
      %sub3A = arith.constant 1 : i32
      %sub3A_417 = arith.subi %div3A, %sub3A : i32
      %select_n3A = arith.select %and3A, %sub3A_417, %div3A : i32
      %jit3A_418 = arith.constant 4 : i32
      %eq3A = arith.constant 0 : i32
      %eq3A_419 = arith.cmpi eq, %jit3A_418, %eq3A : i32
      %jit3A_420 = arith.constant 1 : i32
      %select_n3A_421 = arith.select %eq3A_419, %jit3A_420, %jit3A_418 : i32
      %rem3A_422 = arith.remsi %add3A_401, %select_n3A_421 : i32
      %ne3A_423 = arith.constant 0 : i32
      %ne3A_424 = arith.cmpi ne, %rem3A_422, %ne3A_423 : i32
      %lt3A = arith.constant 0 : i32
      %lt3A_425 = arith.cmpi slt, %rem3A_422, %lt3A : i32
      %lt3A_426 = arith.constant 0 : i32
      %lt3A_427 = arith.cmpi slt, %select_n3A_421, %lt3A_426 : i32
      %ne3A_428 = arith.xori %lt3A_425, %lt3A_427 : i1
      %and3A_429 = arith.andi %ne3A_428, %ne3A_424 : i1
      %add3A_430 = arith.addi %rem3A_422, %select_n3A_421 : i32
      %select_n3A_431 = arith.select %and3A_429, %add3A_430, %rem3A_422 : i32
      %mul3A_432 = arith.constant 16 : i32
      %mul3A_433 = arith.muli %add3A, %mul3A_432 : i32
      %add3A_434 = arith.addi %mul3A_433, %select_n3A : i32
      %mul3A_435 = arith.constant 8 : i32
      %mul3A_436 = arith.muli %add3A_434, %mul3A_435 : i32
      %mul3A_437 = arith.constant 3200 : i32
      %mul3A_438 = arith.muli %select_n3A_431, %mul3A_437 : i32
      %mul3A_439 = arith.constant 3200 : i32
      %mul3A_440 = arith.muli %select_n3A_431, %mul3A_439 : i32
      %dma_wait3A_441 = tpu.memref_slice %arg2[%mul3A_436, %mul3A_438] : memref<4096x12800xf32, #tpu.memory_space<hbm>> -> memref<8x3200xf32, #tpu.memory_space<hbm>>
      %dma_wait3A_442 = tpu.memref_slice %arg2[%mul3A_436, %mul3A_438] : memref<4096x12800xf32, #tpu.memory_space<hbm>> -> memref<8x3200xf32, #tpu.memory_space<hbm>>
      tpu.wait_dma2 semaphore(%arg10 : memref<!tpu.dma_semaphore, #tpu.memory_space<semaphore_mem>>) src(%dma_wait3A_442 : memref<8x3200xf32, #tpu.memory_space<hbm>>) dst(%arg6 : memref<8x3200xf32, #tpu.memory_space<vmem>>)
      %jit3A_443 = arith.constant 4 : i32
      %div3A_444 = arith.divsi %add3A_401, %jit3A_443 : i32
      %sign3A_445 = arith.constant 0 : i32
      %sign3A_446 = arith.cmpi sgt, %add3A_401, %sign3A_445 : i32
      %sign3A_447 = arith.extui %sign3A_446 : i1 to i32
      %sign3A_448 = arith.constant 0 : i32
      %sign3A_449 = arith.cmpi slt, %add3A_401, %sign3A_448 : i32
      %sign3A_450 = arith.extui %sign3A_449 : i1 to i32
      %sign3A_451 = arith.subi %sign3A_447, %sign3A_450 : i32
      %sign3A_452 = arith.constant 0 : i32
      %sign3A_453 = arith.cmpi sgt, %jit3A_443, %sign3A_452 : i32
      %sign3A_454 = arith.extui %sign3A_453 : i1 to i32
      %sign3A_455 = arith.constant 0 : i32
      %sign3A_456 = arith.cmpi slt, %jit3A_443, %sign3A_455 : i32
      %sign3A_457 = arith.extui %sign3A_456 : i1 to i32
      %sign3A_458 = arith.subi %sign3A_454, %sign3A_457 : i32
      %ne3A_459 = arith.cmpi ne, %sign3A_451, %sign3A_458 : i32
      %rem3A_460 = arith.remsi %add3A_401, %jit3A_443 : i32
      %ne3A_461 = arith.constant 0 : i32
      %ne3A_462 = arith.cmpi ne, %rem3A_460, %ne3A_461 : i32
      %and3A_463 = arith.andi %ne3A_459, %ne3A_462 : i1
      %sub3A_464 = arith.constant 1 : i32
      %sub3A_465 = arith.subi %div3A_444, %sub3A_464 : i32
      %select_n3A_466 = arith.select %and3A_463, %sub3A_465, %div3A_444 : i32
      %jit3A_467 = arith.constant 4 : i32
      %eq3A_468 = arith.constant 0 : i32
      %eq3A_469 = arith.cmpi eq, %jit3A_467, %eq3A_468 : i32
      %jit3A_470 = arith.constant 1 : i32
      %select_n3A_471 = arith.select %eq3A_469, %jit3A_470, %jit3A_467 : i32
      %rem3A_472 = arith.remsi %add3A_401, %select_n3A_471 : i32
      %ne3A_473 = arith.constant 0 : i32
      %ne3A_474 = arith.cmpi ne, %rem3A_472, %ne3A_473 : i32
      %lt3A_475 = arith.constant 0 : i32
      %lt3A_476 = arith.cmpi slt, %rem3A_472, %lt3A_475 : i32
      %lt3A_477 = arith.constant 0 : i32
      %lt3A_478 = arith.cmpi slt, %select_n3A_471, %lt3A_477 : i32
      %ne3A_479 = arith.xori %lt3A_476, %lt3A_478 : i1
      %and3A_480 = arith.andi %ne3A_479, %ne3A_474 : i1
      %add3A_481 = arith.addi %rem3A_472, %select_n3A_471 : i32
      %select_n3A_482 = arith.select %and3A_480, %add3A_481, %rem3A_472 : i32
      %mul3A_483 = arith.constant 16 : i32
      %mul3A_484 = arith.muli %add3A, %mul3A_483 : i32
      %add3A_485 = arith.addi %mul3A_484, %select_n3A_466 : i32
      %mul3A_486 = arith.constant 8 : i32
      %mul3A_487 = arith.muli %add3A_485, %mul3A_486 : i32
      %mul3A_488 = arith.constant 3200 : i32
      %mul3A_489 = arith.muli %select_n3A_482, %mul3A_488 : i32
      %mul3A_490 = arith.constant 3200 : i32
      %mul3A_491 = arith.muli %select_n3A_482, %mul3A_490 : i32
      %parallel_loop3A_492 = arith.constant 0 : i32
      %parallel_loop3A_493 = arith.constant 200 : i32
      %parallel_loop3A_494 = arith.constant 1 : i32
      scf.for %parallel_loop3A_1439 = %parallel_loop3A_492 to %parallel_loop3A_493 step %parallel_loop3A_494  : i32 {
        %parallel_loop3A_1440 = arith.constant 8 : i32
        %parallel_loop3A_1441 = arith.divsi %parallel_loop3A_1439, %parallel_loop3A_1440 : i32
        %parallel_loop3A_1442 = arith.constant 0 : i32
        %parallel_loop3A_1443 = arith.cmpi sgt, %parallel_loop3A_1439, %parallel_loop3A_1442 : i32
        %parallel_loop3A_1444 = arith.extui %parallel_loop3A_1443 : i1 to i32
        %parallel_loop3A_1445 = arith.constant 0 : i32
        %parallel_loop3A_1446 = arith.cmpi slt, %parallel_loop3A_1439, %parallel_loop3A_1445 : i32
        %parallel_loop3A_1447 = arith.extui %parallel_loop3A_1446 : i1 to i32
        %parallel_loop3A_1448 = arith.subi %parallel_loop3A_1444, %parallel_loop3A_1447 : i32
        %parallel_loop3A_1449 = arith.constant 0 : i32
        %parallel_loop3A_1450 = arith.cmpi sgt, %parallel_loop3A_1440, %parallel_loop3A_1449 : i32
        %parallel_loop3A_1451 = arith.extui %parallel_loop3A_1450 : i1 to i32
        %parallel_loop3A_1452 = arith.constant 0 : i32
        %parallel_loop3A_1453 = arith.cmpi slt, %parallel_loop3A_1440, %parallel_loop3A_1452 : i32
        %parallel_loop3A_1454 = arith.extui %parallel_loop3A_1453 : i1 to i32
        %parallel_loop3A_1455 = arith.subi %parallel_loop3A_1451, %parallel_loop3A_1454 : i32
        %parallel_loop3A_1456 = arith.cmpi ne, %parallel_loop3A_1448, %parallel_loop3A_1455 : i32
        %parallel_loop3A_1457 = arith.remsi %parallel_loop3A_1439, %parallel_loop3A_1440 : i32
        %parallel_loop3A_1458 = arith.constant 0 : i32
        %parallel_loop3A_1459 = arith.cmpi ne, %parallel_loop3A_1457, %parallel_loop3A_1458 : i32
        %parallel_loop3A_1460 = arith.andi %parallel_loop3A_1456, %parallel_loop3A_1459 : i1
        %parallel_loop3A_1461 = arith.constant 1 : i32
        %parallel_loop3A_1462 = arith.subi %parallel_loop3A_1441, %parallel_loop3A_1461 : i32
        %parallel_loop3A_1463 = arith.select %parallel_loop3A_1460, %parallel_loop3A_1462, %parallel_loop3A_1441 : i32
        %parallel_loop3A_1464 = arith.constant 128 : i32
        %parallel_loop3A_1465 = arith.muli %parallel_loop3A_1463, %parallel_loop3A_1464 : i32
        %parallel_loop3A_1466 = arith.constant 8 : i32
        %parallel_loop3A_1467 = arith.constant 0 : i32
        %parallel_loop3A_1468 = arith.cmpi eq, %parallel_loop3A_1466, %parallel_loop3A_1467 : i32
        %parallel_loop3A_1469 = arith.constant 1 : i32
        %parallel_loop3A_1470 = arith.select %parallel_loop3A_1468, %parallel_loop3A_1469, %parallel_loop3A_1466 : i32
        %parallel_loop3A_1471 = arith.remsi %parallel_loop3A_1439, %parallel_loop3A_1470 : i32
        %parallel_loop3A_1472 = arith.constant 0 : i32
        %parallel_loop3A_1473 = arith.cmpi ne, %parallel_loop3A_1471, %parallel_loop3A_1472 : i32
        %parallel_loop3A_1474 = arith.constant 0 : i32
        %parallel_loop3A_1475 = arith.cmpi slt, %parallel_loop3A_1471, %parallel_loop3A_1474 : i32
        %parallel_loop3A_1476 = arith.constant 0 : i32
        %parallel_loop3A_1477 = arith.cmpi slt, %parallel_loop3A_1470, %parallel_loop3A_1476 : i32
        %parallel_loop3A_1478 = arith.xori %parallel_loop3A_1475, %parallel_loop3A_1477 : i1
        %parallel_loop3A_1479 = arith.andi %parallel_loop3A_1478, %parallel_loop3A_1473 : i1
        %parallel_loop3A_1480 = arith.addi %parallel_loop3A_1471, %parallel_loop3A_1470 : i32
        %parallel_loop3A_1481 = arith.select %parallel_loop3A_1479, %parallel_loop3A_1480, %parallel_loop3A_1471 : i32
        %parallel_loop3A_1482 = arith.constant 16 : i32
        %parallel_loop3A_1483 = arith.muli %parallel_loop3A_1481, %parallel_loop3A_1482 : i32
        %parallel_loop3A_1484 = arith.addi %parallel_loop3A_1465, %parallel_loop3A_1483 : i32
        %parallel_loop3A_1485 = arith.addi %mul3A_491, %parallel_loop3A_1484 : i32
        %parallel_loop3A_1486 = arith.index_cast %parallel_loop3A_1485 : i32 to index
        %parallel_loop3A_1487 = tpu.vector_load %arg5[%parallel_loop3A_1486] {strides = array<i32>} : memref<12800xf32, #tpu.memory_space<vmem>>, vector<16xf32>,
        %parallel_loop3A_1488 = vector.shape_cast %parallel_loop3A_1487 : vector<16xf32> to vector<16xf32>
        %parallel_loop3A_1489 = arith.constant 0 : i32
        %parallel_loop3A_1490 = arith.index_cast %parallel_loop3A_1489 : i32 to index
        %parallel_loop3A_1491 = arith.index_cast %parallel_loop3A_1484 : i32 to index
        %parallel_loop3A_1492 = tpu.vector_load %arg6[%parallel_loop3A_1490, %parallel_loop3A_1491] {strides = array<i32>} : memref<8x3200xf32, #tpu.memory_space<vmem>>, vector<1x16xf32>,
        %parallel_loop3A_1493 = vector.shape_cast %parallel_loop3A_1492 : vector<1x16xf32> to vector<16xf32>
        %parallel_loop3A_1494 = vector.shape_cast %parallel_loop3A_1488 : vector<16xf32> to vector<1x16xf32>
        tpu.vector_store %arg6[%parallel_loop3A_1490, %parallel_loop3A_1491], %parallel_loop3A_1494 {add = true, strides = array<i32>} : memref<8x3200xf32, #tpu.memory_space<vmem>>, vector<1x16xf32>,
        %parallel_loop3A_1495 = arith.constant 1 : i32
        %parallel_loop3A_1496 = arith.index_cast %parallel_loop3A_1495 : i32 to index
        %parallel_loop3A_1497 = arith.index_cast %parallel_loop3A_1484 : i32 to index
        %parallel_loop3A_1498 = tpu.vector_load %arg6[%parallel_loop3A_1496, %parallel_loop3A_1497] {strides = array<i32>} : memref<8x3200xf32, #tpu.memory_space<vmem>>, vector<1x16xf32>,
        %parallel_loop3A_1499 = vector.shape_cast %parallel_loop3A_1498 : vector<1x16xf32> to vector<16xf32>
        %parallel_loop3A_1500 = vector.shape_cast %parallel_loop3A_1488 : vector<16xf32> to vector<1x16xf32>
        tpu.vector_store %arg6[%parallel_loop3A_1496, %parallel_loop3A_1497], %parallel_loop3A_1500 {add = true, strides = array<i32>} : memref<8x3200xf32, #tpu.memory_space<vmem>>, vector<1x16xf32>,
        %parallel_loop3A_1501 = arith.constant 2 : i32
        %parallel_loop3A_1502 = arith.index_cast %parallel_loop3A_1501 : i32 to index
        %parallel_loop3A_1503 = arith.index_cast %parallel_loop3A_1484 : i32 to index
        %parallel_loop3A_1504 = tpu.vector_load %arg6[%parallel_loop3A_1502, %parallel_loop3A_1503] {strides = array<i32>} : memref<8x3200xf32, #tpu.memory_space<vmem>>, vector<1x16xf32>,
        %parallel_loop3A_1505 = vector.shape_cast %parallel_loop3A_1504 : vector<1x16xf32> to vector<16xf32>
        %parallel_loop3A_1506 = vector.shape_cast %parallel_loop3A_1488 : vector<16xf32> to vector<1x16xf32>
        tpu.vector_store %arg6[%parallel_loop3A_1502, %parallel_loop3A_1503], %parallel_loop3A_1506 {add = true, strides = array<i32>} : memref<8x3200xf32, #tpu.memory_space<vmem>>, vector<1x16xf32>,
        %parallel_loop3A_1507 = arith.constant 3 : i32
        %parallel_loop3A_1508 = arith.index_cast %parallel_loop3A_1507 : i32 to index
        %parallel_loop3A_1509 = arith.index_cast %parallel_loop3A_1484 : i32 to index
        %parallel_loop3A_1510 = tpu.vector_load %arg6[%parallel_loop3A_1508, %parallel_loop3A_1509] {strides = array<i32>} : memref<8x3200xf32, #tpu.memory_space<vmem>>, vector<1x16xf32>,
        %parallel_loop3A_1511 = vector.shape_cast %parallel_loop3A_1510 : vector<1x16xf32> to vector<16xf32>
        %parallel_loop3A_1512 = vector.shape_cast %parallel_loop3A_1488 : vector<16xf32> to vector<1x16xf32>
        tpu.vector_store %arg6[%parallel_loop3A_1508, %parallel_loop3A_1509], %parallel_loop3A_1512 {add = true, strides = array<i32>} : memref<8x3200xf32, #tpu.memory_space<vmem>>, vector<1x16xf32>,
        %parallel_loop3A_1513 = arith.constant 4 : i32
        %parallel_loop3A_1514 = arith.index_cast %parallel_loop3A_1513 : i32 to index
        %parallel_loop3A_1515 = arith.index_cast %parallel_loop3A_1484 : i32 to index
        %parallel_loop3A_1516 = tpu.vector_load %arg6[%parallel_loop3A_1514, %parallel_loop3A_1515] {strides = array<i32>} : memref<8x3200xf32, #tpu.memory_space<vmem>>, vector<1x16xf32>,
        %parallel_loop3A_1517 = vector.shape_cast %parallel_loop3A_1516 : vector<1x16xf32> to vector<16xf32>
        %parallel_loop3A_1518 = vector.shape_cast %parallel_loop3A_1488 : vector<16xf32> to vector<1x16xf32>
        tpu.vector_store %arg6[%parallel_loop3A_1514, %parallel_loop3A_1515], %parallel_loop3A_1518 {add = true, strides = array<i32>} : memref<8x3200xf32, #tpu.memory_space<vmem>>, vector<1x16xf32>,
        %parallel_loop3A_1519 = arith.constant 5 : i32
        %parallel_loop3A_1520 = arith.index_cast %parallel_loop3A_1519 : i32 to index
        %parallel_loop3A_1521 = arith.index_cast %parallel_loop3A_1484 : i32 to index
        %parallel_loop3A_1522 = tpu.vector_load %arg6[%parallel_loop3A_1520, %parallel_loop3A_1521] {strides = array<i32>} : memref<8x3200xf32, #tpu.memory_space<vmem>>, vector<1x16xf32>,
        %parallel_loop3A_1523 = vector.shape_cast %parallel_loop3A_1522 : vector<1x16xf32> to vector<16xf32>
        %parallel_loop3A_1524 = vector.shape_cast %parallel_loop3A_1488 : vector<16xf32> to vector<1x16xf32>
        tpu.vector_store %arg6[%parallel_loop3A_1520, %parallel_loop3A_1521], %parallel_loop3A_1524 {add = true, strides = array<i32>} : memref<8x3200xf32, #tpu.memory_space<vmem>>, vector<1x16xf32>,
        %parallel_loop3A_1525 = arith.constant 6 : i32
        %parallel_loop3A_1526 = arith.index_cast %parallel_loop3A_1525 : i32 to index
        %parallel_loop3A_1527 = arith.index_cast %parallel_loop3A_1484 : i32 to index
        %parallel_loop3A_1528 = tpu.vector_load %arg6[%parallel_loop3A_1526, %parallel_loop3A_1527] {strides = array<i32>} : memref<8x3200xf32, #tpu.memory_space<vmem>>, vector<1x16xf32>,
        %parallel_loop3A_1529 = vector.shape_cast %parallel_loop3A_1528 : vector<1x16xf32> to vector<16xf32>
        %parallel_loop3A_1530 = vector.shape_cast %parallel_loop3A_1488 : vector<16xf32> to vector<1x16xf32>
        tpu.vector_store %arg6[%parallel_loop3A_1526, %parallel_loop3A_1527], %parallel_loop3A_1530 {add = true, strides = array<i32>} : memref<8x3200xf32, #tpu.memory_space<vmem>>, vector<1x16xf32>,
        %parallel_loop3A_1531 = arith.constant 7 : i32
        %parallel_loop3A_1532 = arith.index_cast %parallel_loop3A_1531 : i32 to index
        %parallel_loop3A_1533 = arith.index_cast %parallel_loop3A_1484 : i32 to index
        %parallel_loop3A_1534 = tpu.vector_load %arg6[%parallel_loop3A_1532, %parallel_loop3A_1533] {strides = array<i32>} : memref<8x3200xf32, #tpu.memory_space<vmem>>, vector<1x16xf32>,
        %parallel_loop3A_1535 = vector.shape_cast %parallel_loop3A_1534 : vector<1x16xf32> to vector<16xf32>
        %parallel_loop3A_1536 = vector.shape_cast %parallel_loop3A_1488 : vector<16xf32> to vector<1x16xf32>
        tpu.vector_store %arg6[%parallel_loop3A_1532, %parallel_loop3A_1533], %parallel_loop3A_1536 {add = true, strides = array<i32>} : memref<8x3200xf32, #tpu.memory_space<vmem>>, vector<1x16xf32>,
      } {sc.loop_unroll_factor = 2 : i64, sc.parallel_access}
      %jit3A_495 = arith.constant 4 : i32
      %div3A_496 = arith.divsi %add3A_401, %jit3A_495 : i32
      %sign3A_497 = arith.constant 0 : i32
      %sign3A_498 = arith.cmpi sgt, %add3A_401, %sign3A_497 : i32
      %sign3A_499 = arith.extui %sign3A_498 : i1 to i32
      %sign3A_500 = arith.constant 0 : i32
      %sign3A_501 = arith.cmpi slt, %add3A_401, %sign3A_500 : i32
      %sign3A_502 = arith.extui %sign3A_501 : i1 to i32
      %sign3A_503 = arith.subi %sign3A_499, %sign3A_502 : i32
      %sign3A_504 = arith.constant 0 : i32
      %sign3A_505 = arith.cmpi sgt, %jit3A_495, %sign3A_504 : i32
      %sign3A_506 = arith.extui %sign3A_505 : i1 to i32
      %sign3A_507 = arith.constant 0 : i32
      %sign3A_508 = arith.cmpi slt, %jit3A_495, %sign3A_507 : i32
      %sign3A_509 = arith.extui %sign3A_508 : i1 to i32
      %sign3A_510 = arith.subi %sign3A_506, %sign3A_509 : i32
      %ne3A_511 = arith.cmpi ne, %sign3A_503, %sign3A_510 : i32
      %rem3A_512 = arith.remsi %add3A_401, %jit3A_495 : i32
      %ne3A_513 = arith.constant 0 : i32
      %ne3A_514 = arith.cmpi ne, %rem3A_512, %ne3A_513 : i32
      %and3A_515 = arith.andi %ne3A_511, %ne3A_514 : i1
      %sub3A_516 = arith.constant 1 : i32
      %sub3A_517 = arith.subi %div3A_496, %sub3A_516 : i32
      %select_n3A_518 = arith.select %and3A_515, %sub3A_517, %div3A_496 : i32
      %jit3A_519 = arith.constant 4 : i32
      %eq3A_520 = arith.constant 0 : i32
      %eq3A_521 = arith.cmpi eq, %jit3A_519, %eq3A_520 : i32
      %jit3A_522 = arith.constant 1 : i32
      %select_n3A_523 = arith.select %eq3A_521, %jit3A_522, %jit3A_519 : i32
      %rem3A_524 = arith.remsi %add3A_401, %select_n3A_523 : i32
      %ne3A_525 = arith.constant 0 : i32
      %ne3A_526 = arith.cmpi ne, %rem3A_524, %ne3A_525 : i32
      %lt3A_527 = arith.constant 0 : i32
      %lt3A_528 = arith.cmpi slt, %rem3A_524, %lt3A_527 : i32
      %lt3A_529 = arith.constant 0 : i32
      %lt3A_530 = arith.cmpi slt, %select_n3A_523, %lt3A_529 : i32
      %ne3A_531 = arith.xori %lt3A_528, %lt3A_530 : i1
      %and3A_532 = arith.andi %ne3A_531, %ne3A_526 : i1
      %add3A_533 = arith.addi %rem3A_524, %select_n3A_523 : i32
      %select_n3A_534 = arith.select %and3A_532, %add3A_533, %rem3A_524 : i32
      %mul3A_535 = arith.constant 16 : i32
      %mul3A_536 = arith.muli %add3A, %mul3A_535 : i32
      %add3A_537 = arith.addi %mul3A_536, %select_n3A_518 : i32
      %mul3A_538 = arith.constant 8 : i32
      %mul3A_539 = arith.muli %add3A_537, %mul3A_538 : i32
      %mul3A_540 = arith.constant 3200 : i32
      %mul3A_541 = arith.muli %select_n3A_534, %mul3A_540 : i32
      %mul3A_542 = arith.constant 3200 : i32
      %mul3A_543 = arith.muli %select_n3A_534, %mul3A_542 : i32
      %dma_start3A_544 = tpu.memref_slice %arg4[%mul3A_539, %mul3A_541] : memref<4096x12800xf32, #tpu.memory_space<hbm>> -> memref<8x3200xf32, #tpu.memory_space<hbm>>
      %dma_start3A_545 = tpu.memref_slice %arg4[%mul3A_539, %mul3A_541] : memref<4096x12800xf32, #tpu.memory_space<hbm>> -> memref<8x3200xf32, #tpu.memory_space<hbm>>
      tpu.enqueue_dma source(%arg6 : memref<8x3200xf32, #tpu.memory_space<vmem>>) target(%dma_start3A_545 : memref<8x3200xf32, #tpu.memory_space<hbm>>) target_semaphore(%arg14 : memref<!tpu.dma_semaphore, #tpu.memory_space<semaphore_mem>>)
      %sub3A_546 = arith.constant 2 : i32
      %sub3A_547 = arith.subi %add3A_401, %sub3A_546 : i32
      %jit3A_548 = arith.constant 4 : i32
      %div3A_549 = arith.divsi %sub3A_547, %jit3A_548 : i32
      %sign3A_550 = arith.constant 0 : i32
      %sign3A_551 = arith.cmpi sgt, %sub3A_547, %sign3A_550 : i32
      %sign3A_552 = arith.extui %sign3A_551 : i1 to i32
      %sign3A_553 = arith.constant 0 : i32
      %sign3A_554 = arith.cmpi slt, %sub3A_547, %sign3A_553 : i32
      %sign3A_555 = arith.extui %sign3A_554 : i1 to i32
      %sign3A_556 = arith.subi %sign3A_552, %sign3A_555 : i32
      %sign3A_557 = arith.constant 0 : i32
      %sign3A_558 = arith.cmpi sgt, %jit3A_548, %sign3A_557 : i32
      %sign3A_559 = arith.extui %sign3A_558 : i1 to i32
      %sign3A_560 = arith.constant 0 : i32
      %sign3A_561 = arith.cmpi slt, %jit3A_548, %sign3A_560 : i32
      %sign3A_562 = arith.extui %sign3A_561 : i1 to i32
      %sign3A_563 = arith.subi %sign3A_559, %sign3A_562 : i32
      %ne3A_564 = arith.cmpi ne, %sign3A_556, %sign3A_563 : i32
      %rem3A_565 = arith.remsi %sub3A_547, %jit3A_548 : i32
      %ne3A_566 = arith.constant 0 : i32
      %ne3A_567 = arith.cmpi ne, %rem3A_565, %ne3A_566 : i32
      %and3A_568 = arith.andi %ne3A_564, %ne3A_567 : i1
      %sub3A_569 = arith.constant 1 : i32
      %sub3A_570 = arith.subi %div3A_549, %sub3A_569 : i32
      %select_n3A_571 = arith.select %and3A_568, %sub3A_570, %div3A_549 : i32
      %jit3A_572 = arith.constant 4 : i32
      %eq3A_573 = arith.constant 0 : i32
      %eq3A_574 = arith.cmpi eq, %jit3A_572, %eq3A_573 : i32
      %jit3A_575 = arith.constant 1 : i32
      %select_n3A_576 = arith.select %eq3A_574, %jit3A_575, %jit3A_572 : i32
      %rem3A_577 = arith.remsi %sub3A_547, %select_n3A_576 : i32
      %ne3A_578 = arith.constant 0 : i32
      %ne3A_579 = arith.cmpi ne, %rem3A_577, %ne3A_578 : i32
      %lt3A_580 = arith.constant 0 : i32
      %lt3A_581 = arith.cmpi slt, %rem3A_577, %lt3A_580 : i32
      %lt3A_582 = arith.constant 0 : i32
      %lt3A_583 = arith.cmpi slt, %select_n3A_576, %lt3A_582 : i32
      %ne3A_584 = arith.xori %lt3A_581, %lt3A_583 : i1
      %and3A_585 = arith.andi %ne3A_584, %ne3A_579 : i1
      %add3A_586 = arith.addi %rem3A_577, %select_n3A_576 : i32
      %select_n3A_587 = arith.select %and3A_585, %add3A_586, %rem3A_577 : i32
      %mul3A_588 = arith.constant 16 : i32
      %mul3A_589 = arith.muli %add3A, %mul3A_588 : i32
      %add3A_590 = arith.addi %mul3A_589, %select_n3A_571 : i32
      %mul3A_591 = arith.constant 8 : i32
      %mul3A_592 = arith.muli %add3A_590, %mul3A_591 : i32
      %mul3A_593 = arith.constant 3200 : i32
      %mul3A_594 = arith.muli %select_n3A_587, %mul3A_593 : i32
      %mul3A_595 = arith.constant 3200 : i32
      %mul3A_596 = arith.muli %select_n3A_587, %mul3A_595 : i32
      %dma_wait3A_597 = tpu.memref_slice %arg4[%mul3A_592, %mul3A_594] : memref<4096x12800xf32, #tpu.memory_space<hbm>> -> memref<8x3200xf32, #tpu.memory_space<hbm>>
      %dma_wait3A_598 = tpu.memref_slice %arg4[%mul3A_592, %mul3A_594] : memref<4096x12800xf32, #tpu.memory_space<hbm>> -> memref<8x3200xf32, #tpu.memory_space<hbm>>
      tpu.wait_dma2 semaphore(%arg16 : memref<!tpu.dma_semaphore, #tpu.memory_space<semaphore_mem>>) src(%arg8 : memref<8x3200xf32, #tpu.memory_space<vmem>>) dst(%dma_wait3A_598 : memref<8x3200xf32, #tpu.memory_space<hbm>>)
      %add3A_599 = arith.constant 2 : i32
      %add3A_600 = arith.addi %add3A_401, %add3A_599 : i32
      %jit3A_601 = arith.constant 4 : i32
      %div3A_602 = arith.divsi %add3A_600, %jit3A_601 : i32
      %sign3A_603 = arith.constant 0 : i32
      %sign3A_604 = arith.cmpi sgt, %add3A_600, %sign3A_603 : i32
      %sign3A_605 = arith.extui %sign3A_604 : i1 to i32
      %sign3A_606 = arith.constant 0 : i32
      %sign3A_607 = arith.cmpi slt, %add3A_600, %sign3A_606 : i32
      %sign3A_608 = arith.extui %sign3A_607 : i1 to i32
      %sign3A_609 = arith.subi %sign3A_605, %sign3A_608 : i32
      %sign3A_610 = arith.constant 0 : i32
      %sign3A_611 = arith.cmpi sgt, %jit3A_601, %sign3A_610 : i32
      %sign3A_612 = arith.extui %sign3A_611 : i1 to i32
      %sign3A_613 = arith.constant 0 : i32
      %sign3A_614 = arith.cmpi slt, %jit3A_601, %sign3A_613 : i32
      %sign3A_615 = arith.extui %sign3A_614 : i1 to i32
      %sign3A_616 = arith.subi %sign3A_612, %sign3A_615 : i32
      %ne3A_617 = arith.cmpi ne, %sign3A_609, %sign3A_616 : i32
      %rem3A_618 = arith.remsi %add3A_600, %jit3A_601 : i32
      %ne3A_619 = arith.constant 0 : i32
      %ne3A_620 = arith.cmpi ne, %rem3A_618, %ne3A_619 : i32
      %and3A_621 = arith.andi %ne3A_617, %ne3A_620 : i1
      %sub3A_622 = arith.constant 1 : i32
      %sub3A_623 = arith.subi %div3A_602, %sub3A_622 : i32
      %select_n3A_624 = arith.select %and3A_621, %sub3A_623, %div3A_602 : i32
      %jit3A_625 = arith.constant 4 : i32
      %eq3A_626 = arith.constant 0 : i32
      %eq3A_627 = arith.cmpi eq, %jit3A_625, %eq3A_626 : i32
      %jit3A_628 = arith.constant 1 : i32
      %select_n3A_629 = arith.select %eq3A_627, %jit3A_628, %jit3A_625 : i32
      %rem3A_630 = arith.remsi %add3A_600, %select_n3A_629 : i32
      %ne3A_631 = arith.constant 0 : i32
      %ne3A_632 = arith.cmpi ne, %rem3A_630, %ne3A_631 : i32
      %lt3A_633 = arith.constant 0 : i32
      %lt3A_634 = arith.cmpi slt, %rem3A_630, %lt3A_633 : i32
      %lt3A_635 = arith.constant 0 : i32
      %lt3A_636 = arith.cmpi slt, %select_n3A_629, %lt3A_635 : i32
      %ne3A_637 = arith.xori %lt3A_634, %lt3A_636 : i1
      %and3A_638 = arith.andi %ne3A_637, %ne3A_632 : i1
      %add3A_639 = arith.addi %rem3A_630, %select_n3A_629 : i32
      %select_n3A_640 = arith.select %and3A_638, %add3A_639, %rem3A_630 : i32
      %mul3A_641 = arith.constant 16 : i32
      %mul3A_642 = arith.muli %add3A, %mul3A_641 : i32
      %add3A_643 = arith.addi %mul3A_642, %select_n3A_624 : i32
      %mul3A_644 = arith.constant 8 : i32
      %mul3A_645 = arith.muli %add3A_643, %mul3A_644 : i32
      %mul3A_646 = arith.constant 3200 : i32
      %mul3A_647 = arith.muli %select_n3A_640, %mul3A_646 : i32
      %mul3A_648 = arith.constant 3200 : i32
      %mul3A_649 = arith.muli %select_n3A_640, %mul3A_648 : i32
      %dma_start3A_650 = tpu.memref_slice %arg2[%mul3A_645, %mul3A_647] : memref<4096x12800xf32, #tpu.memory_space<hbm>> -> memref<8x3200xf32, #tpu.memory_space<hbm>>
      %dma_start3A_651 = tpu.memref_slice %arg2[%mul3A_645, %mul3A_647] : memref<4096x12800xf32, #tpu.memory_space<hbm>> -> memref<8x3200xf32, #tpu.memory_space<hbm>>
      tpu.enqueue_dma source(%dma_start3A_651 : memref<8x3200xf32, #tpu.memory_space<hbm>>) target(%arg8 : memref<8x3200xf32, #tpu.memory_space<vmem>>) target_semaphore(%arg12 : memref<!tpu.dma_semaphore, #tpu.memory_space<semaphore_mem>>)
      %add3A_652 = arith.constant 1 : i32
      %add3A_653 = arith.addi %mul3A_399, %add3A_652 : i32
      %jit3A_654 = arith.constant 4 : i32
      %div3A_655 = arith.divsi %add3A_653, %jit3A_654 : i32
      %sign3A_656 = arith.constant 0 : i32
      %sign3A_657 = arith.cmpi sgt, %add3A_653, %sign3A_656 : i32
      %sign3A_658 = arith.extui %sign3A_657 : i1 to i32
      %sign3A_659 = arith.constant 0 : i32
      %sign3A_660 = arith.cmpi slt, %add3A_653, %sign3A_659 : i32
      %sign3A_661 = arith.extui %sign3A_660 : i1 to i32
      %sign3A_662 = arith.subi %sign3A_658, %sign3A_661 : i32
      %sign3A_663 = arith.constant 0 : i32
      %sign3A_664 = arith.cmpi sgt, %jit3A_654, %sign3A_663 : i32
      %sign3A_665 = arith.extui %sign3A_664 : i1 to i32
      %sign3A_666 = arith.constant 0 : i32
      %sign3A_667 = arith.cmpi slt, %jit3A_654, %sign3A_666 : i32
      %sign3A_668 = arith.extui %sign3A_667 : i1 to i32
      %sign3A_669 = arith.subi %sign3A_665, %sign3A_668 : i32
      %ne3A_670 = arith.cmpi ne, %sign3A_662, %sign3A_669 : i32
      %rem3A_671 = arith.remsi %add3A_653, %jit3A_654 : i32
      %ne3A_672 = arith.constant 0 : i32
      %ne3A_673 = arith.cmpi ne, %rem3A_671, %ne3A_672 : i32
      %and3A_674 = arith.andi %ne3A_670, %ne3A_673 : i1
      %sub3A_675 = arith.constant 1 : i32
      %sub3A_676 = arith.subi %div3A_655, %sub3A_675 : i32
      %select_n3A_677 = arith.select %and3A_674, %sub3A_676, %div3A_655 : i32
      %jit3A_678 = arith.constant 4 : i32
      %eq3A_679 = arith.constant 0 : i32
      %eq3A_680 = arith.cmpi eq, %jit3A_678, %eq3A_679 : i32
      %jit3A_681 = arith.constant 1 : i32
      %select_n3A_682 = arith.select %eq3A_680, %jit3A_681, %jit3A_678 : i32
      %rem3A_683 = arith.remsi %add3A_653, %select_n3A_682 : i32
      %ne3A_684 = arith.constant 0 : i32
      %ne3A_685 = arith.cmpi ne, %rem3A_683, %ne3A_684 : i32
      %lt3A_686 = arith.constant 0 : i32
      %lt3A_687 = arith.cmpi slt, %rem3A_683, %lt3A_686 : i32
      %lt3A_688 = arith.constant 0 : i32
      %lt3A_689 = arith.cmpi slt, %select_n3A_682, %lt3A_688 : i32
      %ne3A_690 = arith.xori %lt3A_687, %lt3A_689 : i1
      %and3A_691 = arith.andi %ne3A_690, %ne3A_685 : i1
      %add3A_692 = arith.addi %rem3A_683, %select_n3A_682 : i32
      %select_n3A_693 = arith.select %and3A_691, %add3A_692, %rem3A_683 : i32
      %mul3A_694 = arith.constant 16 : i32
      %mul3A_695 = arith.muli %add3A, %mul3A_694 : i32
      %add3A_696 = arith.addi %mul3A_695, %select_n3A_677 : i32
      %mul3A_697 = arith.constant 8 : i32
      %mul3A_698 = arith.muli %add3A_696, %mul3A_697 : i32
      %mul3A_699 = arith.constant 3200 : i32
      %mul3A_700 = arith.muli %select_n3A_693, %mul3A_699 : i32
      %mul3A_701 = arith.constant 3200 : i32
      %mul3A_702 = arith.muli %select_n3A_693, %mul3A_701 : i32
      %dma_wait3A_703 = tpu.memref_slice %arg2[%mul3A_698, %mul3A_700] : memref<4096x12800xf32, #tpu.memory_space<hbm>> -> memref<8x3200xf32, #tpu.memory_space<hbm>>
      %dma_wait3A_704 = tpu.memref_slice %arg2[%mul3A_698, %mul3A_700] : memref<4096x12800xf32, #tpu.memory_space<hbm>> -> memref<8x3200xf32, #tpu.memory_space<hbm>>
      tpu.wait_dma2 semaphore(%arg11 : memref<!tpu.dma_semaphore, #tpu.memory_space<semaphore_mem>>) src(%dma_wait3A_704 : memref<8x3200xf32, #tpu.memory_space<hbm>>) dst(%arg7 : memref<8x3200xf32, #tpu.memory_space<vmem>>)
      %jit3A_705 = arith.constant 4 : i32
      %div3A_706 = arith.divsi %add3A_653, %jit3A_705 : i32
      %sign3A_707 = arith.constant 0 : i32
      %sign3A_708 = arith.cmpi sgt, %add3A_653, %sign3A_707 : i32
      %sign3A_709 = arith.extui %sign3A_708 : i1 to i32
      %sign3A_710 = arith.constant 0 : i32
      %sign3A_711 = arith.cmpi slt, %add3A_653, %sign3A_710 : i32
      %sign3A_712 = arith.extui %sign3A_711 : i1 to i32
      %sign3A_713 = arith.subi %sign3A_709, %sign3A_712 : i32
      %sign3A_714 = arith.constant 0 : i32
      %sign3A_715 = arith.cmpi sgt, %jit3A_705, %sign3A_714 : i32
      %sign3A_716 = arith.extui %sign3A_715 : i1 to i32
      %sign3A_717 = arith.constant 0 : i32
      %sign3A_718 = arith.cmpi slt, %jit3A_705, %sign3A_717 : i32
      %sign3A_719 = arith.extui %sign3A_718 : i1 to i32
      %sign3A_720 = arith.subi %sign3A_716, %sign3A_719 : i32
      %ne3A_721 = arith.cmpi ne, %sign3A_713, %sign3A_720 : i32
      %rem3A_722 = arith.remsi %add3A_653, %jit3A_705 : i32
      %ne3A_723 = arith.constant 0 : i32
      %ne3A_724 = arith.cmpi ne, %rem3A_722, %ne3A_723 : i32
      %and3A_725 = arith.andi %ne3A_721, %ne3A_724 : i1
      %sub3A_726 = arith.constant 1 : i32
      %sub3A_727 = arith.subi %div3A_706, %sub3A_726 : i32
      %select_n3A_728 = arith.select %and3A_725, %sub3A_727, %div3A_706 : i32
      %jit3A_729 = arith.constant 4 : i32
      %eq3A_730 = arith.constant 0 : i32
      %eq3A_731 = arith.cmpi eq, %jit3A_729, %eq3A_730 : i32
      %jit3A_732 = arith.constant 1 : i32
      %select_n3A_733 = arith.select %eq3A_731, %jit3A_732, %jit3A_729 : i32
      %rem3A_734 = arith.remsi %add3A_653, %select_n3A_733 : i32
      %ne3A_735 = arith.constant 0 : i32
      %ne3A_736 = arith.cmpi ne, %rem3A_734, %ne3A_735 : i32
      %lt3A_737 = arith.constant 0 : i32
      %lt3A_738 = arith.cmpi slt, %rem3A_734, %lt3A_737 : i32
      %lt3A_739 = arith.constant 0 : i32
      %lt3A_740 = arith.cmpi slt, %select_n3A_733, %lt3A_739 : i32
      %ne3A_741 = arith.xori %lt3A_738, %lt3A_740 : i1
      %and3A_742 = arith.andi %ne3A_741, %ne3A_736 : i1
      %add3A_743 = arith.addi %rem3A_734, %select_n3A_733 : i32
      %select_n3A_744 = arith.select %and3A_742, %add3A_743, %rem3A_734 : i32
      %mul3A_745 = arith.constant 16 : i32
      %mul3A_746 = arith.muli %add3A, %mul3A_745 : i32
      %add3A_747 = arith.addi %mul3A_746, %select_n3A_728 : i32
      %mul3A_748 = arith.constant 8 : i32
      %mul3A_749 = arith.muli %add3A_747, %mul3A_748 : i32
      %mul3A_750 = arith.constant 3200 : i32
      %mul3A_751 = arith.muli %select_n3A_744, %mul3A_750 : i32
      %mul3A_752 = arith.constant 3200 : i32
      %mul3A_753 = arith.muli %select_n3A_744, %mul3A_752 : i32
      %parallel_loop3A_754 = arith.constant 0 : i32
      %parallel_loop3A_755 = arith.constant 200 : i32
      %parallel_loop3A_756 = arith.constant 1 : i32
      scf.for %parallel_loop3A_1439 = %parallel_loop3A_754 to %parallel_loop3A_755 step %parallel_loop3A_756  : i32 {
        %parallel_loop3A_1440 = arith.constant 8 : i32
        %parallel_loop3A_1441 = arith.divsi %parallel_loop3A_1439, %parallel_loop3A_1440 : i32
        %parallel_loop3A_1442 = arith.constant 0 : i32
        %parallel_loop3A_1443 = arith.cmpi sgt, %parallel_loop3A_1439, %parallel_loop3A_1442 : i32
        %parallel_loop3A_1444 = arith.extui %parallel_loop3A_1443 : i1 to i32
        %parallel_loop3A_1445 = arith.constant 0 : i32
        %parallel_loop3A_1446 = arith.cmpi slt, %parallel_loop3A_1439, %parallel_loop3A_1445 : i32
        %parallel_loop3A_1447 = arith.extui %parallel_loop3A_1446 : i1 to i32
        %parallel_loop3A_1448 = arith.subi %parallel_loop3A_1444, %parallel_loop3A_1447 : i32
        %parallel_loop3A_1449 = arith.constant 0 : i32
        %parallel_loop3A_1450 = arith.cmpi sgt, %parallel_loop3A_1440, %parallel_loop3A_1449 : i32
        %parallel_loop3A_1451 = arith.extui %parallel_loop3A_1450 : i1 to i32
        %parallel_loop3A_1452 = arith.constant 0 : i32
        %parallel_loop3A_1453 = arith.cmpi slt, %parallel_loop3A_1440, %parallel_loop3A_1452 : i32
        %parallel_loop3A_1454 = arith.extui %parallel_loop3A_1453 : i1 to i32
        %parallel_loop3A_1455 = arith.subi %parallel_loop3A_1451, %parallel_loop3A_1454 : i32
        %parallel_loop3A_1456 = arith.cmpi ne, %parallel_loop3A_1448, %parallel_loop3A_1455 : i32
        %parallel_loop3A_1457 = arith.remsi %parallel_loop3A_1439, %parallel_loop3A_1440 : i32
        %parallel_loop3A_1458 = arith.constant 0 : i32
        %parallel_loop3A_1459 = arith.cmpi ne, %parallel_loop3A_1457, %parallel_loop3A_1458 : i32
        %parallel_loop3A_1460 = arith.andi %parallel_loop3A_1456, %parallel_loop3A_1459 : i1
        %parallel_loop3A_1461 = arith.constant 1 : i32
        %parallel_loop3A_1462 = arith.subi %parallel_loop3A_1441, %parallel_loop3A_1461 : i32
        %parallel_loop3A_1463 = arith.select %parallel_loop3A_1460, %parallel_loop3A_1462, %parallel_loop3A_1441 : i32
        %parallel_loop3A_1464 = arith.constant 128 : i32
        %parallel_loop3A_1465 = arith.muli %parallel_loop3A_1463, %parallel_loop3A_1464 : i32
        %parallel_loop3A_1466 = arith.constant 8 : i32
        %parallel_loop3A_1467 = arith.constant 0 : i32
        %parallel_loop3A_1468 = arith.cmpi eq, %parallel_loop3A_1466, %parallel_loop3A_1467 : i32
        %parallel_loop3A_1469 = arith.constant 1 : i32
        %parallel_loop3A_1470 = arith.select %parallel_loop3A_1468, %parallel_loop3A_1469, %parallel_loop3A_1466 : i32
        %parallel_loop3A_1471 = arith.remsi %parallel_loop3A_1439, %parallel_loop3A_1470 : i32
        %parallel_loop3A_1472 = arith.constant 0 : i32
        %parallel_loop3A_1473 = arith.cmpi ne, %parallel_loop3A_1471, %parallel_loop3A_1472 : i32
        %parallel_loop3A_1474 = arith.constant 0 : i32
        %parallel_loop3A_1475 = arith.cmpi slt, %parallel_loop3A_1471, %parallel_loop3A_1474 : i32
        %parallel_loop3A_1476 = arith.constant 0 : i32
        %parallel_loop3A_1477 = arith.cmpi slt, %parallel_loop3A_1470, %parallel_loop3A_1476 : i32
        %parallel_loop3A_1478 = arith.xori %parallel_loop3A_1475, %parallel_loop3A_1477 : i1
        %parallel_loop3A_1479 = arith.andi %parallel_loop3A_1478, %parallel_loop3A_1473 : i1
        %parallel_loop3A_1480 = arith.addi %parallel_loop3A_1471, %parallel_loop3A_1470 : i32
        %parallel_loop3A_1481 = arith.select %parallel_loop3A_1479, %parallel_loop3A_1480, %parallel_loop3A_1471 : i32
        %parallel_loop3A_1482 = arith.constant 16 : i32
        %parallel_loop3A_1483 = arith.muli %parallel_loop3A_1481, %parallel_loop3A_1482 : i32
        %parallel_loop3A_1484 = arith.addi %parallel_loop3A_1465, %parallel_loop3A_1483 : i32
        %parallel_loop3A_1485 = arith.addi %mul3A_753, %parallel_loop3A_1484 : i32
        %parallel_loop3A_1486 = arith.index_cast %parallel_loop3A_1485 : i32 to index
        %parallel_loop3A_1487 = tpu.vector_load %arg5[%parallel_loop3A_1486] {strides = array<i32>} : memref<12800xf32, #tpu.memory_space<vmem>>, vector<16xf32>,
        %parallel_loop3A_1488 = vector.shape_cast %parallel_loop3A_1487 : vector<16xf32> to vector<16xf32>
        %parallel_loop3A_1489 = arith.constant 0 : i32
        %parallel_loop3A_1490 = arith.index_cast %parallel_loop3A_1489 : i32 to index
        %parallel_loop3A_1491 = arith.index_cast %parallel_loop3A_1484 : i32 to index
        %parallel_loop3A_1492 = tpu.vector_load %arg7[%parallel_loop3A_1490, %parallel_loop3A_1491] {strides = array<i32>} : memref<8x3200xf32, #tpu.memory_space<vmem>>, vector<1x16xf32>,
        %parallel_loop3A_1493 = vector.shape_cast %parallel_loop3A_1492 : vector<1x16xf32> to vector<16xf32>
        %parallel_loop3A_1494 = vector.shape_cast %parallel_loop3A_1488 : vector<16xf32> to vector<1x16xf32>
        tpu.vector_store %arg7[%parallel_loop3A_1490, %parallel_loop3A_1491], %parallel_loop3A_1494 {add = true, strides = array<i32>} : memref<8x3200xf32, #tpu.memory_space<vmem>>, vector<1x16xf32>,
        %parallel_loop3A_1495 = arith.constant 1 : i32
        %parallel_loop3A_1496 = arith.index_cast %parallel_loop3A_1495 : i32 to index
        %parallel_loop3A_1497 = arith.index_cast %parallel_loop3A_1484 : i32 to index
        %parallel_loop3A_1498 = tpu.vector_load %arg7[%parallel_loop3A_1496, %parallel_loop3A_1497] {strides = array<i32>} : memref<8x3200xf32, #tpu.memory_space<vmem>>, vector<1x16xf32>,
        %parallel_loop3A_1499 = vector.shape_cast %parallel_loop3A_1498 : vector<1x16xf32> to vector<16xf32>
        %parallel_loop3A_1500 = vector.shape_cast %parallel_loop3A_1488 : vector<16xf32> to vector<1x16xf32>
        tpu.vector_store %arg7[%parallel_loop3A_1496, %parallel_loop3A_1497], %parallel_loop3A_1500 {add = true, strides = array<i32>} : memref<8x3200xf32, #tpu.memory_space<vmem>>, vector<1x16xf32>,
        %parallel_loop3A_1501 = arith.constant 2 : i32
        %parallel_loop3A_1502 = arith.index_cast %parallel_loop3A_1501 : i32 to index
        %parallel_loop3A_1503 = arith.index_cast %parallel_loop3A_1484 : i32 to index
        %parallel_loop3A_1504 = tpu.vector_load %arg7[%parallel_loop3A_1502, %parallel_loop3A_1503] {strides = array<i32>} : memref<8x3200xf32, #tpu.memory_space<vmem>>, vector<1x16xf32>,
        %parallel_loop3A_1505 = vector.shape_cast %parallel_loop3A_1504 : vector<1x16xf32> to vector<16xf32>
        %parallel_loop3A_1506 = vector.shape_cast %parallel_loop3A_1488 : vector<16xf32> to vector<1x16xf32>
        tpu.vector_store %arg7[%parallel_loop3A_1502, %parallel_loop3A_1503], %parallel_loop3A_1506 {add = true, strides = array<i32>} : memref<8x3200xf32, #tpu.memory_space<vmem>>, vector<1x16xf32>,
        %parallel_loop3A_1507 = arith.constant 3 : i32
        %parallel_loop3A_1508 = arith.index_cast %parallel_loop3A_1507 : i32 to index
        %parallel_loop3A_1509 = arith.index_cast %parallel_loop3A_1484 : i32 to index
        %parallel_loop3A_1510 = tpu.vector_load %arg7[%parallel_loop3A_1508, %parallel_loop3A_1509] {strides = array<i32>} : memref<8x3200xf32, #tpu.memory_space<vmem>>, vector<1x16xf32>,
        %parallel_loop3A_1511 = vector.shape_cast %parallel_loop3A_1510 : vector<1x16xf32> to vector<16xf32>
        %parallel_loop3A_1512 = vector.shape_cast %parallel_loop3A_1488 : vector<16xf32> to vector<1x16xf32>
        tpu.vector_store %arg7[%parallel_loop3A_1508, %parallel_loop3A_1509], %parallel_loop3A_1512 {add = true, strides = array<i32>} : memref<8x3200xf32, #tpu.memory_space<vmem>>, vector<1x16xf32>,
        %parallel_loop3A_1513 = arith.constant 4 : i32
        %parallel_loop3A_1514 = arith.index_cast %parallel_loop3A_1513 : i32 to index
        %parallel_loop3A_1515 = arith.index_cast %parallel_loop3A_1484 : i32 to index
        %parallel_loop3A_1516 = tpu.vector_load %arg7[%parallel_loop3A_1514, %parallel_loop3A_1515] {strides = array<i32>} : memref<8x3200xf32, #tpu.memory_space<vmem>>, vector<1x16xf32>,
        %parallel_loop3A_1517 = vector.shape_cast %parallel_loop3A_1516 : vector<1x16xf32> to vector<16xf32>
        %parallel_loop3A_1518 = vector.shape_cast %parallel_loop3A_1488 : vector<16xf32> to vector<1x16xf32>
        tpu.vector_store %arg7[%parallel_loop3A_1514, %parallel_loop3A_1515], %parallel_loop3A_1518 {add = true, strides = array<i32>} : memref<8x3200xf32, #tpu.memory_space<vmem>>, vector<1x16xf32>,
        %parallel_loop3A_1519 = arith.constant 5 : i32
        %parallel_loop3A_1520 = arith.index_cast %parallel_loop3A_1519 : i32 to index
        %parallel_loop3A_1521 = arith.index_cast %parallel_loop3A_1484 : i32 to index
        %parallel_loop3A_1522 = tpu.vector_load %arg7[%parallel_loop3A_1520, %parallel_loop3A_1521] {strides = array<i32>} : memref<8x3200xf32, #tpu.memory_space<vmem>>, vector<1x16xf32>,
        %parallel_loop3A_1523 = vector.shape_cast %parallel_loop3A_1522 : vector<1x16xf32> to vector<16xf32>
        %parallel_loop3A_1524 = vector.shape_cast %parallel_loop3A_1488 : vector<16xf32> to vector<1x16xf32>
        tpu.vector_store %arg7[%parallel_loop3A_1520, %parallel_loop3A_1521], %parallel_loop3A_1524 {add = true, strides = array<i32>} : memref<8x3200xf32, #tpu.memory_space<vmem>>, vector<1x16xf32>,
        %parallel_loop3A_1525 = arith.constant 6 : i32
        %parallel_loop3A_1526 = arith.index_cast %parallel_loop3A_1525 : i32 to index
        %parallel_loop3A_1527 = arith.index_cast %parallel_loop3A_1484 : i32 to index
        %parallel_loop3A_1528 = tpu.vector_load %arg7[%parallel_loop3A_1526, %parallel_loop3A_1527] {strides = array<i32>} : memref<8x3200xf32, #tpu.memory_space<vmem>>, vector<1x16xf32>,
        %parallel_loop3A_1529 = vector.shape_cast %parallel_loop3A_1528 : vector<1x16xf32> to vector<16xf32>
        %parallel_loop3A_1530 = vector.shape_cast %parallel_loop3A_1488 : vector<16xf32> to vector<1x16xf32>
        tpu.vector_store %arg7[%parallel_loop3A_1526, %parallel_loop3A_1527], %parallel_loop3A_1530 {add = true, strides = array<i32>} : memref<8x3200xf32, #tpu.memory_space<vmem>>, vector<1x16xf32>,
        %parallel_loop3A_1531 = arith.constant 7 : i32
        %parallel_loop3A_1532 = arith.index_cast %parallel_loop3A_1531 : i32 to index
        %parallel_loop3A_1533 = arith.index_cast %parallel_loop3A_1484 : i32 to index
        %parallel_loop3A_1534 = tpu.vector_load %arg7[%parallel_loop3A_1532, %parallel_loop3A_1533] {strides = array<i32>} : memref<8x3200xf32, #tpu.memory_space<vmem>>, vector<1x16xf32>,
        %parallel_loop3A_1535 = vector.shape_cast %parallel_loop3A_1534 : vector<1x16xf32> to vector<16xf32>
        %parallel_loop3A_1536 = vector.shape_cast %parallel_loop3A_1488 : vector<16xf32> to vector<1x16xf32>
        tpu.vector_store %arg7[%parallel_loop3A_1532, %parallel_loop3A_1533], %parallel_loop3A_1536 {add = true, strides = array<i32>} : memref<8x3200xf32, #tpu.memory_space<vmem>>, vector<1x16xf32>,
      } {sc.loop_unroll_factor = 2 : i64, sc.parallel_access}
      %jit3A_757 = arith.constant 4 : i32
      %div3A_758 = arith.divsi %add3A_653, %jit3A_757 : i32
      %sign3A_759 = arith.constant 0 : i32
      %sign3A_760 = arith.cmpi sgt, %add3A_653, %sign3A_759 : i32
      %sign3A_761 = arith.extui %sign3A_760 : i1 to i32
      %sign3A_762 = arith.constant 0 : i32
      %sign3A_763 = arith.cmpi slt, %add3A_653, %sign3A_762 : i32
      %sign3A_764 = arith.extui %sign3A_763 : i1 to i32
      %sign3A_765 = arith.subi %sign3A_761, %sign3A_764 : i32
      %sign3A_766 = arith.constant 0 : i32
      %sign3A_767 = arith.cmpi sgt, %jit3A_757, %sign3A_766 : i32
      %sign3A_768 = arith.extui %sign3A_767 : i1 to i32
      %sign3A_769 = arith.constant 0 : i32
      %sign3A_770 = arith.cmpi slt, %jit3A_757, %sign3A_769 : i32
      %sign3A_771 = arith.extui %sign3A_770 : i1 to i32
      %sign3A_772 = arith.subi %sign3A_768, %sign3A_771 : i32
      %ne3A_773 = arith.cmpi ne, %sign3A_765, %sign3A_772 : i32
      %rem3A_774 = arith.remsi %add3A_653, %jit3A_757 : i32
      %ne3A_775 = arith.constant 0 : i32
      %ne3A_776 = arith.cmpi ne, %rem3A_774, %ne3A_775 : i32
      %and3A_777 = arith.andi %ne3A_773, %ne3A_776 : i1
      %sub3A_778 = arith.constant 1 : i32
      %sub3A_779 = arith.subi %div3A_758, %sub3A_778 : i32
      %select_n3A_780 = arith.select %and3A_777, %sub3A_779, %div3A_758 : i32
      %jit3A_781 = arith.constant 4 : i32
      %eq3A_782 = arith.constant 0 : i32
      %eq3A_783 = arith.cmpi eq, %jit3A_781, %eq3A_782 : i32
      %jit3A_784 = arith.constant 1 : i32
      %select_n3A_785 = arith.select %eq3A_783, %jit3A_784, %jit3A_781 : i32
      %rem3A_786 = arith.remsi %add3A_653, %select_n3A_785 : i32
      %ne3A_787 = arith.constant 0 : i32
      %ne3A_788 = arith.cmpi ne, %rem3A_786, %ne3A_787 : i32
      %lt3A_789 = arith.constant 0 : i32
      %lt3A_790 = arith.cmpi slt, %rem3A_786, %lt3A_789 : i32
      %lt3A_791 = arith.constant 0 : i32
      %lt3A_792 = arith.cmpi slt, %select_n3A_785, %lt3A_791 : i32
      %ne3A_793 = arith.xori %lt3A_790, %lt3A_792 : i1
      %and3A_794 = arith.andi %ne3A_793, %ne3A_788 : i1
      %add3A_795 = arith.addi %rem3A_786, %select_n3A_785 : i32
      %select_n3A_796 = arith.select %and3A_794, %add3A_795, %rem3A_786 : i32
      %mul3A_797 = arith.constant 16 : i32
      %mul3A_798 = arith.muli %add3A, %mul3A_797 : i32
      %add3A_799 = arith.addi %mul3A_798, %select_n3A_780 : i32
      %mul3A_800 = arith.constant 8 : i32
      %mul3A_801 = arith.muli %add3A_799, %mul3A_800 : i32
      %mul3A_802 = arith.constant 3200 : i32
      %mul3A_803 = arith.muli %select_n3A_796, %mul3A_802 : i32
      %mul3A_804 = arith.constant 3200 : i32
      %mul3A_805 = arith.muli %select_n3A_796, %mul3A_804 : i32
      %dma_start3A_806 = tpu.memref_slice %arg4[%mul3A_801, %mul3A_803] : memref<4096x12800xf32, #tpu.memory_space<hbm>> -> memref<8x3200xf32, #tpu.memory_space<hbm>>
      %dma_start3A_807 = tpu.memref_slice %arg4[%mul3A_801, %mul3A_803] : memref<4096x12800xf32, #tpu.memory_space<hbm>> -> memref<8x3200xf32, #tpu.memory_space<hbm>>
      tpu.enqueue_dma source(%arg7 : memref<8x3200xf32, #tpu.memory_space<vmem>>) target(%dma_start3A_807 : memref<8x3200xf32, #tpu.memory_space<hbm>>) target_semaphore(%arg15 : memref<!tpu.dma_semaphore, #tpu.memory_space<semaphore_mem>>)
      %sub3A_808 = arith.constant 2 : i32
      %sub3A_809 = arith.subi %add3A_653, %sub3A_808 : i32
      %jit3A_810 = arith.constant 4 : i32
      %div3A_811 = arith.divsi %sub3A_809, %jit3A_810 : i32
      %sign3A_812 = arith.constant 0 : i32
      %sign3A_813 = arith.cmpi sgt, %sub3A_809, %sign3A_812 : i32
      %sign3A_814 = arith.extui %sign3A_813 : i1 to i32
      %sign3A_815 = arith.constant 0 : i32
      %sign3A_816 = arith.cmpi slt, %sub3A_809, %sign3A_815 : i32
      %sign3A_817 = arith.extui %sign3A_816 : i1 to i32
      %sign3A_818 = arith.subi %sign3A_814, %sign3A_817 : i32
      %sign3A_819 = arith.constant 0 : i32
      %sign3A_820 = arith.cmpi sgt, %jit3A_810, %sign3A_819 : i32
      %sign3A_821 = arith.extui %sign3A_820 : i1 to i32
      %sign3A_822 = arith.constant 0 : i32
      %sign3A_823 = arith.cmpi slt, %jit3A_810, %sign3A_822 : i32
      %sign3A_824 = arith.extui %sign3A_823 : i1 to i32
      %sign3A_825 = arith.subi %sign3A_821, %sign3A_824 : i32
      %ne3A_826 = arith.cmpi ne, %sign3A_818, %sign3A_825 : i32
      %rem3A_827 = arith.remsi %sub3A_809, %jit3A_810 : i32
      %ne3A_828 = arith.constant 0 : i32
      %ne3A_829 = arith.cmpi ne, %rem3A_827, %ne3A_828 : i32
      %and3A_830 = arith.andi %ne3A_826, %ne3A_829 : i1
      %sub3A_831 = arith.constant 1 : i32
      %sub3A_832 = arith.subi %div3A_811, %sub3A_831 : i32
      %select_n3A_833 = arith.select %and3A_830, %sub3A_832, %div3A_811 : i32
      %jit3A_834 = arith.constant 4 : i32
      %eq3A_835 = arith.constant 0 : i32
      %eq3A_836 = arith.cmpi eq, %jit3A_834, %eq3A_835 : i32
      %jit3A_837 = arith.constant 1 : i32
      %select_n3A_838 = arith.select %eq3A_836, %jit3A_837, %jit3A_834 : i32
      %rem3A_839 = arith.remsi %sub3A_809, %select_n3A_838 : i32
      %ne3A_840 = arith.constant 0 : i32
      %ne3A_841 = arith.cmpi ne, %rem3A_839, %ne3A_840 : i32
      %lt3A_842 = arith.constant 0 : i32
      %lt3A_843 = arith.cmpi slt, %rem3A_839, %lt3A_842 : i32
      %lt3A_844 = arith.constant 0 : i32
      %lt3A_845 = arith.cmpi slt, %select_n3A_838, %lt3A_844 : i32
      %ne3A_846 = arith.xori %lt3A_843, %lt3A_845 : i1
      %and3A_847 = arith.andi %ne3A_846, %ne3A_841 : i1
      %add3A_848 = arith.addi %rem3A_839, %select_n3A_838 : i32
      %select_n3A_849 = arith.select %and3A_847, %add3A_848, %rem3A_839 : i32
      %mul3A_850 = arith.constant 16 : i32
      %mul3A_851 = arith.muli %add3A, %mul3A_850 : i32
      %add3A_852 = arith.addi %mul3A_851, %select_n3A_833 : i32
      %mul3A_853 = arith.constant 8 : i32
      %mul3A_854 = arith.muli %add3A_852, %mul3A_853 : i32
      %mul3A_855 = arith.constant 3200 : i32
      %mul3A_856 = arith.muli %select_n3A_849, %mul3A_855 : i32
      %mul3A_857 = arith.constant 3200 : i32
      %mul3A_858 = arith.muli %select_n3A_849, %mul3A_857 : i32
      %dma_wait3A_859 = tpu.memref_slice %arg4[%mul3A_854, %mul3A_856] : memref<4096x12800xf32, #tpu.memory_space<hbm>> -> memref<8x3200xf32, #tpu.memory_space<hbm>>
      %dma_wait3A_860 = tpu.memref_slice %arg4[%mul3A_854, %mul3A_856] : memref<4096x12800xf32, #tpu.memory_space<hbm>> -> memref<8x3200xf32, #tpu.memory_space<hbm>>
      tpu.wait_dma2 semaphore(%arg17 : memref<!tpu.dma_semaphore, #tpu.memory_space<semaphore_mem>>) src(%arg9 : memref<8x3200xf32, #tpu.memory_space<vmem>>) dst(%dma_wait3A_860 : memref<8x3200xf32, #tpu.memory_space<hbm>>)
      %add3A_861 = arith.constant 2 : i32
      %add3A_862 = arith.addi %add3A_653, %add3A_861 : i32
      %jit3A_863 = arith.constant 4 : i32
      %div3A_864 = arith.divsi %add3A_862, %jit3A_863 : i32
      %sign3A_865 = arith.constant 0 : i32
      %sign3A_866 = arith.cmpi sgt, %add3A_862, %sign3A_865 : i32
      %sign3A_867 = arith.extui %sign3A_866 : i1 to i32
      %sign3A_868 = arith.constant 0 : i32
      %sign3A_869 = arith.cmpi slt, %add3A_862, %sign3A_868 : i32
      %sign3A_870 = arith.extui %sign3A_869 : i1 to i32
      %sign3A_871 = arith.subi %sign3A_867, %sign3A_870 : i32
      %sign3A_872 = arith.constant 0 : i32
      %sign3A_873 = arith.cmpi sgt, %jit3A_863, %sign3A_872 : i32
      %sign3A_874 = arith.extui %sign3A_873 : i1 to i32
      %sign3A_875 = arith.constant 0 : i32
      %sign3A_876 = arith.cmpi slt, %jit3A_863, %sign3A_875 : i32
      %sign3A_877 = arith.extui %sign3A_876 : i1 to i32
      %sign3A_878 = arith.subi %sign3A_874, %sign3A_877 : i32
      %ne3A_879 = arith.cmpi ne, %sign3A_871, %sign3A_878 : i32
      %rem3A_880 = arith.remsi %add3A_862, %jit3A_863 : i32
      %ne3A_881 = arith.constant 0 : i32
      %ne3A_882 = arith.cmpi ne, %rem3A_880, %ne3A_881 : i32
      %and3A_883 = arith.andi %ne3A_879, %ne3A_882 : i1
      %sub3A_884 = arith.constant 1 : i32
      %sub3A_885 = arith.subi %div3A_864, %sub3A_884 : i32
      %select_n3A_886 = arith.select %and3A_883, %sub3A_885, %div3A_864 : i32
      %jit3A_887 = arith.constant 4 : i32
      %eq3A_888 = arith.constant 0 : i32
      %eq3A_889 = arith.cmpi eq, %jit3A_887, %eq3A_888 : i32
      %jit3A_890 = arith.constant 1 : i32
      %select_n3A_891 = arith.select %eq3A_889, %jit3A_890, %jit3A_887 : i32
      %rem3A_892 = arith.remsi %add3A_862, %select_n3A_891 : i32
      %ne3A_893 = arith.constant 0 : i32
      %ne3A_894 = arith.cmpi ne, %rem3A_892, %ne3A_893 : i32
      %lt3A_895 = arith.constant 0 : i32
      %lt3A_896 = arith.cmpi slt, %rem3A_892, %lt3A_895 : i32
      %lt3A_897 = arith.constant 0 : i32
      %lt3A_898 = arith.cmpi slt, %select_n3A_891, %lt3A_897 : i32
      %ne3A_899 = arith.xori %lt3A_896, %lt3A_898 : i1
      %and3A_900 = arith.andi %ne3A_899, %ne3A_894 : i1
      %add3A_901 = arith.addi %rem3A_892, %select_n3A_891 : i32
      %select_n3A_902 = arith.select %and3A_900, %add3A_901, %rem3A_892 : i32
      %mul3A_903 = arith.constant 16 : i32
      %mul3A_904 = arith.muli %add3A, %mul3A_903 : i32
      %add3A_905 = arith.addi %mul3A_904, %select_n3A_886 : i32
      %mul3A_906 = arith.constant 8 : i32
      %mul3A_907 = arith.muli %add3A_905, %mul3A_906 : i32
      %mul3A_908 = arith.constant 3200 : i32
      %mul3A_909 = arith.muli %select_n3A_902, %mul3A_908 : i32
      %mul3A_910 = arith.constant 3200 : i32
      %mul3A_911 = arith.muli %select_n3A_902, %mul3A_910 : i32
      %dma_start3A_912 = tpu.memref_slice %arg2[%mul3A_907, %mul3A_909] : memref<4096x12800xf32, #tpu.memory_space<hbm>> -> memref<8x3200xf32, #tpu.memory_space<hbm>>
      %dma_start3A_913 = tpu.memref_slice %arg2[%mul3A_907, %mul3A_909] : memref<4096x12800xf32, #tpu.memory_space<hbm>> -> memref<8x3200xf32, #tpu.memory_space<hbm>>
      tpu.enqueue_dma source(%dma_start3A_913 : memref<8x3200xf32, #tpu.memory_space<hbm>>) target(%arg9 : memref<8x3200xf32, #tpu.memory_space<vmem>>) target_semaphore(%arg13 : memref<!tpu.dma_semaphore, #tpu.memory_space<semaphore_mem>>)
      %add3A_914 = arith.constant 2 : i32
      %add3A_915 = arith.addi %mul3A_399, %add3A_914 : i32
      %jit3A_916 = arith.constant 4 : i32
      %div3A_917 = arith.divsi %add3A_915, %jit3A_916 : i32
      %sign3A_918 = arith.constant 0 : i32
      %sign3A_919 = arith.cmpi sgt, %add3A_915, %sign3A_918 : i32
      %sign3A_920 = arith.extui %sign3A_919 : i1 to i32
      %sign3A_921 = arith.constant 0 : i32
      %sign3A_922 = arith.cmpi slt, %add3A_915, %sign3A_921 : i32
      %sign3A_923 = arith.extui %sign3A_922 : i1 to i32
      %sign3A_924 = arith.subi %sign3A_920, %sign3A_923 : i32
      %sign3A_925 = arith.constant 0 : i32
      %sign3A_926 = arith.cmpi sgt, %jit3A_916, %sign3A_925 : i32
      %sign3A_927 = arith.extui %sign3A_926 : i1 to i32
      %sign3A_928 = arith.constant 0 : i32
      %sign3A_929 = arith.cmpi slt, %jit3A_916, %sign3A_928 : i32
      %sign3A_930 = arith.extui %sign3A_929 : i1 to i32
      %sign3A_931 = arith.subi %sign3A_927, %sign3A_930 : i32
      %ne3A_932 = arith.cmpi ne, %sign3A_924, %sign3A_931 : i32
      %rem3A_933 = arith.remsi %add3A_915, %jit3A_916 : i32
      %ne3A_934 = arith.constant 0 : i32
      %ne3A_935 = arith.cmpi ne, %rem3A_933, %ne3A_934 : i32
      %and3A_936 = arith.andi %ne3A_932, %ne3A_935 : i1
      %sub3A_937 = arith.constant 1 : i32
      %sub3A_938 = arith.subi %div3A_917, %sub3A_937 : i32
      %select_n3A_939 = arith.select %and3A_936, %sub3A_938, %div3A_917 : i32
      %jit3A_940 = arith.constant 4 : i32
      %eq3A_941 = arith.constant 0 : i32
      %eq3A_942 = arith.cmpi eq, %jit3A_940, %eq3A_941 : i32
      %jit3A_943 = arith.constant 1 : i32
      %select_n3A_944 = arith.select %eq3A_942, %jit3A_943, %jit3A_940 : i32
      %rem3A_945 = arith.remsi %add3A_915, %select_n3A_944 : i32
      %ne3A_946 = arith.constant 0 : i32
      %ne3A_947 = arith.cmpi ne, %rem3A_945, %ne3A_946 : i32
      %lt3A_948 = arith.constant 0 : i32
      %lt3A_949 = arith.cmpi slt, %rem3A_945, %lt3A_948 : i32
      %lt3A_950 = arith.constant 0 : i32
      %lt3A_951 = arith.cmpi slt, %select_n3A_944, %lt3A_950 : i32
      %ne3A_952 = arith.xori %lt3A_949, %lt3A_951 : i1
      %and3A_953 = arith.andi %ne3A_952, %ne3A_947 : i1
      %add3A_954 = arith.addi %rem3A_945, %select_n3A_944 : i32
      %select_n3A_955 = arith.select %and3A_953, %add3A_954, %rem3A_945 : i32
      %mul3A_956 = arith.constant 16 : i32
      %mul3A_957 = arith.muli %add3A, %mul3A_956 : i32
      %add3A_958 = arith.addi %mul3A_957, %select_n3A_939 : i32
      %mul3A_959 = arith.constant 8 : i32
      %mul3A_960 = arith.muli %add3A_958, %mul3A_959 : i32
      %mul3A_961 = arith.constant 3200 : i32
      %mul3A_962 = arith.muli %select_n3A_955, %mul3A_961 : i32
      %mul3A_963 = arith.constant 3200 : i32
      %mul3A_964 = arith.muli %select_n3A_955, %mul3A_963 : i32
      %dma_wait3A_965 = tpu.memref_slice %arg2[%mul3A_960, %mul3A_962] : memref<4096x12800xf32, #tpu.memory_space<hbm>> -> memref<8x3200xf32, #tpu.memory_space<hbm>>
      %dma_wait3A_966 = tpu.memref_slice %arg2[%mul3A_960, %mul3A_962] : memref<4096x12800xf32, #tpu.memory_space<hbm>> -> memref<8x3200xf32, #tpu.memory_space<hbm>>
      tpu.wait_dma2 semaphore(%arg12 : memref<!tpu.dma_semaphore, #tpu.memory_space<semaphore_mem>>) src(%dma_wait3A_966 : memref<8x3200xf32, #tpu.memory_space<hbm>>) dst(%arg8 : memref<8x3200xf32, #tpu.memory_space<vmem>>)
      %jit3A_967 = arith.constant 4 : i32
      %div3A_968 = arith.divsi %add3A_915, %jit3A_967 : i32
      %sign3A_969 = arith.constant 0 : i32
      %sign3A_970 = arith.cmpi sgt, %add3A_915, %sign3A_969 : i32
      %sign3A_971 = arith.extui %sign3A_970 : i1 to i32
      %sign3A_972 = arith.constant 0 : i32
      %sign3A_973 = arith.cmpi slt, %add3A_915, %sign3A_972 : i32
      %sign3A_974 = arith.extui %sign3A_973 : i1 to i32
      %sign3A_975 = arith.subi %sign3A_971, %sign3A_974 : i32
      %sign3A_976 = arith.constant 0 : i32
      %sign3A_977 = arith.cmpi sgt, %jit3A_967, %sign3A_976 : i32
      %sign3A_978 = arith.extui %sign3A_977 : i1 to i32
      %sign3A_979 = arith.constant 0 : i32
      %sign3A_980 = arith.cmpi slt, %jit3A_967, %sign3A_979 : i32
      %sign3A_981 = arith.extui %sign3A_980 : i1 to i32
      %sign3A_982 = arith.subi %sign3A_978, %sign3A_981 : i32
      %ne3A_983 = arith.cmpi ne, %sign3A_975, %sign3A_982 : i32
      %rem3A_984 = arith.remsi %add3A_915, %jit3A_967 : i32
      %ne3A_985 = arith.constant 0 : i32
      %ne3A_986 = arith.cmpi ne, %rem3A_984, %ne3A_985 : i32
      %and3A_987 = arith.andi %ne3A_983, %ne3A_986 : i1
      %sub3A_988 = arith.constant 1 : i32
      %sub3A_989 = arith.subi %div3A_968, %sub3A_988 : i32
      %select_n3A_990 = arith.select %and3A_987, %sub3A_989, %div3A_968 : i32
      %jit3A_991 = arith.constant 4 : i32
      %eq3A_992 = arith.constant 0 : i32
      %eq3A_993 = arith.cmpi eq, %jit3A_991, %eq3A_992 : i32
      %jit3A_994 = arith.constant 1 : i32
      %select_n3A_995 = arith.select %eq3A_993, %jit3A_994, %jit3A_991 : i32
      %rem3A_996 = arith.remsi %add3A_915, %select_n3A_995 : i32
      %ne3A_997 = arith.constant 0 : i32
      %ne3A_998 = arith.cmpi ne, %rem3A_996, %ne3A_997 : i32
      %lt3A_999 = arith.constant 0 : i32
      %lt3A_1000 = arith.cmpi slt, %rem3A_996, %lt3A_999 : i32
      %lt3A_1001 = arith.constant 0 : i32
      %lt3A_1002 = arith.cmpi slt, %select_n3A_995, %lt3A_1001 : i32
      %ne3A_1003 = arith.xori %lt3A_1000, %lt3A_1002 : i1
      %and3A_1004 = arith.andi %ne3A_1003, %ne3A_998 : i1
      %add3A_1005 = arith.addi %rem3A_996, %select_n3A_995 : i32
      %select_n3A_1006 = arith.select %and3A_1004, %add3A_1005, %rem3A_996 : i32
      %mul3A_1007 = arith.constant 16 : i32
      %mul3A_1008 = arith.muli %add3A, %mul3A_1007 : i32
      %add3A_1009 = arith.addi %mul3A_1008, %select_n3A_990 : i32
      %mul3A_1010 = arith.constant 8 : i32
      %mul3A_1011 = arith.muli %add3A_1009, %mul3A_1010 : i32
      %mul3A_1012 = arith.constant 3200 : i32
      %mul3A_1013 = arith.muli %select_n3A_1006, %mul3A_1012 : i32
      %mul3A_1014 = arith.constant 3200 : i32
      %mul3A_1015 = arith.muli %select_n3A_1006, %mul3A_1014 : i32
      %parallel_loop3A_1016 = arith.constant 0 : i32
      %parallel_loop3A_1017 = arith.constant 200 : i32
      %parallel_loop3A_1018 = arith.constant 1 : i32
      scf.for %parallel_loop3A_1439 = %parallel_loop3A_1016 to %parallel_loop3A_1017 step %parallel_loop3A_1018  : i32 {
        %parallel_loop3A_1440 = arith.constant 8 : i32
        %parallel_loop3A_1441 = arith.divsi %parallel_loop3A_1439, %parallel_loop3A_1440 : i32
        %parallel_loop3A_1442 = arith.constant 0 : i32
        %parallel_loop3A_1443 = arith.cmpi sgt, %parallel_loop3A_1439, %parallel_loop3A_1442 : i32
        %parallel_loop3A_1444 = arith.extui %parallel_loop3A_1443 : i1 to i32
        %parallel_loop3A_1445 = arith.constant 0 : i32
        %parallel_loop3A_1446 = arith.cmpi slt, %parallel_loop3A_1439, %parallel_loop3A_1445 : i32
        %parallel_loop3A_1447 = arith.extui %parallel_loop3A_1446 : i1 to i32
        %parallel_loop3A_1448 = arith.subi %parallel_loop3A_1444, %parallel_loop3A_1447 : i32
        %parallel_loop3A_1449 = arith.constant 0 : i32
        %parallel_loop3A_1450 = arith.cmpi sgt, %parallel_loop3A_1440, %parallel_loop3A_1449 : i32
        %parallel_loop3A_1451 = arith.extui %parallel_loop3A_1450 : i1 to i32
        %parallel_loop3A_1452 = arith.constant 0 : i32
        %parallel_loop3A_1453 = arith.cmpi slt, %parallel_loop3A_1440, %parallel_loop3A_1452 : i32
        %parallel_loop3A_1454 = arith.extui %parallel_loop3A_1453 : i1 to i32
        %parallel_loop3A_1455 = arith.subi %parallel_loop3A_1451, %parallel_loop3A_1454 : i32
        %parallel_loop3A_1456 = arith.cmpi ne, %parallel_loop3A_1448, %parallel_loop3A_1455 : i32
        %parallel_loop3A_1457 = arith.remsi %parallel_loop3A_1439, %parallel_loop3A_1440 : i32
        %parallel_loop3A_1458 = arith.constant 0 : i32
        %parallel_loop3A_1459 = arith.cmpi ne, %parallel_loop3A_1457, %parallel_loop3A_1458 : i32
        %parallel_loop3A_1460 = arith.andi %parallel_loop3A_1456, %parallel_loop3A_1459 : i1
        %parallel_loop3A_1461 = arith.constant 1 : i32
        %parallel_loop3A_1462 = arith.subi %parallel_loop3A_1441, %parallel_loop3A_1461 : i32
        %parallel_loop3A_1463 = arith.select %parallel_loop3A_1460, %parallel_loop3A_1462, %parallel_loop3A_1441 : i32
        %parallel_loop3A_1464 = arith.constant 128 : i32
        %parallel_loop3A_1465 = arith.muli %parallel_loop3A_1463, %parallel_loop3A_1464 : i32
        %parallel_loop3A_1466 = arith.constant 8 : i32
        %parallel_loop3A_1467 = arith.constant 0 : i32
        %parallel_loop3A_1468 = arith.cmpi eq, %parallel_loop3A_1466, %parallel_loop3A_1467 : i32
        %parallel_loop3A_1469 = arith.constant 1 : i32
        %parallel_loop3A_1470 = arith.select %parallel_loop3A_1468, %parallel_loop3A_1469, %parallel_loop3A_1466 : i32
        %parallel_loop3A_1471 = arith.remsi %parallel_loop3A_1439, %parallel_loop3A_1470 : i32
        %parallel_loop3A_1472 = arith.constant 0 : i32
        %parallel_loop3A_1473 = arith.cmpi ne, %parallel_loop3A_1471, %parallel_loop3A_1472 : i32
        %parallel_loop3A_1474 = arith.constant 0 : i32
        %parallel_loop3A_1475 = arith.cmpi slt, %parallel_loop3A_1471, %parallel_loop3A_1474 : i32
        %parallel_loop3A_1476 = arith.constant 0 : i32
        %parallel_loop3A_1477 = arith.cmpi slt, %parallel_loop3A_1470, %parallel_loop3A_1476 : i32
        %parallel_loop3A_1478 = arith.xori %parallel_loop3A_1475, %parallel_loop3A_1477 : i1
        %parallel_loop3A_1479 = arith.andi %parallel_loop3A_1478, %parallel_loop3A_1473 : i1
        %parallel_loop3A_1480 = arith.addi %parallel_loop3A_1471, %parallel_loop3A_1470 : i32
        %parallel_loop3A_1481 = arith.select %parallel_loop3A_1479, %parallel_loop3A_1480, %parallel_loop3A_1471 : i32
        %parallel_loop3A_1482 = arith.constant 16 : i32
        %parallel_loop3A_1483 = arith.muli %parallel_loop3A_1481, %parallel_loop3A_1482 : i32
        %parallel_loop3A_1484 = arith.addi %parallel_loop3A_1465, %parallel_loop3A_1483 : i32
        %parallel_loop3A_1485 = arith.addi %mul3A_1015, %parallel_loop3A_1484 : i32
        %parallel_loop3A_1486 = arith.index_cast %parallel_loop3A_1485 : i32 to index
        %parallel_loop3A_1487 = tpu.vector_load %arg5[%parallel_loop3A_1486] {strides = array<i32>} : memref<12800xf32, #tpu.memory_space<vmem>>, vector<16xf32>,
        %parallel_loop3A_1488 = vector.shape_cast %parallel_loop3A_1487 : vector<16xf32> to vector<16xf32>
        %parallel_loop3A_1489 = arith.constant 0 : i32
        %parallel_loop3A_1490 = arith.index_cast %parallel_loop3A_1489 : i32 to index
        %parallel_loop3A_1491 = arith.index_cast %parallel_loop3A_1484 : i32 to index
        %parallel_loop3A_1492 = tpu.vector_load %arg8[%parallel_loop3A_1490, %parallel_loop3A_1491] {strides = array<i32>} : memref<8x3200xf32, #tpu.memory_space<vmem>>, vector<1x16xf32>,
        %parallel_loop3A_1493 = vector.shape_cast %parallel_loop3A_1492 : vector<1x16xf32> to vector<16xf32>
        %parallel_loop3A_1494 = vector.shape_cast %parallel_loop3A_1488 : vector<16xf32> to vector<1x16xf32>
        tpu.vector_store %arg8[%parallel_loop3A_1490, %parallel_loop3A_1491], %parallel_loop3A_1494 {add = true, strides = array<i32>} : memref<8x3200xf32, #tpu.memory_space<vmem>>, vector<1x16xf32>,
        %parallel_loop3A_1495 = arith.constant 1 : i32
        %parallel_loop3A_1496 = arith.index_cast %parallel_loop3A_1495 : i32 to index
        %parallel_loop3A_1497 = arith.index_cast %parallel_loop3A_1484 : i32 to index
        %parallel_loop3A_1498 = tpu.vector_load %arg8[%parallel_loop3A_1496, %parallel_loop3A_1497] {strides = array<i32>} : memref<8x3200xf32, #tpu.memory_space<vmem>>, vector<1x16xf32>,
        %parallel_loop3A_1499 = vector.shape_cast %parallel_loop3A_1498 : vector<1x16xf32> to vector<16xf32>
        %parallel_loop3A_1500 = vector.shape_cast %parallel_loop3A_1488 : vector<16xf32> to vector<1x16xf32>
        tpu.vector_store %arg8[%parallel_loop3A_1496, %parallel_loop3A_1497], %parallel_loop3A_1500 {add = true, strides = array<i32>} : memref<8x3200xf32, #tpu.memory_space<vmem>>, vector<1x16xf32>,
        %parallel_loop3A_1501 = arith.constant 2 : i32
        %parallel_loop3A_1502 = arith.index_cast %parallel_loop3A_1501 : i32 to index
        %parallel_loop3A_1503 = arith.index_cast %parallel_loop3A_1484 : i32 to index
        %parallel_loop3A_1504 = tpu.vector_load %arg8[%parallel_loop3A_1502, %parallel_loop3A_1503] {strides = array<i32>} : memref<8x3200xf32, #tpu.memory_space<vmem>>, vector<1x16xf32>,
        %parallel_loop3A_1505 = vector.shape_cast %parallel_loop3A_1504 : vector<1x16xf32> to vector<16xf32>
        %parallel_loop3A_1506 = vector.shape_cast %parallel_loop3A_1488 : vector<16xf32> to vector<1x16xf32>
        tpu.vector_store %arg8[%parallel_loop3A_1502, %parallel_loop3A_1503], %parallel_loop3A_1506 {add = true, strides = array<i32>} : memref<8x3200xf32, #tpu.memory_space<vmem>>, vector<1x16xf32>,
        %parallel_loop3A_1507 = arith.constant 3 : i32
        %parallel_loop3A_1508 = arith.index_cast %parallel_loop3A_1507 : i32 to index
        %parallel_loop3A_1509 = arith.index_cast %parallel_loop3A_1484 : i32 to index
        %parallel_loop3A_1510 = tpu.vector_load %arg8[%parallel_loop3A_1508, %parallel_loop3A_1509] {strides = array<i32>} : memref<8x3200xf32, #tpu.memory_space<vmem>>, vector<1x16xf32>,
        %parallel_loop3A_1511 = vector.shape_cast %parallel_loop3A_1510 : vector<1x16xf32> to vector<16xf32>
        %parallel_loop3A_1512 = vector.shape_cast %parallel_loop3A_1488 : vector<16xf32> to vector<1x16xf32>
        tpu.vector_store %arg8[%parallel_loop3A_1508, %parallel_loop3A_1509], %parallel_loop3A_1512 {add = true, strides = array<i32>} : memref<8x3200xf32, #tpu.memory_space<vmem>>, vector<1x16xf32>,
        %parallel_loop3A_1513 = arith.constant 4 : i32
        %parallel_loop3A_1514 = arith.index_cast %parallel_loop3A_1513 : i32 to index
        %parallel_loop3A_1515 = arith.index_cast %parallel_loop3A_1484 : i32 to index
        %parallel_loop3A_1516 = tpu.vector_load %arg8[%parallel_loop3A_1514, %parallel_loop3A_1515] {strides = array<i32>} : memref<8x3200xf32, #tpu.memory_space<vmem>>, vector<1x16xf32>,
        %parallel_loop3A_1517 = vector.shape_cast %parallel_loop3A_1516 : vector<1x16xf32> to vector<16xf32>
        %parallel_loop3A_1518 = vector.shape_cast %parallel_loop3A_1488 : vector<16xf32> to vector<1x16xf32>
        tpu.vector_store %arg8[%parallel_loop3A_1514, %parallel_loop3A_1515], %parallel_loop3A_1518 {add = true, strides = array<i32>} : memref<8x3200xf32, #tpu.memory_space<vmem>>, vector<1x16xf32>,
        %parallel_loop3A_1519 = arith.constant 5 : i32
        %parallel_loop3A_1520 = arith.index_cast %parallel_loop3A_1519 : i32 to index
        %parallel_loop3A_1521 = arith.index_cast %parallel_loop3A_1484 : i32 to index
        %parallel_loop3A_1522 = tpu.vector_load %arg8[%parallel_loop3A_1520, %parallel_loop3A_1521] {strides = array<i32>} : memref<8x3200xf32, #tpu.memory_space<vmem>>, vector<1x16xf32>,
        %parallel_loop3A_1523 = vector.shape_cast %parallel_loop3A_1522 : vector<1x16xf32> to vector<16xf32>
        %parallel_loop3A_1524 = vector.shape_cast %parallel_loop3A_1488 : vector<16xf32> to vector<1x16xf32>
        tpu.vector_store %arg8[%parallel_loop3A_1520, %parallel_loop3A_1521], %parallel_loop3A_1524 {add = true, strides = array<i32>} : memref<8x3200xf32, #tpu.memory_space<vmem>>, vector<1x16xf32>,
        %parallel_loop3A_1525 = arith.constant 6 : i32
        %parallel_loop3A_1526 = arith.index_cast %parallel_loop3A_1525 : i32 to index
        %parallel_loop3A_1527 = arith.index_cast %parallel_loop3A_1484 : i32 to index
        %parallel_loop3A_1528 = tpu.vector_load %arg8[%parallel_loop3A_1526, %parallel_loop3A_1527] {strides = array<i32>} : memref<8x3200xf32, #tpu.memory_space<vmem>>, vector<1x16xf32>,
        %parallel_loop3A_1529 = vector.shape_cast %parallel_loop3A_1528 : vector<1x16xf32> to vector<16xf32>
        %parallel_loop3A_1530 = vector.shape_cast %parallel_loop3A_1488 : vector<16xf32> to vector<1x16xf32>
        tpu.vector_store %arg8[%parallel_loop3A_1526, %parallel_loop3A_1527], %parallel_loop3A_1530 {add = true, strides = array<i32>} : memref<8x3200xf32, #tpu.memory_space<vmem>>, vector<1x16xf32>,
        %parallel_loop3A_1531 = arith.constant 7 : i32
        %parallel_loop3A_1532 = arith.index_cast %parallel_loop3A_1531 : i32 to index
        %parallel_loop3A_1533 = arith.index_cast %parallel_loop3A_1484 : i32 to index
        %parallel_loop3A_1534 = tpu.vector_load %arg8[%parallel_loop3A_1532, %parallel_loop3A_1533] {strides = array<i32>} : memref<8x3200xf32, #tpu.memory_space<vmem>>, vector<1x16xf32>,
        %parallel_loop3A_1535 = vector.shape_cast %parallel_loop3A_1534 : vector<1x16xf32> to vector<16xf32>
        %parallel_loop3A_1536 = vector.shape_cast %parallel_loop3A_1488 : vector<16xf32> to vector<1x16xf32>
        tpu.vector_store %arg8[%parallel_loop3A_1532, %parallel_loop3A_1533], %parallel_loop3A_1536 {add = true, strides = array<i32>} : memref<8x3200xf32, #tpu.memory_space<vmem>>, vector<1x16xf32>,
      } {sc.loop_unroll_factor = 2 : i64, sc.parallel_access}
      %jit3A_1019 = arith.constant 4 : i32
      %div3A_1020 = arith.divsi %add3A_915, %jit3A_1019 : i32
      %sign3A_1021 = arith.constant 0 : i32
      %sign3A_1022 = arith.cmpi sgt, %add3A_915, %sign3A_1021 : i32
      %sign3A_1023 = arith.extui %sign3A_1022 : i1 to i32
      %sign3A_1024 = arith.constant 0 : i32
      %sign3A_1025 = arith.cmpi slt, %add3A_915, %sign3A_1024 : i32
      %sign3A_1026 = arith.extui %sign3A_1025 : i1 to i32
      %sign3A_1027 = arith.subi %sign3A_1023, %sign3A_1026 : i32
      %sign3A_1028 = arith.constant 0 : i32
      %sign3A_1029 = arith.cmpi sgt, %jit3A_1019, %sign3A_1028 : i32
      %sign3A_1030 = arith.extui %sign3A_1029 : i1 to i32
      %sign3A_1031 = arith.constant 0 : i32
      %sign3A_1032 = arith.cmpi slt, %jit3A_1019, %sign3A_1031 : i32
      %sign3A_1033 = arith.extui %sign3A_1032 : i1 to i32
      %sign3A_1034 = arith.subi %sign3A_1030, %sign3A_1033 : i32
      %ne3A_1035 = arith.cmpi ne, %sign3A_1027, %sign3A_1034 : i32
      %rem3A_1036 = arith.remsi %add3A_915, %jit3A_1019 : i32
      %ne3A_1037 = arith.constant 0 : i32
      %ne3A_1038 = arith.cmpi ne, %rem3A_1036, %ne3A_1037 : i32
      %and3A_1039 = arith.andi %ne3A_1035, %ne3A_1038 : i1
      %sub3A_1040 = arith.constant 1 : i32
      %sub3A_1041 = arith.subi %div3A_1020, %sub3A_1040 : i32
      %select_n3A_1042 = arith.select %and3A_1039, %sub3A_1041, %div3A_1020 : i32
      %jit3A_1043 = arith.constant 4 : i32
      %eq3A_1044 = arith.constant 0 : i32
      %eq3A_1045 = arith.cmpi eq, %jit3A_1043, %eq3A_1044 : i32
      %jit3A_1046 = arith.constant 1 : i32
      %select_n3A_1047 = arith.select %eq3A_1045, %jit3A_1046, %jit3A_1043 : i32
      %rem3A_1048 = arith.remsi %add3A_915, %select_n3A_1047 : i32
      %ne3A_1049 = arith.constant 0 : i32
      %ne3A_1050 = arith.cmpi ne, %rem3A_1048, %ne3A_1049 : i32
      %lt3A_1051 = arith.constant 0 : i32
      %lt3A_1052 = arith.cmpi slt, %rem3A_1048, %lt3A_1051 : i32
      %lt3A_1053 = arith.constant 0 : i32
      %lt3A_1054 = arith.cmpi slt, %select_n3A_1047, %lt3A_1053 : i32
      %ne3A_1055 = arith.xori %lt3A_1052, %lt3A_1054 : i1
      %and3A_1056 = arith.andi %ne3A_1055, %ne3A_1050 : i1
      %add3A_1057 = arith.addi %rem3A_1048, %select_n3A_1047 : i32
      %select_n3A_1058 = arith.select %and3A_1056, %add3A_1057, %rem3A_1048 : i32
      %mul3A_1059 = arith.constant 16 : i32
      %mul3A_1060 = arith.muli %add3A, %mul3A_1059 : i32
      %add3A_1061 = arith.addi %mul3A_1060, %select_n3A_1042 : i32
      %mul3A_1062 = arith.constant 8 : i32
      %mul3A_1063 = arith.muli %add3A_1061, %mul3A_1062 : i32
      %mul3A_1064 = arith.constant 3200 : i32
      %mul3A_1065 = arith.muli %select_n3A_1058, %mul3A_1064 : i32
      %mul3A_1066 = arith.constant 3200 : i32
      %mul3A_1067 = arith.muli %select_n3A_1058, %mul3A_1066 : i32
      %dma_start3A_1068 = tpu.memref_slice %arg4[%mul3A_1063, %mul3A_1065] : memref<4096x12800xf32, #tpu.memory_space<hbm>> -> memref<8x3200xf32, #tpu.memory_space<hbm>>
      %dma_start3A_1069 = tpu.memref_slice %arg4[%mul3A_1063, %mul3A_1065] : memref<4096x12800xf32, #tpu.memory_space<hbm>> -> memref<8x3200xf32, #tpu.memory_space<hbm>>
      tpu.enqueue_dma source(%arg8 : memref<8x3200xf32, #tpu.memory_space<vmem>>) target(%dma_start3A_1069 : memref<8x3200xf32, #tpu.memory_space<hbm>>) target_semaphore(%arg16 : memref<!tpu.dma_semaphore, #tpu.memory_space<semaphore_mem>>)
      %sub3A_1070 = arith.constant 2 : i32
      %sub3A_1071 = arith.subi %add3A_915, %sub3A_1070 : i32
      %jit3A_1072 = arith.constant 4 : i32
      %div3A_1073 = arith.divsi %sub3A_1071, %jit3A_1072 : i32
      %sign3A_1074 = arith.constant 0 : i32
      %sign3A_1075 = arith.cmpi sgt, %sub3A_1071, %sign3A_1074 : i32
      %sign3A_1076 = arith.extui %sign3A_1075 : i1 to i32
      %sign3A_1077 = arith.constant 0 : i32
      %sign3A_1078 = arith.cmpi slt, %sub3A_1071, %sign3A_1077 : i32
      %sign3A_1079 = arith.extui %sign3A_1078 : i1 to i32
      %sign3A_1080 = arith.subi %sign3A_1076, %sign3A_1079 : i32
      %sign3A_1081 = arith.constant 0 : i32
      %sign3A_1082 = arith.cmpi sgt, %jit3A_1072, %sign3A_1081 : i32
      %sign3A_1083 = arith.extui %sign3A_1082 : i1 to i32
      %sign3A_1084 = arith.constant 0 : i32
      %sign3A_1085 = arith.cmpi slt, %jit3A_1072, %sign3A_1084 : i32
      %sign3A_1086 = arith.extui %sign3A_1085 : i1 to i32
      %sign3A_1087 = arith.subi %sign3A_1083, %sign3A_1086 : i32
      %ne3A_1088 = arith.cmpi ne, %sign3A_1080, %sign3A_1087 : i32
      %rem3A_1089 = arith.remsi %sub3A_1071, %jit3A_1072 : i32
      %ne3A_1090 = arith.constant 0 : i32
      %ne3A_1091 = arith.cmpi ne, %rem3A_1089, %ne3A_1090 : i32
      %and3A_1092 = arith.andi %ne3A_1088, %ne3A_1091 : i1
      %sub3A_1093 = arith.constant 1 : i32
      %sub3A_1094 = arith.subi %div3A_1073, %sub3A_1093 : i32
      %select_n3A_1095 = arith.select %and3A_1092, %sub3A_1094, %div3A_1073 : i32
      %jit3A_1096 = arith.constant 4 : i32
      %eq3A_1097 = arith.constant 0 : i32
      %eq3A_1098 = arith.cmpi eq, %jit3A_1096, %eq3A_1097 : i32
      %jit3A_1099 = arith.constant 1 : i32
      %select_n3A_1100 = arith.select %eq3A_1098, %jit3A_1099, %jit3A_1096 : i32
      %rem3A_1101 = arith.remsi %sub3A_1071, %select_n3A_1100 : i32
      %ne3A_1102 = arith.constant 0 : i32
      %ne3A_1103 = arith.cmpi ne, %rem3A_1101, %ne3A_1102 : i32
      %lt3A_1104 = arith.constant 0 : i32
      %lt3A_1105 = arith.cmpi slt, %rem3A_1101, %lt3A_1104 : i32
      %lt3A_1106 = arith.constant 0 : i32
      %lt3A_1107 = arith.cmpi slt, %select_n3A_1100, %lt3A_1106 : i32
      %ne3A_1108 = arith.xori %lt3A_1105, %lt3A_1107 : i1
      %and3A_1109 = arith.andi %ne3A_1108, %ne3A_1103 : i1
      %add3A_1110 = arith.addi %rem3A_1101, %select_n3A_1100 : i32
      %select_n3A_1111 = arith.select %and3A_1109, %add3A_1110, %rem3A_1101 : i32
      %mul3A_1112 = arith.constant 16 : i32
      %mul3A_1113 = arith.muli %add3A, %mul3A_1112 : i32
      %add3A_1114 = arith.addi %mul3A_1113, %select_n3A_1095 : i32
      %mul3A_1115 = arith.constant 8 : i32
      %mul3A_1116 = arith.muli %add3A_1114, %mul3A_1115 : i32
      %mul3A_1117 = arith.constant 3200 : i32
      %mul3A_1118 = arith.muli %select_n3A_1111, %mul3A_1117 : i32
      %mul3A_1119 = arith.constant 3200 : i32
      %mul3A_1120 = arith.muli %select_n3A_1111, %mul3A_1119 : i32
      %dma_wait3A_1121 = tpu.memref_slice %arg4[%mul3A_1116, %mul3A_1118] : memref<4096x12800xf32, #tpu.memory_space<hbm>> -> memref<8x3200xf32, #tpu.memory_space<hbm>>
      %dma_wait3A_1122 = tpu.memref_slice %arg4[%mul3A_1116, %mul3A_1118] : memref<4096x12800xf32, #tpu.memory_space<hbm>> -> memref<8x3200xf32, #tpu.memory_space<hbm>>
      tpu.wait_dma2 semaphore(%arg14 : memref<!tpu.dma_semaphore, #tpu.memory_space<semaphore_mem>>) src(%arg6 : memref<8x3200xf32, #tpu.memory_space<vmem>>) dst(%dma_wait3A_1122 : memref<8x3200xf32, #tpu.memory_space<hbm>>)
      %add3A_1123 = arith.constant 2 : i32
      %add3A_1124 = arith.addi %add3A_915, %add3A_1123 : i32
      %jit3A_1125 = arith.constant 4 : i32
      %div3A_1126 = arith.divsi %add3A_1124, %jit3A_1125 : i32
      %sign3A_1127 = arith.constant 0 : i32
      %sign3A_1128 = arith.cmpi sgt, %add3A_1124, %sign3A_1127 : i32
      %sign3A_1129 = arith.extui %sign3A_1128 : i1 to i32
      %sign3A_1130 = arith.constant 0 : i32
      %sign3A_1131 = arith.cmpi slt, %add3A_1124, %sign3A_1130 : i32
      %sign3A_1132 = arith.extui %sign3A_1131 : i1 to i32
      %sign3A_1133 = arith.subi %sign3A_1129, %sign3A_1132 : i32
      %sign3A_1134 = arith.constant 0 : i32
      %sign3A_1135 = arith.cmpi sgt, %jit3A_1125, %sign3A_1134 : i32
      %sign3A_1136 = arith.extui %sign3A_1135 : i1 to i32
      %sign3A_1137 = arith.constant 0 : i32
      %sign3A_1138 = arith.cmpi slt, %jit3A_1125, %sign3A_1137 : i32
      %sign3A_1139 = arith.extui %sign3A_1138 : i1 to i32
      %sign3A_1140 = arith.subi %sign3A_1136, %sign3A_1139 : i32
      %ne3A_1141 = arith.cmpi ne, %sign3A_1133, %sign3A_1140 : i32
      %rem3A_1142 = arith.remsi %add3A_1124, %jit3A_1125 : i32
      %ne3A_1143 = arith.constant 0 : i32
      %ne3A_1144 = arith.cmpi ne, %rem3A_1142, %ne3A_1143 : i32
      %and3A_1145 = arith.andi %ne3A_1141, %ne3A_1144 : i1
      %sub3A_1146 = arith.constant 1 : i32
      %sub3A_1147 = arith.subi %div3A_1126, %sub3A_1146 : i32
      %select_n3A_1148 = arith.select %and3A_1145, %sub3A_1147, %div3A_1126 : i32
      %jit3A_1149 = arith.constant 4 : i32
      %eq3A_1150 = arith.constant 0 : i32
      %eq3A_1151 = arith.cmpi eq, %jit3A_1149, %eq3A_1150 : i32
      %jit3A_1152 = arith.constant 1 : i32
      %select_n3A_1153 = arith.select %eq3A_1151, %jit3A_1152, %jit3A_1149 : i32
      %rem3A_1154 = arith.remsi %add3A_1124, %select_n3A_1153 : i32
      %ne3A_1155 = arith.constant 0 : i32
      %ne3A_1156 = arith.cmpi ne, %rem3A_1154, %ne3A_1155 : i32
      %lt3A_1157 = arith.constant 0 : i32
      %lt3A_1158 = arith.cmpi slt, %rem3A_1154, %lt3A_1157 : i32
      %lt3A_1159 = arith.constant 0 : i32
      %lt3A_1160 = arith.cmpi slt, %select_n3A_1153, %lt3A_1159 : i32
      %ne3A_1161 = arith.xori %lt3A_1158, %lt3A_1160 : i1
      %and3A_1162 = arith.andi %ne3A_1161, %ne3A_1156 : i1
      %add3A_1163 = arith.addi %rem3A_1154, %select_n3A_1153 : i32
      %select_n3A_1164 = arith.select %and3A_1162, %add3A_1163, %rem3A_1154 : i32
      %mul3A_1165 = arith.constant 16 : i32
      %mul3A_1166 = arith.muli %add3A, %mul3A_1165 : i32
      %add3A_1167 = arith.addi %mul3A_1166, %select_n3A_1148 : i32
      %mul3A_1168 = arith.constant 8 : i32
      %mul3A_1169 = arith.muli %add3A_1167, %mul3A_1168 : i32
      %mul3A_1170 = arith.constant 3200 : i32
      %mul3A_1171 = arith.muli %select_n3A_1164, %mul3A_1170 : i32
      %mul3A_1172 = arith.constant 3200 : i32
      %mul3A_1173 = arith.muli %select_n3A_1164, %mul3A_1172 : i32
      %dma_start3A_1174 = tpu.memref_slice %arg2[%mul3A_1169, %mul3A_1171] : memref<4096x12800xf32, #tpu.memory_space<hbm>> -> memref<8x3200xf32, #tpu.memory_space<hbm>>
      %dma_start3A_1175 = tpu.memref_slice %arg2[%mul3A_1169, %mul3A_1171] : memref<4096x12800xf32, #tpu.memory_space<hbm>> -> memref<8x3200xf32, #tpu.memory_space<hbm>>
      tpu.enqueue_dma source(%dma_start3A_1175 : memref<8x3200xf32, #tpu.memory_space<hbm>>) target(%arg6 : memref<8x3200xf32, #tpu.memory_space<vmem>>) target_semaphore(%arg10 : memref<!tpu.dma_semaphore, #tpu.memory_space<semaphore_mem>>)
      %add3A_1176 = arith.constant 3 : i32
      %add3A_1177 = arith.addi %mul3A_399, %add3A_1176 : i32
      %jit3A_1178 = arith.constant 4 : i32
      %div3A_1179 = arith.divsi %add3A_1177, %jit3A_1178 : i32
      %sign3A_1180 = arith.constant 0 : i32
      %sign3A_1181 = arith.cmpi sgt, %add3A_1177, %sign3A_1180 : i32
      %sign3A_1182 = arith.extui %sign3A_1181 : i1 to i32
      %sign3A_1183 = arith.constant 0 : i32
      %sign3A_1184 = arith.cmpi slt, %add3A_1177, %sign3A_1183 : i32
      %sign3A_1185 = arith.extui %sign3A_1184 : i1 to i32
      %sign3A_1186 = arith.subi %sign3A_1182, %sign3A_1185 : i32
      %sign3A_1187 = arith.constant 0 : i32
      %sign3A_1188 = arith.cmpi sgt, %jit3A_1178, %sign3A_1187 : i32
      %sign3A_1189 = arith.extui %sign3A_1188 : i1 to i32
      %sign3A_1190 = arith.constant 0 : i32
      %sign3A_1191 = arith.cmpi slt, %jit3A_1178, %sign3A_1190 : i32
      %sign3A_1192 = arith.extui %sign3A_1191 : i1 to i32
      %sign3A_1193 = arith.subi %sign3A_1189, %sign3A_1192 : i32
      %ne3A_1194 = arith.cmpi ne, %sign3A_1186, %sign3A_1193 : i32
      %rem3A_1195 = arith.remsi %add3A_1177, %jit3A_1178 : i32
      %ne3A_1196 = arith.constant 0 : i32
      %ne3A_1197 = arith.cmpi ne, %rem3A_1195, %ne3A_1196 : i32
      %and3A_1198 = arith.andi %ne3A_1194, %ne3A_1197 : i1
      %sub3A_1199 = arith.constant 1 : i32
      %sub3A_1200 = arith.subi %div3A_1179, %sub3A_1199 : i32
      %select_n3A_1201 = arith.select %and3A_1198, %sub3A_1200, %div3A_1179 : i32
      %jit3A_1202 = arith.constant 4 : i32
      %eq3A_1203 = arith.constant 0 : i32
      %eq3A_1204 = arith.cmpi eq, %jit3A_1202, %eq3A_1203 : i32
      %jit3A_1205 = arith.constant 1 : i32
      %select_n3A_1206 = arith.select %eq3A_1204, %jit3A_1205, %jit3A_1202 : i32
      %rem3A_1207 = arith.remsi %add3A_1177, %select_n3A_1206 : i32
      %ne3A_1208 = arith.constant 0 : i32
      %ne3A_1209 = arith.cmpi ne, %rem3A_1207, %ne3A_1208 : i32
      %lt3A_1210 = arith.constant 0 : i32
      %lt3A_1211 = arith.cmpi slt, %rem3A_1207, %lt3A_1210 : i32
      %lt3A_1212 = arith.constant 0 : i32
      %lt3A_1213 = arith.cmpi slt, %select_n3A_1206, %lt3A_1212 : i32
      %ne3A_1214 = arith.xori %lt3A_1211, %lt3A_1213 : i1
      %and3A_1215 = arith.andi %ne3A_1214, %ne3A_1209 : i1
      %add3A_1216 = arith.addi %rem3A_1207, %select_n3A_1206 : i32
      %select_n3A_1217 = arith.select %and3A_1215, %add3A_1216, %rem3A_1207 : i32
      %mul3A_1218 = arith.constant 16 : i32
      %mul3A_1219 = arith.muli %add3A, %mul3A_1218 : i32
      %add3A_1220 = arith.addi %mul3A_1219, %select_n3A_1201 : i32
      %mul3A_1221 = arith.constant 8 : i32
      %mul3A_1222 = arith.muli %add3A_1220, %mul3A_1221 : i32
      %mul3A_1223 = arith.constant 3200 : i32
      %mul3A_1224 = arith.muli %select_n3A_1217, %mul3A_1223 : i32
      %mul3A_1225 = arith.constant 3200 : i32
      %mul3A_1226 = arith.muli %select_n3A_1217, %mul3A_1225 : i32
      %dma_wait3A_1227 = tpu.memref_slice %arg2[%mul3A_1222, %mul3A_1224] : memref<4096x12800xf32, #tpu.memory_space<hbm>> -> memref<8x3200xf32, #tpu.memory_space<hbm>>
      %dma_wait3A_1228 = tpu.memref_slice %arg2[%mul3A_1222, %mul3A_1224] : memref<4096x12800xf32, #tpu.memory_space<hbm>> -> memref<8x3200xf32, #tpu.memory_space<hbm>>
      tpu.wait_dma2 semaphore(%arg13 : memref<!tpu.dma_semaphore, #tpu.memory_space<semaphore_mem>>) src(%dma_wait3A_1228 : memref<8x3200xf32, #tpu.memory_space<hbm>>) dst(%arg9 : memref<8x3200xf32, #tpu.memory_space<vmem>>)
      %jit3A_1229 = arith.constant 4 : i32
      %div3A_1230 = arith.divsi %add3A_1177, %jit3A_1229 : i32
      %sign3A_1231 = arith.constant 0 : i32
      %sign3A_1232 = arith.cmpi sgt, %add3A_1177, %sign3A_1231 : i32
      %sign3A_1233 = arith.extui %sign3A_1232 : i1 to i32
      %sign3A_1234 = arith.constant 0 : i32
      %sign3A_1235 = arith.cmpi slt, %add3A_1177, %sign3A_1234 : i32
      %sign3A_1236 = arith.extui %sign3A_1235 : i1 to i32
      %sign3A_1237 = arith.subi %sign3A_1233, %sign3A_1236 : i32
      %sign3A_1238 = arith.constant 0 : i32
      %sign3A_1239 = arith.cmpi sgt, %jit3A_1229, %sign3A_1238 : i32
      %sign3A_1240 = arith.extui %sign3A_1239 : i1 to i32
      %sign3A_1241 = arith.constant 0 : i32
      %sign3A_1242 = arith.cmpi slt, %jit3A_1229, %sign3A_1241 : i32
      %sign3A_1243 = arith.extui %sign3A_1242 : i1 to i32
      %sign3A_1244 = arith.subi %sign3A_1240, %sign3A_1243 : i32
      %ne3A_1245 = arith.cmpi ne, %sign3A_1237, %sign3A_1244 : i32
      %rem3A_1246 = arith.remsi %add3A_1177, %jit3A_1229 : i32
      %ne3A_1247 = arith.constant 0 : i32
      %ne3A_1248 = arith.cmpi ne, %rem3A_1246, %ne3A_1247 : i32
      %and3A_1249 = arith.andi %ne3A_1245, %ne3A_1248 : i1
      %sub3A_1250 = arith.constant 1 : i32
      %sub3A_1251 = arith.subi %div3A_1230, %sub3A_1250 : i32
      %select_n3A_1252 = arith.select %and3A_1249, %sub3A_1251, %div3A_1230 : i32
      %jit3A_1253 = arith.constant 4 : i32
      %eq3A_1254 = arith.constant 0 : i32
      %eq3A_1255 = arith.cmpi eq, %jit3A_1253, %eq3A_1254 : i32
      %jit3A_1256 = arith.constant 1 : i32
      %select_n3A_1257 = arith.select %eq3A_1255, %jit3A_1256, %jit3A_1253 : i32
      %rem3A_1258 = arith.remsi %add3A_1177, %select_n3A_1257 : i32
      %ne3A_1259 = arith.constant 0 : i32
      %ne3A_1260 = arith.cmpi ne, %rem3A_1258, %ne3A_1259 : i32
      %lt3A_1261 = arith.constant 0 : i32
      %lt3A_1262 = arith.cmpi slt, %rem3A_1258, %lt3A_1261 : i32
      %lt3A_1263 = arith.constant 0 : i32
      %lt3A_1264 = arith.cmpi slt, %select_n3A_1257, %lt3A_1263 : i32
      %ne3A_1265 = arith.xori %lt3A_1262, %lt3A_1264 : i1
      %and3A_1266 = arith.andi %ne3A_1265, %ne3A_1260 : i1
      %add3A_1267 = arith.addi %rem3A_1258, %select_n3A_1257 : i32
      %select_n3A_1268 = arith.select %and3A_1266, %add3A_1267, %rem3A_1258 : i32
      %mul3A_1269 = arith.constant 16 : i32
      %mul3A_1270 = arith.muli %add3A, %mul3A_1269 : i32
      %add3A_1271 = arith.addi %mul3A_1270, %select_n3A_1252 : i32
      %mul3A_1272 = arith.constant 8 : i32
      %mul3A_1273 = arith.muli %add3A_1271, %mul3A_1272 : i32
      %mul3A_1274 = arith.constant 3200 : i32
      %mul3A_1275 = arith.muli %select_n3A_1268, %mul3A_1274 : i32
      %mul3A_1276 = arith.constant 3200 : i32
      %mul3A_1277 = arith.muli %select_n3A_1268, %mul3A_1276 : i32
      %parallel_loop3A_1278 = arith.constant 0 : i32
      %parallel_loop3A_1279 = arith.constant 200 : i32
      %parallel_loop3A_1280 = arith.constant 1 : i32
      scf.for %parallel_loop3A_1439 = %parallel_loop3A_1278 to %parallel_loop3A_1279 step %parallel_loop3A_1280  : i32 {
        %parallel_loop3A_1440 = arith.constant 8 : i32
        %parallel_loop3A_1441 = arith.divsi %parallel_loop3A_1439, %parallel_loop3A_1440 : i32
        %parallel_loop3A_1442 = arith.constant 0 : i32
        %parallel_loop3A_1443 = arith.cmpi sgt, %parallel_loop3A_1439, %parallel_loop3A_1442 : i32
        %parallel_loop3A_1444 = arith.extui %parallel_loop3A_1443 : i1 to i32
        %parallel_loop3A_1445 = arith.constant 0 : i32
        %parallel_loop3A_1446 = arith.cmpi slt, %parallel_loop3A_1439, %parallel_loop3A_1445 : i32
        %parallel_loop3A_1447 = arith.extui %parallel_loop3A_1446 : i1 to i32
        %parallel_loop3A_1448 = arith.subi %parallel_loop3A_1444, %parallel_loop3A_1447 : i32
        %parallel_loop3A_1449 = arith.constant 0 : i32
        %parallel_loop3A_1450 = arith.cmpi sgt, %parallel_loop3A_1440, %parallel_loop3A_1449 : i32
        %parallel_loop3A_1451 = arith.extui %parallel_loop3A_1450 : i1 to i32
        %parallel_loop3A_1452 = arith.constant 0 : i32
        %parallel_loop3A_1453 = arith.cmpi slt, %parallel_loop3A_1440, %parallel_loop3A_1452 : i32
        %parallel_loop3A_1454 = arith.extui %parallel_loop3A_1453 : i1 to i32
        %parallel_loop3A_1455 = arith.subi %parallel_loop3A_1451, %parallel_loop3A_1454 : i32
        %parallel_loop3A_1456 = arith.cmpi ne, %parallel_loop3A_1448, %parallel_loop3A_1455 : i32
        %parallel_loop3A_1457 = arith.remsi %parallel_loop3A_1439, %parallel_loop3A_1440 : i32
        %parallel_loop3A_1458 = arith.constant 0 : i32
        %parallel_loop3A_1459 = arith.cmpi ne, %parallel_loop3A_1457, %parallel_loop3A_1458 : i32
        %parallel_loop3A_1460 = arith.andi %parallel_loop3A_1456, %parallel_loop3A_1459 : i1
        %parallel_loop3A_1461 = arith.constant 1 : i32
        %parallel_loop3A_1462 = arith.subi %parallel_loop3A_1441, %parallel_loop3A_1461 : i32
        %parallel_loop3A_1463 = arith.select %parallel_loop3A_1460, %parallel_loop3A_1462, %parallel_loop3A_1441 : i32
        %parallel_loop3A_1464 = arith.constant 128 : i32
        %parallel_loop3A_1465 = arith.muli %parallel_loop3A_1463, %parallel_loop3A_1464 : i32
        %parallel_loop3A_1466 = arith.constant 8 : i32
        %parallel_loop3A_1467 = arith.constant 0 : i32
        %parallel_loop3A_1468 = arith.cmpi eq, %parallel_loop3A_1466, %parallel_loop3A_1467 : i32
        %parallel_loop3A_1469 = arith.constant 1 : i32
        %parallel_loop3A_1470 = arith.select %parallel_loop3A_1468, %parallel_loop3A_1469, %parallel_loop3A_1466 : i32
        %parallel_loop3A_1471 = arith.remsi %parallel_loop3A_1439, %parallel_loop3A_1470 : i32
        %parallel_loop3A_1472 = arith.constant 0 : i32
        %parallel_loop3A_1473 = arith.cmpi ne, %parallel_loop3A_1471, %parallel_loop3A_1472 : i32
        %parallel_loop3A_1474 = arith.constant 0 : i32
        %parallel_loop3A_1475 = arith.cmpi slt, %parallel_loop3A_1471, %parallel_loop3A_1474 : i32
        %parallel_loop3A_1476 = arith.constant 0 : i32
        %parallel_loop3A_1477 = arith.cmpi slt, %parallel_loop3A_1470, %parallel_loop3A_1476 : i32
        %parallel_loop3A_1478 = arith.xori %parallel_loop3A_1475, %parallel_loop3A_1477 : i1
        %parallel_loop3A_1479 = arith.andi %parallel_loop3A_1478, %parallel_loop3A_1473 : i1
        %parallel_loop3A_1480 = arith.addi %parallel_loop3A_1471, %parallel_loop3A_1470 : i32
        %parallel_loop3A_1481 = arith.select %parallel_loop3A_1479, %parallel_loop3A_1480, %parallel_loop3A_1471 : i32
        %parallel_loop3A_1482 = arith.constant 16 : i32
        %parallel_loop3A_1483 = arith.muli %parallel_loop3A_1481, %parallel_loop3A_1482 : i32
        %parallel_loop3A_1484 = arith.addi %parallel_loop3A_1465, %parallel_loop3A_1483 : i32
        %parallel_loop3A_1485 = arith.addi %mul3A_1277, %parallel_loop3A_1484 : i32
        %parallel_loop3A_1486 = arith.index_cast %parallel_loop3A_1485 : i32 to index
        %parallel_loop3A_1487 = tpu.vector_load %arg5[%parallel_loop3A_1486] {strides = array<i32>} : memref<12800xf32, #tpu.memory_space<vmem>>, vector<16xf32>,
        %parallel_loop3A_1488 = vector.shape_cast %parallel_loop3A_1487 : vector<16xf32> to vector<16xf32>
        %parallel_loop3A_1489 = arith.constant 0 : i32
        %parallel_loop3A_1490 = arith.index_cast %parallel_loop3A_1489 : i32 to index
        %parallel_loop3A_1491 = arith.index_cast %parallel_loop3A_1484 : i32 to index
        %parallel_loop3A_1492 = tpu.vector_load %arg9[%parallel_loop3A_1490, %parallel_loop3A_1491] {strides = array<i32>} : memref<8x3200xf32, #tpu.memory_space<vmem>>, vector<1x16xf32>,
        %parallel_loop3A_1493 = vector.shape_cast %parallel_loop3A_1492 : vector<1x16xf32> to vector<16xf32>
        %parallel_loop3A_1494 = vector.shape_cast %parallel_loop3A_1488 : vector<16xf32> to vector<1x16xf32>
        tpu.vector_store %arg9[%parallel_loop3A_1490, %parallel_loop3A_1491], %parallel_loop3A_1494 {add = true, strides = array<i32>} : memref<8x3200xf32, #tpu.memory_space<vmem>>, vector<1x16xf32>,
        %parallel_loop3A_1495 = arith.constant 1 : i32
        %parallel_loop3A_1496 = arith.index_cast %parallel_loop3A_1495 : i32 to index
        %parallel_loop3A_1497 = arith.index_cast %parallel_loop3A_1484 : i32 to index
        %parallel_loop3A_1498 = tpu.vector_load %arg9[%parallel_loop3A_1496, %parallel_loop3A_1497] {strides = array<i32>} : memref<8x3200xf32, #tpu.memory_space<vmem>>, vector<1x16xf32>,
        %parallel_loop3A_1499 = vector.shape_cast %parallel_loop3A_1498 : vector<1x16xf32> to vector<16xf32>
        %parallel_loop3A_1500 = vector.shape_cast %parallel_loop3A_1488 : vector<16xf32> to vector<1x16xf32>
        tpu.vector_store %arg9[%parallel_loop3A_1496, %parallel_loop3A_1497], %parallel_loop3A_1500 {add = true, strides = array<i32>} : memref<8x3200xf32, #tpu.memory_space<vmem>>, vector<1x16xf32>,
        %parallel_loop3A_1501 = arith.constant 2 : i32
        %parallel_loop3A_1502 = arith.index_cast %parallel_loop3A_1501 : i32 to index
        %parallel_loop3A_1503 = arith.index_cast %parallel_loop3A_1484 : i32 to index
        %parallel_loop3A_1504 = tpu.vector_load %arg9[%parallel_loop3A_1502, %parallel_loop3A_1503] {strides = array<i32>} : memref<8x3200xf32, #tpu.memory_space<vmem>>, vector<1x16xf32>,
        %parallel_loop3A_1505 = vector.shape_cast %parallel_loop3A_1504 : vector<1x16xf32> to vector<16xf32>
        %parallel_loop3A_1506 = vector.shape_cast %parallel_loop3A_1488 : vector<16xf32> to vector<1x16xf32>
        tpu.vector_store %arg9[%parallel_loop3A_1502, %parallel_loop3A_1503], %parallel_loop3A_1506 {add = true, strides = array<i32>} : memref<8x3200xf32, #tpu.memory_space<vmem>>, vector<1x16xf32>,
        %parallel_loop3A_1507 = arith.constant 3 : i32
        %parallel_loop3A_1508 = arith.index_cast %parallel_loop3A_1507 : i32 to index
        %parallel_loop3A_1509 = arith.index_cast %parallel_loop3A_1484 : i32 to index
        %parallel_loop3A_1510 = tpu.vector_load %arg9[%parallel_loop3A_1508, %parallel_loop3A_1509] {strides = array<i32>} : memref<8x3200xf32, #tpu.memory_space<vmem>>, vector<1x16xf32>,
        %parallel_loop3A_1511 = vector.shape_cast %parallel_loop3A_1510 : vector<1x16xf32> to vector<16xf32>
        %parallel_loop3A_1512 = vector.shape_cast %parallel_loop3A_1488 : vector<16xf32> to vector<1x16xf32>
        tpu.vector_store %arg9[%parallel_loop3A_1508, %parallel_loop3A_1509], %parallel_loop3A_1512 {add = true, strides = array<i32>} : memref<8x3200xf32, #tpu.memory_space<vmem>>, vector<1x16xf32>,
        %parallel_loop3A_1513 = arith.constant 4 : i32
        %parallel_loop3A_1514 = arith.index_cast %parallel_loop3A_1513 : i32 to index
        %parallel_loop3A_1515 = arith.index_cast %parallel_loop3A_1484 : i32 to index
        %parallel_loop3A_1516 = tpu.vector_load %arg9[%parallel_loop3A_1514, %parallel_loop3A_1515] {strides = array<i32>} : memref<8x3200xf32, #tpu.memory_space<vmem>>, vector<1x16xf32>,
        %parallel_loop3A_1517 = vector.shape_cast %parallel_loop3A_1516 : vector<1x16xf32> to vector<16xf32>
        %parallel_loop3A_1518 = vector.shape_cast %parallel_loop3A_1488 : vector<16xf32> to vector<1x16xf32>
        tpu.vector_store %arg9[%parallel_loop3A_1514, %parallel_loop3A_1515], %parallel_loop3A_1518 {add = true, strides = array<i32>} : memref<8x3200xf32, #tpu.memory_space<vmem>>, vector<1x16xf32>,
        %parallel_loop3A_1519 = arith.constant 5 : i32
        %parallel_loop3A_1520 = arith.index_cast %parallel_loop3A_1519 : i32 to index
        %parallel_loop3A_1521 = arith.index_cast %parallel_loop3A_1484 : i32 to index
        %parallel_loop3A_1522 = tpu.vector_load %arg9[%parallel_loop3A_1520, %parallel_loop3A_1521] {strides = array<i32>} : memref<8x3200xf32, #tpu.memory_space<vmem>>, vector<1x16xf32>,
        %parallel_loop3A_1523 = vector.shape_cast %parallel_loop3A_1522 : vector<1x16xf32> to vector<16xf32>
        %parallel_loop3A_1524 = vector.shape_cast %parallel_loop3A_1488 : vector<16xf32> to vector<1x16xf32>
        tpu.vector_store %arg9[%parallel_loop3A_1520, %parallel_loop3A_1521], %parallel_loop3A_1524 {add = true, strides = array<i32>} : memref<8x3200xf32, #tpu.memory_space<vmem>>, vector<1x16xf32>,
        %parallel_loop3A_1525 = arith.constant 6 : i32
        %parallel_loop3A_1526 = arith.index_cast %parallel_loop3A_1525 : i32 to index
        %parallel_loop3A_1527 = arith.index_cast %parallel_loop3A_1484 : i32 to index
        %parallel_loop3A_1528 = tpu.vector_load %arg9[%parallel_loop3A_1526, %parallel_loop3A_1527] {strides = array<i32>} : memref<8x3200xf32, #tpu.memory_space<vmem>>, vector<1x16xf32>,
        %parallel_loop3A_1529 = vector.shape_cast %parallel_loop3A_1528 : vector<1x16xf32> to vector<16xf32>
        %parallel_loop3A_1530 = vector.shape_cast %parallel_loop3A_1488 : vector<16xf32> to vector<1x16xf32>
        tpu.vector_store %arg9[%parallel_loop3A_1526, %parallel_loop3A_1527], %parallel_loop3A_1530 {add = true, strides = array<i32>} : memref<8x3200xf32, #tpu.memory_space<vmem>>, vector<1x16xf32>,
        %parallel_loop3A_1531 = arith.constant 7 : i32
        %parallel_loop3A_1532 = arith.index_cast %parallel_loop3A_1531 : i32 to index
        %parallel_loop3A_1533 = arith.index_cast %parallel_loop3A_1484 : i32 to index
        %parallel_loop3A_1534 = tpu.vector_load %arg9[%parallel_loop3A_1532, %parallel_loop3A_1533] {strides = array<i32>} : memref<8x3200xf32, #tpu.memory_space<vmem>>, vector<1x16xf32>,
        %parallel_loop3A_1535 = vector.shape_cast %parallel_loop3A_1534 : vector<1x16xf32> to vector<16xf32>
        %parallel_loop3A_1536 = vector.shape_cast %parallel_loop3A_1488 : vector<16xf32> to vector<1x16xf32>
        tpu.vector_store %arg9[%parallel_loop3A_1532, %parallel_loop3A_1533], %parallel_loop3A_1536 {add = true, strides = array<i32>} : memref<8x3200xf32, #tpu.memory_space<vmem>>, vector<1x16xf32>,
      } {sc.loop_unroll_factor = 2 : i64, sc.parallel_access}
      %jit3A_1281 = arith.constant 4 : i32
      %div3A_1282 = arith.divsi %add3A_1177, %jit3A_1281 : i32
      %sign3A_1283 = arith.constant 0 : i32
      %sign3A_1284 = arith.cmpi sgt, %add3A_1177, %sign3A_1283 : i32
      %sign3A_1285 = arith.extui %sign3A_1284 : i1 to i32
      %sign3A_1286 = arith.constant 0 : i32
      %sign3A_1287 = arith.cmpi slt, %add3A_1177, %sign3A_1286 : i32
      %sign3A_1288 = arith.extui %sign3A_1287 : i1 to i32
      %sign3A_1289 = arith.subi %sign3A_1285, %sign3A_1288 : i32
      %sign3A_1290 = arith.constant 0 : i32
      %sign3A_1291 = arith.cmpi sgt, %jit3A_1281, %sign3A_1290 : i32
      %sign3A_1292 = arith.extui %sign3A_1291 : i1 to i32
      %sign3A_1293 = arith.constant 0 : i32
      %sign3A_1294 = arith.cmpi slt, %jit3A_1281, %sign3A_1293 : i32
      %sign3A_1295 = arith.extui %sign3A_1294 : i1 to i32
      %sign3A_1296 = arith.subi %sign3A_1292, %sign3A_1295 : i32
      %ne3A_1297 = arith.cmpi ne, %sign3A_1289, %sign3A_1296 : i32
      %rem3A_1298 = arith.remsi %add3A_1177, %jit3A_1281 : i32
      %ne3A_1299 = arith.constant 0 : i32
      %ne3A_1300 = arith.cmpi ne, %rem3A_1298, %ne3A_1299 : i32
      %and3A_1301 = arith.andi %ne3A_1297, %ne3A_1300 : i1
      %sub3A_1302 = arith.constant 1 : i32
      %sub3A_1303 = arith.subi %div3A_1282, %sub3A_1302 : i32
      %select_n3A_1304 = arith.select %and3A_1301, %sub3A_1303, %div3A_1282 : i32
      %jit3A_1305 = arith.constant 4 : i32
      %eq3A_1306 = arith.constant 0 : i32
      %eq3A_1307 = arith.cmpi eq, %jit3A_1305, %eq3A_1306 : i32
      %jit3A_1308 = arith.constant 1 : i32
      %select_n3A_1309 = arith.select %eq3A_1307, %jit3A_1308, %jit3A_1305 : i32
      %rem3A_1310 = arith.remsi %add3A_1177, %select_n3A_1309 : i32
      %ne3A_1311 = arith.constant 0 : i32
      %ne3A_1312 = arith.cmpi ne, %rem3A_1310, %ne3A_1311 : i32
      %lt3A_1313 = arith.constant 0 : i32
      %lt3A_1314 = arith.cmpi slt, %rem3A_1310, %lt3A_1313 : i32
      %lt3A_1315 = arith.constant 0 : i32
      %lt3A_1316 = arith.cmpi slt, %select_n3A_1309, %lt3A_1315 : i32
      %ne3A_1317 = arith.xori %lt3A_1314, %lt3A_1316 : i1
      %and3A_1318 = arith.andi %ne3A_1317, %ne3A_1312 : i1
      %add3A_1319 = arith.addi %rem3A_1310, %select_n3A_1309 : i32
      %select_n3A_1320 = arith.select %and3A_1318, %add3A_1319, %rem3A_1310 : i32
      %mul3A_1321 = arith.constant 16 : i32
      %mul3A_1322 = arith.muli %add3A, %mul3A_1321 : i32
      %add3A_1323 = arith.addi %mul3A_1322, %select_n3A_1304 : i32
      %mul3A_1324 = arith.constant 8 : i32
      %mul3A_1325 = arith.muli %add3A_1323, %mul3A_1324 : i32
      %mul3A_1326 = arith.constant 3200 : i32
      %mul3A_1327 = arith.muli %select_n3A_1320, %mul3A_1326 : i32
      %mul3A_1328 = arith.constant 3200 : i32
      %mul3A_1329 = arith.muli %select_n3A_1320, %mul3A_1328 : i32
      %dma_start3A_1330 = tpu.memref_slice %arg4[%mul3A_1325, %mul3A_1327] : memref<4096x12800xf32, #tpu.memory_space<hbm>> -> memref<8x3200xf32, #tpu.memory_space<hbm>>
      %dma_start3A_1331 = tpu.memref_slice %arg4[%mul3A_1325, %mul3A_1327] : memref<4096x12800xf32, #tpu.memory_space<hbm>> -> memref<8x3200xf32, #tpu.memory_space<hbm>>
      tpu.enqueue_dma source(%arg9 : memref<8x3200xf32, #tpu.memory_space<vmem>>) target(%dma_start3A_1331 : memref<8x3200xf32, #tpu.memory_space<hbm>>) target_semaphore(%arg17 : memref<!tpu.dma_semaphore, #tpu.memory_space<semaphore_mem>>)
      %sub3A_1332 = arith.constant 2 : i32
      %sub3A_1333 = arith.subi %add3A_1177, %sub3A_1332 : i32
      %jit3A_1334 = arith.constant 4 : i32
      %div3A_1335 = arith.divsi %sub3A_1333, %jit3A_1334 : i32
      %sign3A_1336 = arith.constant 0 : i32
      %sign3A_1337 = arith.cmpi sgt, %sub3A_1333, %sign3A_1336 : i32
      %sign3A_1338 = arith.extui %sign3A_1337 : i1 to i32
      %sign3A_1339 = arith.constant 0 : i32
      %sign3A_1340 = arith.cmpi slt, %sub3A_1333, %sign3A_1339 : i32
      %sign3A_1341 = arith.extui %sign3A_1340 : i1 to i32
      %sign3A_1342 = arith.subi %sign3A_1338, %sign3A_1341 : i32
      %sign3A_1343 = arith.constant 0 : i32
      %sign3A_1344 = arith.cmpi sgt, %jit3A_1334, %sign3A_1343 : i32
      %sign3A_1345 = arith.extui %sign3A_1344 : i1 to i32
      %sign3A_1346 = arith.constant 0 : i32
      %sign3A_1347 = arith.cmpi slt, %jit3A_1334, %sign3A_1346 : i32
      %sign3A_1348 = arith.extui %sign3A_1347 : i1 to i32
      %sign3A_1349 = arith.subi %sign3A_1345, %sign3A_1348 : i32
      %ne3A_1350 = arith.cmpi ne, %sign3A_1342, %sign3A_1349 : i32
      %rem3A_1351 = arith.remsi %sub3A_1333, %jit3A_1334 : i32
      %ne3A_1352 = arith.constant 0 : i32
      %ne3A_1353 = arith.cmpi ne, %rem3A_1351, %ne3A_1352 : i32
      %and3A_1354 = arith.andi %ne3A_1350, %ne3A_1353 : i1
      %sub3A_1355 = arith.constant 1 : i32
      %sub3A_1356 = arith.subi %div3A_1335, %sub3A_1355 : i32
      %select_n3A_1357 = arith.select %and3A_1354, %sub3A_1356, %div3A_1335 : i32
      %jit3A_1358 = arith.constant 4 : i32
      %eq3A_1359 = arith.constant 0 : i32
      %eq3A_1360 = arith.cmpi eq, %jit3A_1358, %eq3A_1359 : i32
      %jit3A_1361 = arith.constant 1 : i32
      %select_n3A_1362 = arith.select %eq3A_1360, %jit3A_1361, %jit3A_1358 : i32
      %rem3A_1363 = arith.remsi %sub3A_1333, %select_n3A_1362 : i32
      %ne3A_1364 = arith.constant 0 : i32
      %ne3A_1365 = arith.cmpi ne, %rem3A_1363, %ne3A_1364 : i32
      %lt3A_1366 = arith.constant 0 : i32
      %lt3A_1367 = arith.cmpi slt, %rem3A_1363, %lt3A_1366 : i32
      %lt3A_1368 = arith.constant 0 : i32
      %lt3A_1369 = arith.cmpi slt, %select_n3A_1362, %lt3A_1368 : i32
      %ne3A_1370 = arith.xori %lt3A_1367, %lt3A_1369 : i1
      %and3A_1371 = arith.andi %ne3A_1370, %ne3A_1365 : i1
      %add3A_1372 = arith.addi %rem3A_1363, %select_n3A_1362 : i32
      %select_n3A_1373 = arith.select %and3A_1371, %add3A_1372, %rem3A_1363 : i32
      %mul3A_1374 = arith.constant 16 : i32
      %mul3A_1375 = arith.muli %add3A, %mul3A_1374 : i32
      %add3A_1376 = arith.addi %mul3A_1375, %select_n3A_1357 : i32
      %mul3A_1377 = arith.constant 8 : i32
      %mul3A_1378 = arith.muli %add3A_1376, %mul3A_1377 : i32
      %mul3A_1379 = arith.constant 3200 : i32
      %mul3A_1380 = arith.muli %select_n3A_1373, %mul3A_1379 : i32
      %mul3A_1381 = arith.constant 3200 : i32
      %mul3A_1382 = arith.muli %select_n3A_1373, %mul3A_1381 : i32
      %dma_wait3A_1383 = tpu.memref_slice %arg4[%mul3A_1378, %mul3A_1380] : memref<4096x12800xf32, #tpu.memory_space<hbm>> -> memref<8x3200xf32, #tpu.memory_space<hbm>>
      %dma_wait3A_1384 = tpu.memref_slice %arg4[%mul3A_1378, %mul3A_1380] : memref<4096x12800xf32, #tpu.memory_space<hbm>> -> memref<8x3200xf32, #tpu.memory_space<hbm>>
      tpu.wait_dma2 semaphore(%arg15 : memref<!tpu.dma_semaphore, #tpu.memory_space<semaphore_mem>>) src(%arg7 : memref<8x3200xf32, #tpu.memory_space<vmem>>) dst(%dma_wait3A_1384 : memref<8x3200xf32, #tpu.memory_space<hbm>>)
      %add3A_1385 = arith.constant 2 : i32
      %add3A_1386 = arith.addi %add3A_1177, %add3A_1385 : i32
      %jit3A_1387 = arith.constant 4 : i32
      %div3A_1388 = arith.divsi %add3A_1386, %jit3A_1387 : i32
      %sign3A_1389 = arith.constant 0 : i32
      %sign3A_1390 = arith.cmpi sgt, %add3A_1386, %sign3A_1389 : i32
      %sign3A_1391 = arith.extui %sign3A_1390 : i1 to i32
      %sign3A_1392 = arith.constant 0 : i32
      %sign3A_1393 = arith.cmpi slt, %add3A_1386, %sign3A_1392 : i32
      %sign3A_1394 = arith.extui %sign3A_1393 : i1 to i32
      %sign3A_1395 = arith.subi %sign3A_1391, %sign3A_1394 : i32
      %sign3A_1396 = arith.constant 0 : i32
      %sign3A_1397 = arith.cmpi sgt, %jit3A_1387, %sign3A_1396 : i32
      %sign3A_1398 = arith.extui %sign3A_1397 : i1 to i32
      %sign3A_1399 = arith.constant 0 : i32
      %sign3A_1400 = arith.cmpi slt, %jit3A_1387, %sign3A_1399 : i32
      %sign3A_1401 = arith.extui %sign3A_1400 : i1 to i32
      %sign3A_1402 = arith.subi %sign3A_1398, %sign3A_1401 : i32
      %ne3A_1403 = arith.cmpi ne, %sign3A_1395, %sign3A_1402 : i32
      %rem3A_1404 = arith.remsi %add3A_1386, %jit3A_1387 : i32
      %ne3A_1405 = arith.constant 0 : i32
      %ne3A_1406 = arith.cmpi ne, %rem3A_1404, %ne3A_1405 : i32
      %and3A_1407 = arith.andi %ne3A_1403, %ne3A_1406 : i1
      %sub3A_1408 = arith.constant 1 : i32
      %sub3A_1409 = arith.subi %div3A_1388, %sub3A_1408 : i32
      %select_n3A_1410 = arith.select %and3A_1407, %sub3A_1409, %div3A_1388 : i32
      %jit3A_1411 = arith.constant 4 : i32
      %eq3A_1412 = arith.constant 0 : i32
      %eq3A_1413 = arith.cmpi eq, %jit3A_1411, %eq3A_1412 : i32
      %jit3A_1414 = arith.constant 1 : i32
      %select_n3A_1415 = arith.select %eq3A_1413, %jit3A_1414, %jit3A_1411 : i32
      %rem3A_1416 = arith.remsi %add3A_1386, %select_n3A_1415 : i32
      %ne3A_1417 = arith.constant 0 : i32
      %ne3A_1418 = arith.cmpi ne, %rem3A_1416, %ne3A_1417 : i32
      %lt3A_1419 = arith.constant 0 : i32
      %lt3A_1420 = arith.cmpi slt, %rem3A_1416, %lt3A_1419 : i32
      %lt3A_1421 = arith.constant 0 : i32
      %lt3A_1422 = arith.cmpi slt, %select_n3A_1415, %lt3A_1421 : i32
      %ne3A_1423 = arith.xori %lt3A_1420, %lt3A_1422 : i1
      %and3A_1424 = arith.andi %ne3A_1423, %ne3A_1418 : i1
      %add3A_1425 = arith.addi %rem3A_1416, %select_n3A_1415 : i32
      %select_n3A_1426 = arith.select %and3A_1424, %add3A_1425, %rem3A_1416 : i32
      %mul3A_1427 = arith.constant 16 : i32
      %mul3A_1428 = arith.muli %add3A, %mul3A_1427 : i32
      %add3A_1429 = arith.addi %mul3A_1428, %select_n3A_1410 : i32
      %mul3A_1430 = arith.constant 8 : i32
      %mul3A_1431 = arith.muli %add3A_1429, %mul3A_1430 : i32
      %mul3A_1432 = arith.constant 3200 : i32
      %mul3A_1433 = arith.muli %select_n3A_1426, %mul3A_1432 : i32
      %mul3A_1434 = arith.constant 3200 : i32
      %mul3A_1435 = arith.muli %select_n3A_1426, %mul3A_1434 : i32
      %dma_start3A_1436 = tpu.memref_slice %arg2[%mul3A_1431, %mul3A_1433] : memref<4096x12800xf32, #tpu.memory_space<hbm>> -> memref<8x3200xf32, #tpu.memory_space<hbm>>
      %dma_start3A_1437 = tpu.memref_slice %arg2[%mul3A_1431, %mul3A_1433] : memref<4096x12800xf32, #tpu.memory_space<hbm>> -> memref<8x3200xf32, #tpu.memory_space<hbm>>
      tpu.enqueue_dma source(%dma_start3A_1437 : memref<8x3200xf32, #tpu.memory_space<hbm>>) target(%arg7 : memref<8x3200xf32, #tpu.memory_space<vmem>>) target_semaphore(%arg11 : memref<!tpu.dma_semaphore, #tpu.memory_space<semaphore_mem>>)
      %scan3A_1438 = arith.constant 0 : i32
      scf.yield %scan3A_1438 : i32
    }
    %scan3A_199 = arith.constant 14 : i32
    %mul3A_200 = arith.constant 16 : i32
    %mul3A_201 = arith.muli %add3A, %mul3A_200 : i32
    %add3A_202 = arith.constant 15 : i32
    %add3A_203 = arith.addi %mul3A_201, %add3A_202 : i32
    %mul3A_204 = arith.constant 8 : i32
    %mul3A_205 = arith.muli %add3A_203, %mul3A_204 : i32
    %dma_wait3A_206 = arith.constant 0 : i32
    %dma_wait3A_207 = tpu.memref_slice %arg2[%mul3A_205, %dma_wait3A_206] : memref<4096x12800xf32, #tpu.memory_space<hbm>> -> memref<8x3200xf32, #tpu.memory_space<hbm>>
    %dma_wait3A_208 = arith.constant 0 : i32
    %dma_wait3A_209 = tpu.memref_slice %arg2[%mul3A_205, %dma_wait3A_208] : memref<4096x12800xf32, #tpu.memory_space<hbm>> -> memref<8x3200xf32, #tpu.memory_space<hbm>>
    tpu.wait_dma2 semaphore(%arg10 : memref<!tpu.dma_semaphore, #tpu.memory_space<semaphore_mem>>) src(%dma_wait3A_209 : memref<8x3200xf32, #tpu.memory_space<hbm>>) dst(%arg6 : memref<8x3200xf32, #tpu.memory_space<vmem>>)
    %mul3A_210 = arith.constant 16 : i32
    %mul3A_211 = arith.muli %add3A, %mul3A_210 : i32
    %add3A_212 = arith.constant 15 : i32
    %add3A_213 = arith.addi %mul3A_211, %add3A_212 : i32
    %mul3A_214 = arith.constant 8 : i32
    %mul3A_215 = arith.muli %add3A_213, %mul3A_214 : i32
    %parallel_loop3A_216 = arith.constant 0 : i32
    %parallel_loop3A_217 = arith.constant 200 : i32
    %parallel_loop3A_218 = arith.constant 1 : i32
    scf.for %parallel_loop3A_396 = %parallel_loop3A_216 to %parallel_loop3A_217 step %parallel_loop3A_218  : i32 {
      %parallel_loop3A_397 = arith.constant 8 : i32
      %parallel_loop3A_398 = arith.divsi %parallel_loop3A_396, %parallel_loop3A_397 : i32
      %parallel_loop3A_399 = arith.constant 0 : i32
      %parallel_loop3A_400 = arith.cmpi sgt, %parallel_loop3A_396, %parallel_loop3A_399 : i32
      %parallel_loop3A_401 = arith.extui %parallel_loop3A_400 : i1 to i32
      %parallel_loop3A_402 = arith.constant 0 : i32
      %parallel_loop3A_403 = arith.cmpi slt, %parallel_loop3A_396, %parallel_loop3A_402 : i32
      %parallel_loop3A_404 = arith.extui %parallel_loop3A_403 : i1 to i32
      %parallel_loop3A_405 = arith.subi %parallel_loop3A_401, %parallel_loop3A_404 : i32
      %parallel_loop3A_406 = arith.constant 0 : i32
      %parallel_loop3A_407 = arith.cmpi sgt, %parallel_loop3A_397, %parallel_loop3A_406 : i32
      %parallel_loop3A_408 = arith.extui %parallel_loop3A_407 : i1 to i32
      %parallel_loop3A_409 = arith.constant 0 : i32
      %parallel_loop3A_410 = arith.cmpi slt, %parallel_loop3A_397, %parallel_loop3A_409 : i32
      %parallel_loop3A_411 = arith.extui %parallel_loop3A_410 : i1 to i32
      %parallel_loop3A_412 = arith.subi %parallel_loop3A_408, %parallel_loop3A_411 : i32
      %parallel_loop3A_413 = arith.cmpi ne, %parallel_loop3A_405, %parallel_loop3A_412 : i32
      %parallel_loop3A_414 = arith.remsi %parallel_loop3A_396, %parallel_loop3A_397 : i32
      %parallel_loop3A_415 = arith.constant 0 : i32
      %parallel_loop3A_416 = arith.cmpi ne, %parallel_loop3A_414, %parallel_loop3A_415 : i32
      %parallel_loop3A_417 = arith.andi %parallel_loop3A_413, %parallel_loop3A_416 : i1
      %parallel_loop3A_418 = arith.constant 1 : i32
      %parallel_loop3A_419 = arith.subi %parallel_loop3A_398, %parallel_loop3A_418 : i32
      %parallel_loop3A_420 = arith.select %parallel_loop3A_417, %parallel_loop3A_419, %parallel_loop3A_398 : i32
      %parallel_loop3A_421 = arith.constant 128 : i32
      %parallel_loop3A_422 = arith.muli %parallel_loop3A_420, %parallel_loop3A_421 : i32
      %parallel_loop3A_423 = arith.constant 8 : i32
      %parallel_loop3A_424 = arith.constant 0 : i32
      %parallel_loop3A_425 = arith.cmpi eq, %parallel_loop3A_423, %parallel_loop3A_424 : i32
      %parallel_loop3A_426 = arith.constant 1 : i32
      %parallel_loop3A_427 = arith.select %parallel_loop3A_425, %parallel_loop3A_426, %parallel_loop3A_423 : i32
      %parallel_loop3A_428 = arith.remsi %parallel_loop3A_396, %parallel_loop3A_427 : i32
      %parallel_loop3A_429 = arith.constant 0 : i32
      %parallel_loop3A_430 = arith.cmpi ne, %parallel_loop3A_428, %parallel_loop3A_429 : i32
      %parallel_loop3A_431 = arith.constant 0 : i32
      %parallel_loop3A_432 = arith.cmpi slt, %parallel_loop3A_428, %parallel_loop3A_431 : i32
      %parallel_loop3A_433 = arith.constant 0 : i32
      %parallel_loop3A_434 = arith.cmpi slt, %parallel_loop3A_427, %parallel_loop3A_433 : i32
      %parallel_loop3A_435 = arith.xori %parallel_loop3A_432, %parallel_loop3A_434 : i1
      %parallel_loop3A_436 = arith.andi %parallel_loop3A_435, %parallel_loop3A_430 : i1
      %parallel_loop3A_437 = arith.addi %parallel_loop3A_428, %parallel_loop3A_427 : i32
      %parallel_loop3A_438 = arith.select %parallel_loop3A_436, %parallel_loop3A_437, %parallel_loop3A_428 : i32
      %parallel_loop3A_439 = arith.constant 16 : i32
      %parallel_loop3A_440 = arith.muli %parallel_loop3A_438, %parallel_loop3A_439 : i32
      %parallel_loop3A_441 = arith.addi %parallel_loop3A_422, %parallel_loop3A_440 : i32
      %parallel_loop3A_442 = arith.constant 0 : i32
      %parallel_loop3A_443 = arith.addi %parallel_loop3A_442, %parallel_loop3A_441 : i32
      %parallel_loop3A_444 = arith.index_cast %parallel_loop3A_443 : i32 to index
      %parallel_loop3A_445 = tpu.vector_load %arg5[%parallel_loop3A_444] {strides = array<i32>} : memref<12800xf32, #tpu.memory_space<vmem>>, vector<16xf32>,
      %parallel_loop3A_446 = vector.shape_cast %parallel_loop3A_445 : vector<16xf32> to vector<16xf32>
      %parallel_loop3A_447 = arith.constant 0 : i32
      %parallel_loop3A_448 = arith.index_cast %parallel_loop3A_447 : i32 to index
      %parallel_loop3A_449 = arith.index_cast %parallel_loop3A_441 : i32 to index
      %parallel_loop3A_450 = tpu.vector_load %arg6[%parallel_loop3A_448, %parallel_loop3A_449] {strides = array<i32>} : memref<8x3200xf32, #tpu.memory_space<vmem>>, vector<1x16xf32>,
      %parallel_loop3A_451 = vector.shape_cast %parallel_loop3A_450 : vector<1x16xf32> to vector<16xf32>
      %parallel_loop3A_452 = vector.shape_cast %parallel_loop3A_446 : vector<16xf32> to vector<1x16xf32>
      tpu.vector_store %arg6[%parallel_loop3A_448, %parallel_loop3A_449], %parallel_loop3A_452 {add = true, strides = array<i32>} : memref<8x3200xf32, #tpu.memory_space<vmem>>, vector<1x16xf32>,
      %parallel_loop3A_453 = arith.constant 1 : i32
      %parallel_loop3A_454 = arith.index_cast %parallel_loop3A_453 : i32 to index
      %parallel_loop3A_455 = arith.index_cast %parallel_loop3A_441 : i32 to index
      %parallel_loop3A_456 = tpu.vector_load %arg6[%parallel_loop3A_454, %parallel_loop3A_455] {strides = array<i32>} : memref<8x3200xf32, #tpu.memory_space<vmem>>, vector<1x16xf32>,
      %parallel_loop3A_457 = vector.shape_cast %parallel_loop3A_456 : vector<1x16xf32> to vector<16xf32>
      %parallel_loop3A_458 = vector.shape_cast %parallel_loop3A_446 : vector<16xf32> to vector<1x16xf32>
      tpu.vector_store %arg6[%parallel_loop3A_454, %parallel_loop3A_455], %parallel_loop3A_458 {add = true, strides = array<i32>} : memref<8x3200xf32, #tpu.memory_space<vmem>>, vector<1x16xf32>,
      %parallel_loop3A_459 = arith.constant 2 : i32
      %parallel_loop3A_460 = arith.index_cast %parallel_loop3A_459 : i32 to index
      %parallel_loop3A_461 = arith.index_cast %parallel_loop3A_441 : i32 to index
      %parallel_loop3A_462 = tpu.vector_load %arg6[%parallel_loop3A_460, %parallel_loop3A_461] {strides = array<i32>} : memref<8x3200xf32, #tpu.memory_space<vmem>>, vector<1x16xf32>,
      %parallel_loop3A_463 = vector.shape_cast %parallel_loop3A_462 : vector<1x16xf32> to vector<16xf32>
      %parallel_loop3A_464 = vector.shape_cast %parallel_loop3A_446 : vector<16xf32> to vector<1x16xf32>
      tpu.vector_store %arg6[%parallel_loop3A_460, %parallel_loop3A_461], %parallel_loop3A_464 {add = true, strides = array<i32>} : memref<8x3200xf32, #tpu.memory_space<vmem>>, vector<1x16xf32>,
      %parallel_loop3A_465 = arith.constant 3 : i32
      %parallel_loop3A_466 = arith.index_cast %parallel_loop3A_465 : i32 to index
      %parallel_loop3A_467 = arith.index_cast %parallel_loop3A_441 : i32 to index
      %parallel_loop3A_468 = tpu.vector_load %arg6[%parallel_loop3A_466, %parallel_loop3A_467] {strides = array<i32>} : memref<8x3200xf32, #tpu.memory_space<vmem>>, vector<1x16xf32>,
      %parallel_loop3A_469 = vector.shape_cast %parallel_loop3A_468 : vector<1x16xf32> to vector<16xf32>
      %parallel_loop3A_470 = vector.shape_cast %parallel_loop3A_446 : vector<16xf32> to vector<1x16xf32>
      tpu.vector_store %arg6[%parallel_loop3A_466, %parallel_loop3A_467], %parallel_loop3A_470 {add = true, strides = array<i32>} : memref<8x3200xf32, #tpu.memory_space<vmem>>, vector<1x16xf32>,
      %parallel_loop3A_471 = arith.constant 4 : i32
      %parallel_loop3A_472 = arith.index_cast %parallel_loop3A_471 : i32 to index
      %parallel_loop3A_473 = arith.index_cast %parallel_loop3A_441 : i32 to index
      %parallel_loop3A_474 = tpu.vector_load %arg6[%parallel_loop3A_472, %parallel_loop3A_473] {strides = array<i32>} : memref<8x3200xf32, #tpu.memory_space<vmem>>, vector<1x16xf32>,
      %parallel_loop3A_475 = vector.shape_cast %parallel_loop3A_474 : vector<1x16xf32> to vector<16xf32>
      %parallel_loop3A_476 = vector.shape_cast %parallel_loop3A_446 : vector<16xf32> to vector<1x16xf32>
      tpu.vector_store %arg6[%parallel_loop3A_472, %parallel_loop3A_473], %parallel_loop3A_476 {add = true, strides = array<i32>} : memref<8x3200xf32, #tpu.memory_space<vmem>>, vector<1x16xf32>,
      %parallel_loop3A_477 = arith.constant 5 : i32
      %parallel_loop3A_478 = arith.index_cast %parallel_loop3A_477 : i32 to index
      %parallel_loop3A_479 = arith.index_cast %parallel_loop3A_441 : i32 to index
      %parallel_loop3A_480 = tpu.vector_load %arg6[%parallel_loop3A_478, %parallel_loop3A_479] {strides = array<i32>} : memref<8x3200xf32, #tpu.memory_space<vmem>>, vector<1x16xf32>,
      %parallel_loop3A_481 = vector.shape_cast %parallel_loop3A_480 : vector<1x16xf32> to vector<16xf32>
      %parallel_loop3A_482 = vector.shape_cast %parallel_loop3A_446 : vector<16xf32> to vector<1x16xf32>
      tpu.vector_store %arg6[%parallel_loop3A_478, %parallel_loop3A_479], %parallel_loop3A_482 {add = true, strides = array<i32>} : memref<8x3200xf32, #tpu.memory_space<vmem>>, vector<1x16xf32>,
      %parallel_loop3A_483 = arith.constant 6 : i32
      %parallel_loop3A_484 = arith.index_cast %parallel_loop3A_483 : i32 to index
      %parallel_loop3A_485 = arith.index_cast %parallel_loop3A_441 : i32 to index
      %parallel_loop3A_486 = tpu.vector_load %arg6[%parallel_loop3A_484, %parallel_loop3A_485] {strides = array<i32>} : memref<8x3200xf32, #tpu.memory_space<vmem>>, vector<1x16xf32>,
      %parallel_loop3A_487 = vector.shape_cast %parallel_loop3A_486 : vector<1x16xf32> to vector<16xf32>
      %parallel_loop3A_488 = vector.shape_cast %parallel_loop3A_446 : vector<16xf32> to vector<1x16xf32>
      tpu.vector_store %arg6[%parallel_loop3A_484, %parallel_loop3A_485], %parallel_loop3A_488 {add = true, strides = array<i32>} : memref<8x3200xf32, #tpu.memory_space<vmem>>, vector<1x16xf32>,
      %parallel_loop3A_489 = arith.constant 7 : i32
      %parallel_loop3A_490 = arith.index_cast %parallel_loop3A_489 : i32 to index
      %parallel_loop3A_491 = arith.index_cast %parallel_loop3A_441 : i32 to index
      %parallel_loop3A_492 = tpu.vector_load %arg6[%parallel_loop3A_490, %parallel_loop3A_491] {strides = array<i32>} : memref<8x3200xf32, #tpu.memory_space<vmem>>, vector<1x16xf32>,
      %parallel_loop3A_493 = vector.shape_cast %parallel_loop3A_492 : vector<1x16xf32> to vector<16xf32>
      %parallel_loop3A_494 = vector.shape_cast %parallel_loop3A_446 : vector<16xf32> to vector<1x16xf32>
      tpu.vector_store %arg6[%parallel_loop3A_490, %parallel_loop3A_491], %parallel_loop3A_494 {add = true, strides = array<i32>} : memref<8x3200xf32, #tpu.memory_space<vmem>>, vector<1x16xf32>,
    } {sc.loop_unroll_factor = 2 : i64, sc.parallel_access}
    %mul3A_219 = arith.constant 16 : i32
    %mul3A_220 = arith.muli %add3A, %mul3A_219 : i32
    %add3A_221 = arith.constant 15 : i32
    %add3A_222 = arith.addi %mul3A_220, %add3A_221 : i32
    %mul3A_223 = arith.constant 8 : i32
    %mul3A_224 = arith.muli %add3A_222, %mul3A_223 : i32
    %dma_start3A_225 = arith.constant 0 : i32
    %dma_start3A_226 = tpu.memref_slice %arg4[%mul3A_224, %dma_start3A_225] : memref<4096x12800xf32, #tpu.memory_space<hbm>> -> memref<8x3200xf32, #tpu.memory_space<hbm>>
    %dma_start3A_227 = arith.constant 0 : i32
    %dma_start3A_228 = tpu.memref_slice %arg4[%mul3A_224, %dma_start3A_227] : memref<4096x12800xf32, #tpu.memory_space<hbm>> -> memref<8x3200xf32, #tpu.memory_space<hbm>>
    tpu.enqueue_dma source(%arg6 : memref<8x3200xf32, #tpu.memory_space<vmem>>) target(%dma_start3A_228 : memref<8x3200xf32, #tpu.memory_space<hbm>>) target_semaphore(%arg14 : memref<!tpu.dma_semaphore, #tpu.memory_space<semaphore_mem>>)
    %mul3A_229 = arith.constant 16 : i32
    %mul3A_230 = arith.muli %add3A, %mul3A_229 : i32
    %add3A_231 = arith.constant 14 : i32
    %add3A_232 = arith.addi %mul3A_230, %add3A_231 : i32
    %mul3A_233 = arith.constant 8 : i32
    %mul3A_234 = arith.muli %add3A_232, %mul3A_233 : i32
    %dma_wait3A_235 = arith.constant 6400 : i32
    %dma_wait3A_236 = tpu.memref_slice %arg4[%mul3A_234, %dma_wait3A_235] : memref<4096x12800xf32, #tpu.memory_space<hbm>> -> memref<8x3200xf32, #tpu.memory_space<hbm>>
    %dma_wait3A_237 = arith.constant 6400 : i32
    %dma_wait3A_238 = tpu.memref_slice %arg4[%mul3A_234, %dma_wait3A_237] : memref<4096x12800xf32, #tpu.memory_space<hbm>> -> memref<8x3200xf32, #tpu.memory_space<hbm>>
    tpu.wait_dma2 semaphore(%arg16 : memref<!tpu.dma_semaphore, #tpu.memory_space<semaphore_mem>>) src(%arg8 : memref<8x3200xf32, #tpu.memory_space<vmem>>) dst(%dma_wait3A_238 : memref<8x3200xf32, #tpu.memory_space<hbm>>)
    %mul3A_239 = arith.constant 16 : i32
    %mul3A_240 = arith.muli %add3A, %mul3A_239 : i32
    %add3A_241 = arith.constant 15 : i32
    %add3A_242 = arith.addi %mul3A_240, %add3A_241 : i32
    %mul3A_243 = arith.constant 8 : i32
    %mul3A_244 = arith.muli %add3A_242, %mul3A_243 : i32
    %dma_start3A_245 = arith.constant 6400 : i32
    %dma_start3A_246 = tpu.memref_slice %arg2[%mul3A_244, %dma_start3A_245] : memref<4096x12800xf32, #tpu.memory_space<hbm>> -> memref<8x3200xf32, #tpu.memory_space<hbm>>
    %dma_start3A_247 = arith.constant 6400 : i32
    %dma_start3A_248 = tpu.memref_slice %arg2[%mul3A_244, %dma_start3A_247] : memref<4096x12800xf32, #tpu.memory_space<hbm>> -> memref<8x3200xf32, #tpu.memory_space<hbm>>
    tpu.enqueue_dma source(%dma_start3A_248 : memref<8x3200xf32, #tpu.memory_space<hbm>>) target(%arg8 : memref<8x3200xf32, #tpu.memory_space<vmem>>) target_semaphore(%arg12 : memref<!tpu.dma_semaphore, #tpu.memory_space<semaphore_mem>>)
    %mul3A_249 = arith.constant 16 : i32
    %mul3A_250 = arith.muli %add3A, %mul3A_249 : i32
    %add3A_251 = arith.constant 15 : i32
    %add3A_252 = arith.addi %mul3A_250, %add3A_251 : i32
    %mul3A_253 = arith.constant 8 : i32
    %mul3A_254 = arith.muli %add3A_252, %mul3A_253 : i32
    %dma_wait3A_255 = arith.constant 3200 : i32
    %dma_wait3A_256 = tpu.memref_slice %arg2[%mul3A_254, %dma_wait3A_255] : memref<4096x12800xf32, #tpu.memory_space<hbm>> -> memref<8x3200xf32, #tpu.memory_space<hbm>>
    %dma_wait3A_257 = arith.constant 3200 : i32
    %dma_wait3A_258 = tpu.memref_slice %arg2[%mul3A_254, %dma_wait3A_257] : memref<4096x12800xf32, #tpu.memory_space<hbm>> -> memref<8x3200xf32, #tpu.memory_space<hbm>>
    tpu.wait_dma2 semaphore(%arg11 : memref<!tpu.dma_semaphore, #tpu.memory_space<semaphore_mem>>) src(%dma_wait3A_258 : memref<8x3200xf32, #tpu.memory_space<hbm>>) dst(%arg7 : memref<8x3200xf32, #tpu.memory_space<vmem>>)
    %mul3A_259 = arith.constant 16 : i32
    %mul3A_260 = arith.muli %add3A, %mul3A_259 : i32
    %add3A_261 = arith.constant 15 : i32
    %add3A_262 = arith.addi %mul3A_260, %add3A_261 : i32
    %mul3A_263 = arith.constant 8 : i32
    %mul3A_264 = arith.muli %add3A_262, %mul3A_263 : i32
    %parallel_loop3A_265 = arith.constant 0 : i32
    %parallel_loop3A_266 = arith.constant 200 : i32
    %parallel_loop3A_267 = arith.constant 1 : i32
    scf.for %parallel_loop3A_396 = %parallel_loop3A_265 to %parallel_loop3A_266 step %parallel_loop3A_267  : i32 {
      %parallel_loop3A_397 = arith.constant 8 : i32
      %parallel_loop3A_398 = arith.divsi %parallel_loop3A_396, %parallel_loop3A_397 : i32
      %parallel_loop3A_399 = arith.constant 0 : i32
      %parallel_loop3A_400 = arith.cmpi sgt, %parallel_loop3A_396, %parallel_loop3A_399 : i32
      %parallel_loop3A_401 = arith.extui %parallel_loop3A_400 : i1 to i32
      %parallel_loop3A_402 = arith.constant 0 : i32
      %parallel_loop3A_403 = arith.cmpi slt, %parallel_loop3A_396, %parallel_loop3A_402 : i32
      %parallel_loop3A_404 = arith.extui %parallel_loop3A_403 : i1 to i32
      %parallel_loop3A_405 = arith.subi %parallel_loop3A_401, %parallel_loop3A_404 : i32
      %parallel_loop3A_406 = arith.constant 0 : i32
      %parallel_loop3A_407 = arith.cmpi sgt, %parallel_loop3A_397, %parallel_loop3A_406 : i32
      %parallel_loop3A_408 = arith.extui %parallel_loop3A_407 : i1 to i32
      %parallel_loop3A_409 = arith.constant 0 : i32
      %parallel_loop3A_410 = arith.cmpi slt, %parallel_loop3A_397, %parallel_loop3A_409 : i32
      %parallel_loop3A_411 = arith.extui %parallel_loop3A_410 : i1 to i32
      %parallel_loop3A_412 = arith.subi %parallel_loop3A_408, %parallel_loop3A_411 : i32
      %parallel_loop3A_413 = arith.cmpi ne, %parallel_loop3A_405, %parallel_loop3A_412 : i32
      %parallel_loop3A_414 = arith.remsi %parallel_loop3A_396, %parallel_loop3A_397 : i32
      %parallel_loop3A_415 = arith.constant 0 : i32
      %parallel_loop3A_416 = arith.cmpi ne, %parallel_loop3A_414, %parallel_loop3A_415 : i32
      %parallel_loop3A_417 = arith.andi %parallel_loop3A_413, %parallel_loop3A_416 : i1
      %parallel_loop3A_418 = arith.constant 1 : i32
      %parallel_loop3A_419 = arith.subi %parallel_loop3A_398, %parallel_loop3A_418 : i32
      %parallel_loop3A_420 = arith.select %parallel_loop3A_417, %parallel_loop3A_419, %parallel_loop3A_398 : i32
      %parallel_loop3A_421 = arith.constant 128 : i32
      %parallel_loop3A_422 = arith.muli %parallel_loop3A_420, %parallel_loop3A_421 : i32
      %parallel_loop3A_423 = arith.constant 8 : i32
      %parallel_loop3A_424 = arith.constant 0 : i32
      %parallel_loop3A_425 = arith.cmpi eq, %parallel_loop3A_423, %parallel_loop3A_424 : i32
      %parallel_loop3A_426 = arith.constant 1 : i32
      %parallel_loop3A_427 = arith.select %parallel_loop3A_425, %parallel_loop3A_426, %parallel_loop3A_423 : i32
      %parallel_loop3A_428 = arith.remsi %parallel_loop3A_396, %parallel_loop3A_427 : i32
      %parallel_loop3A_429 = arith.constant 0 : i32
      %parallel_loop3A_430 = arith.cmpi ne, %parallel_loop3A_428, %parallel_loop3A_429 : i32
      %parallel_loop3A_431 = arith.constant 0 : i32
      %parallel_loop3A_432 = arith.cmpi slt, %parallel_loop3A_428, %parallel_loop3A_431 : i32
      %parallel_loop3A_433 = arith.constant 0 : i32
      %parallel_loop3A_434 = arith.cmpi slt, %parallel_loop3A_427, %parallel_loop3A_433 : i32
      %parallel_loop3A_435 = arith.xori %parallel_loop3A_432, %parallel_loop3A_434 : i1
      %parallel_loop3A_436 = arith.andi %parallel_loop3A_435, %parallel_loop3A_430 : i1
      %parallel_loop3A_437 = arith.addi %parallel_loop3A_428, %parallel_loop3A_427 : i32
      %parallel_loop3A_438 = arith.select %parallel_loop3A_436, %parallel_loop3A_437, %parallel_loop3A_428 : i32
      %parallel_loop3A_439 = arith.constant 16 : i32
      %parallel_loop3A_440 = arith.muli %parallel_loop3A_438, %parallel_loop3A_439 : i32
      %parallel_loop3A_441 = arith.addi %parallel_loop3A_422, %parallel_loop3A_440 : i32
      %parallel_loop3A_442 = arith.constant 3200 : i32
      %parallel_loop3A_443 = arith.addi %parallel_loop3A_442, %parallel_loop3A_441 : i32
      %parallel_loop3A_444 = arith.index_cast %parallel_loop3A_443 : i32 to index
      %parallel_loop3A_445 = tpu.vector_load %arg5[%parallel_loop3A_444] {strides = array<i32>} : memref<12800xf32, #tpu.memory_space<vmem>>, vector<16xf32>,
      %parallel_loop3A_446 = vector.shape_cast %parallel_loop3A_445 : vector<16xf32> to vector<16xf32>
      %parallel_loop3A_447 = arith.constant 0 : i32
      %parallel_loop3A_448 = arith.index_cast %parallel_loop3A_447 : i32 to index
      %parallel_loop3A_449 = arith.index_cast %parallel_loop3A_441 : i32 to index
      %parallel_loop3A_450 = tpu.vector_load %arg7[%parallel_loop3A_448, %parallel_loop3A_449] {strides = array<i32>} : memref<8x3200xf32, #tpu.memory_space<vmem>>, vector<1x16xf32>,
      %parallel_loop3A_451 = vector.shape_cast %parallel_loop3A_450 : vector<1x16xf32> to vector<16xf32>
      %parallel_loop3A_452 = vector.shape_cast %parallel_loop3A_446 : vector<16xf32> to vector<1x16xf32>
      tpu.vector_store %arg7[%parallel_loop3A_448, %parallel_loop3A_449], %parallel_loop3A_452 {add = true, strides = array<i32>} : memref<8x3200xf32, #tpu.memory_space<vmem>>, vector<1x16xf32>,
      %parallel_loop3A_453 = arith.constant 1 : i32
      %parallel_loop3A_454 = arith.index_cast %parallel_loop3A_453 : i32 to index
      %parallel_loop3A_455 = arith.index_cast %parallel_loop3A_441 : i32 to index
      %parallel_loop3A_456 = tpu.vector_load %arg7[%parallel_loop3A_454, %parallel_loop3A_455] {strides = array<i32>} : memref<8x3200xf32, #tpu.memory_space<vmem>>, vector<1x16xf32>,
      %parallel_loop3A_457 = vector.shape_cast %parallel_loop3A_456 : vector<1x16xf32> to vector<16xf32>
      %parallel_loop3A_458 = vector.shape_cast %parallel_loop3A_446 : vector<16xf32> to vector<1x16xf32>
      tpu.vector_store %arg7[%parallel_loop3A_454, %parallel_loop3A_455], %parallel_loop3A_458 {add = true, strides = array<i32>} : memref<8x3200xf32, #tpu.memory_space<vmem>>, vector<1x16xf32>,
      %parallel_loop3A_459 = arith.constant 2 : i32
      %parallel_loop3A_460 = arith.index_cast %parallel_loop3A_459 : i32 to index
      %parallel_loop3A_461 = arith.index_cast %parallel_loop3A_441 : i32 to index
      %parallel_loop3A_462 = tpu.vector_load %arg7[%parallel_loop3A_460, %parallel_loop3A_461] {strides = array<i32>} : memref<8x3200xf32, #tpu.memory_space<vmem>>, vector<1x16xf32>,
      %parallel_loop3A_463 = vector.shape_cast %parallel_loop3A_462 : vector<1x16xf32> to vector<16xf32>
      %parallel_loop3A_464 = vector.shape_cast %parallel_loop3A_446 : vector<16xf32> to vector<1x16xf32>
      tpu.vector_store %arg7[%parallel_loop3A_460, %parallel_loop3A_461], %parallel_loop3A_464 {add = true, strides = array<i32>} : memref<8x3200xf32, #tpu.memory_space<vmem>>, vector<1x16xf32>,
      %parallel_loop3A_465 = arith.constant 3 : i32
      %parallel_loop3A_466 = arith.index_cast %parallel_loop3A_465 : i32 to index
      %parallel_loop3A_467 = arith.index_cast %parallel_loop3A_441 : i32 to index
      %parallel_loop3A_468 = tpu.vector_load %arg7[%parallel_loop3A_466, %parallel_loop3A_467] {strides = array<i32>} : memref<8x3200xf32, #tpu.memory_space<vmem>>, vector<1x16xf32>,
      %parallel_loop3A_469 = vector.shape_cast %parallel_loop3A_468 : vector<1x16xf32> to vector<16xf32>
      %parallel_loop3A_470 = vector.shape_cast %parallel_loop3A_446 : vector<16xf32> to vector<1x16xf32>
      tpu.vector_store %arg7[%parallel_loop3A_466, %parallel_loop3A_467], %parallel_loop3A_470 {add = true, strides = array<i32>} : memref<8x3200xf32, #tpu.memory_space<vmem>>, vector<1x16xf32>,
      %parallel_loop3A_471 = arith.constant 4 : i32
      %parallel_loop3A_472 = arith.index_cast %parallel_loop3A_471 : i32 to index
      %parallel_loop3A_473 = arith.index_cast %parallel_loop3A_441 : i32 to index
      %parallel_loop3A_474 = tpu.vector_load %arg7[%parallel_loop3A_472, %parallel_loop3A_473] {strides = array<i32>} : memref<8x3200xf32, #tpu.memory_space<vmem>>, vector<1x16xf32>,
      %parallel_loop3A_475 = vector.shape_cast %parallel_loop3A_474 : vector<1x16xf32> to vector<16xf32>
      %parallel_loop3A_476 = vector.shape_cast %parallel_loop3A_446 : vector<16xf32> to vector<1x16xf32>
      tpu.vector_store %arg7[%parallel_loop3A_472, %parallel_loop3A_473], %parallel_loop3A_476 {add = true, strides = array<i32>} : memref<8x3200xf32, #tpu.memory_space<vmem>>, vector<1x16xf32>,
      %parallel_loop3A_477 = arith.constant 5 : i32
      %parallel_loop3A_478 = arith.index_cast %parallel_loop3A_477 : i32 to index
      %parallel_loop3A_479 = arith.index_cast %parallel_loop3A_441 : i32 to index
      %parallel_loop3A_480 = tpu.vector_load %arg7[%parallel_loop3A_478, %parallel_loop3A_479] {strides = array<i32>} : memref<8x3200xf32, #tpu.memory_space<vmem>>, vector<1x16xf32>,
      %parallel_loop3A_481 = vector.shape_cast %parallel_loop3A_480 : vector<1x16xf32> to vector<16xf32>
      %parallel_loop3A_482 = vector.shape_cast %parallel_loop3A_446 : vector<16xf32> to vector<1x16xf32>
      tpu.vector_store %arg7[%parallel_loop3A_478, %parallel_loop3A_479], %parallel_loop3A_482 {add = true, strides = array<i32>} : memref<8x3200xf32, #tpu.memory_space<vmem>>, vector<1x16xf32>,
      %parallel_loop3A_483 = arith.constant 6 : i32
      %parallel_loop3A_484 = arith.index_cast %parallel_loop3A_483 : i32 to index
      %parallel_loop3A_485 = arith.index_cast %parallel_loop3A_441 : i32 to index
      %parallel_loop3A_486 = tpu.vector_load %arg7[%parallel_loop3A_484, %parallel_loop3A_485] {strides = array<i32>} : memref<8x3200xf32, #tpu.memory_space<vmem>>, vector<1x16xf32>,
      %parallel_loop3A_487 = vector.shape_cast %parallel_loop3A_486 : vector<1x16xf32> to vector<16xf32>
      %parallel_loop3A_488 = vector.shape_cast %parallel_loop3A_446 : vector<16xf32> to vector<1x16xf32>
      tpu.vector_store %arg7[%parallel_loop3A_484, %parallel_loop3A_485], %parallel_loop3A_488 {add = true, strides = array<i32>} : memref<8x3200xf32, #tpu.memory_space<vmem>>, vector<1x16xf32>,
      %parallel_loop3A_489 = arith.constant 7 : i32
      %parallel_loop3A_490 = arith.index_cast %parallel_loop3A_489 : i32 to index
      %parallel_loop3A_491 = arith.index_cast %parallel_loop3A_441 : i32 to index
      %parallel_loop3A_492 = tpu.vector_load %arg7[%parallel_loop3A_490, %parallel_loop3A_491] {strides = array<i32>} : memref<8x3200xf32, #tpu.memory_space<vmem>>, vector<1x16xf32>,
      %parallel_loop3A_493 = vector.shape_cast %parallel_loop3A_492 : vector<1x16xf32> to vector<16xf32>
      %parallel_loop3A_494 = vector.shape_cast %parallel_loop3A_446 : vector<16xf32> to vector<1x16xf32>
      tpu.vector_store %arg7[%parallel_loop3A_490, %parallel_loop3A_491], %parallel_loop3A_494 {add = true, strides = array<i32>} : memref<8x3200xf32, #tpu.memory_space<vmem>>, vector<1x16xf32>,
    } {sc.loop_unroll_factor = 2 : i64, sc.parallel_access}
    %mul3A_268 = arith.constant 16 : i32
    %mul3A_269 = arith.muli %add3A, %mul3A_268 : i32
    %add3A_270 = arith.constant 15 : i32
    %add3A_271 = arith.addi %mul3A_269, %add3A_270 : i32
    %mul3A_272 = arith.constant 8 : i32
    %mul3A_273 = arith.muli %add3A_271, %mul3A_272 : i32
    %dma_start3A_274 = arith.constant 3200 : i32
    %dma_start3A_275 = tpu.memref_slice %arg4[%mul3A_273, %dma_start3A_274] : memref<4096x12800xf32, #tpu.memory_space<hbm>> -> memref<8x3200xf32, #tpu.memory_space<hbm>>
    %dma_start3A_276 = arith.constant 3200 : i32
    %dma_start3A_277 = tpu.memref_slice %arg4[%mul3A_273, %dma_start3A_276] : memref<4096x12800xf32, #tpu.memory_space<hbm>> -> memref<8x3200xf32, #tpu.memory_space<hbm>>
    tpu.enqueue_dma source(%arg7 : memref<8x3200xf32, #tpu.memory_space<vmem>>) target(%dma_start3A_277 : memref<8x3200xf32, #tpu.memory_space<hbm>>) target_semaphore(%arg15 : memref<!tpu.dma_semaphore, #tpu.memory_space<semaphore_mem>>)
    %mul3A_278 = arith.constant 16 : i32
    %mul3A_279 = arith.muli %add3A, %mul3A_278 : i32
    %add3A_280 = arith.constant 14 : i32
    %add3A_281 = arith.addi %mul3A_279, %add3A_280 : i32
    %mul3A_282 = arith.constant 8 : i32
    %mul3A_283 = arith.muli %add3A_281, %mul3A_282 : i32
    %dma_wait3A_284 = arith.constant 9600 : i32
    %dma_wait3A_285 = tpu.memref_slice %arg4[%mul3A_283, %dma_wait3A_284] : memref<4096x12800xf32, #tpu.memory_space<hbm>> -> memref<8x3200xf32, #tpu.memory_space<hbm>>
    %dma_wait3A_286 = arith.constant 9600 : i32
    %dma_wait3A_287 = tpu.memref_slice %arg4[%mul3A_283, %dma_wait3A_286] : memref<4096x12800xf32, #tpu.memory_space<hbm>> -> memref<8x3200xf32, #tpu.memory_space<hbm>>
    tpu.wait_dma2 semaphore(%arg17 : memref<!tpu.dma_semaphore, #tpu.memory_space<semaphore_mem>>) src(%arg9 : memref<8x3200xf32, #tpu.memory_space<vmem>>) dst(%dma_wait3A_287 : memref<8x3200xf32, #tpu.memory_space<hbm>>)
    %mul3A_288 = arith.constant 16 : i32
    %mul3A_289 = arith.muli %add3A, %mul3A_288 : i32
    %add3A_290 = arith.constant 15 : i32
    %add3A_291 = arith.addi %mul3A_289, %add3A_290 : i32
    %mul3A_292 = arith.constant 8 : i32
    %mul3A_293 = arith.muli %add3A_291, %mul3A_292 : i32
    %dma_start3A_294 = arith.constant 9600 : i32
    %dma_start3A_295 = tpu.memref_slice %arg2[%mul3A_293, %dma_start3A_294] : memref<4096x12800xf32, #tpu.memory_space<hbm>> -> memref<8x3200xf32, #tpu.memory_space<hbm>>
    %dma_start3A_296 = arith.constant 9600 : i32
    %dma_start3A_297 = tpu.memref_slice %arg2[%mul3A_293, %dma_start3A_296] : memref<4096x12800xf32, #tpu.memory_space<hbm>> -> memref<8x3200xf32, #tpu.memory_space<hbm>>
    tpu.enqueue_dma source(%dma_start3A_297 : memref<8x3200xf32, #tpu.memory_space<hbm>>) target(%arg9 : memref<8x3200xf32, #tpu.memory_space<vmem>>) target_semaphore(%arg13 : memref<!tpu.dma_semaphore, #tpu.memory_space<semaphore_mem>>)
    %mul3A_298 = arith.constant 16 : i32
    %mul3A_299 = arith.muli %add3A, %mul3A_298 : i32
    %add3A_300 = arith.constant 15 : i32
    %add3A_301 = arith.addi %mul3A_299, %add3A_300 : i32
    %mul3A_302 = arith.constant 8 : i32
    %mul3A_303 = arith.muli %add3A_301, %mul3A_302 : i32
    %dma_wait3A_304 = arith.constant 6400 : i32
    %dma_wait3A_305 = tpu.memref_slice %arg2[%mul3A_303, %dma_wait3A_304] : memref<4096x12800xf32, #tpu.memory_space<hbm>> -> memref<8x3200xf32, #tpu.memory_space<hbm>>
    %dma_wait3A_306 = arith.constant 6400 : i32
    %dma_wait3A_307 = tpu.memref_slice %arg2[%mul3A_303, %dma_wait3A_306] : memref<4096x12800xf32, #tpu.memory_space<hbm>> -> memref<8x3200xf32, #tpu.memory_space<hbm>>
    tpu.wait_dma2 semaphore(%arg12 : memref<!tpu.dma_semaphore, #tpu.memory_space<semaphore_mem>>) src(%dma_wait3A_307 : memref<8x3200xf32, #tpu.memory_space<hbm>>) dst(%arg8 : memref<8x3200xf32, #tpu.memory_space<vmem>>)
    %mul3A_308 = arith.constant 16 : i32
    %mul3A_309 = arith.muli %add3A, %mul3A_308 : i32
    %add3A_310 = arith.constant 15 : i32
    %add3A_311 = arith.addi %mul3A_309, %add3A_310 : i32
    %mul3A_312 = arith.constant 8 : i32
    %mul3A_313 = arith.muli %add3A_311, %mul3A_312 : i32
    %parallel_loop3A_314 = arith.constant 0 : i32
    %parallel_loop3A_315 = arith.constant 200 : i32
    %parallel_loop3A_316 = arith.constant 1 : i32
    scf.for %parallel_loop3A_396 = %parallel_loop3A_314 to %parallel_loop3A_315 step %parallel_loop3A_316  : i32 {
      %parallel_loop3A_397 = arith.constant 8 : i32
      %parallel_loop3A_398 = arith.divsi %parallel_loop3A_396, %parallel_loop3A_397 : i32
      %parallel_loop3A_399 = arith.constant 0 : i32
      %parallel_loop3A_400 = arith.cmpi sgt, %parallel_loop3A_396, %parallel_loop3A_399 : i32
      %parallel_loop3A_401 = arith.extui %parallel_loop3A_400 : i1 to i32
      %parallel_loop3A_402 = arith.constant 0 : i32
      %parallel_loop3A_403 = arith.cmpi slt, %parallel_loop3A_396, %parallel_loop3A_402 : i32
      %parallel_loop3A_404 = arith.extui %parallel_loop3A_403 : i1 to i32
      %parallel_loop3A_405 = arith.subi %parallel_loop3A_401, %parallel_loop3A_404 : i32
      %parallel_loop3A_406 = arith.constant 0 : i32
      %parallel_loop3A_407 = arith.cmpi sgt, %parallel_loop3A_397, %parallel_loop3A_406 : i32
      %parallel_loop3A_408 = arith.extui %parallel_loop3A_407 : i1 to i32
      %parallel_loop3A_409 = arith.constant 0 : i32
      %parallel_loop3A_410 = arith.cmpi slt, %parallel_loop3A_397, %parallel_loop3A_409 : i32
      %parallel_loop3A_411 = arith.extui %parallel_loop3A_410 : i1 to i32
      %parallel_loop3A_412 = arith.subi %parallel_loop3A_408, %parallel_loop3A_411 : i32
      %parallel_loop3A_413 = arith.cmpi ne, %parallel_loop3A_405, %parallel_loop3A_412 : i32
      %parallel_loop3A_414 = arith.remsi %parallel_loop3A_396, %parallel_loop3A_397 : i32
      %parallel_loop3A_415 = arith.constant 0 : i32
      %parallel_loop3A_416 = arith.cmpi ne, %parallel_loop3A_414, %parallel_loop3A_415 : i32
      %parallel_loop3A_417 = arith.andi %parallel_loop3A_413, %parallel_loop3A_416 : i1
      %parallel_loop3A_418 = arith.constant 1 : i32
      %parallel_loop3A_419 = arith.subi %parallel_loop3A_398, %parallel_loop3A_418 : i32
      %parallel_loop3A_420 = arith.select %parallel_loop3A_417, %parallel_loop3A_419, %parallel_loop3A_398 : i32
      %parallel_loop3A_421 = arith.constant 128 : i32
      %parallel_loop3A_422 = arith.muli %parallel_loop3A_420, %parallel_loop3A_421 : i32
      %parallel_loop3A_423 = arith.constant 8 : i32
      %parallel_loop3A_424 = arith.constant 0 : i32
      %parallel_loop3A_425 = arith.cmpi eq, %parallel_loop3A_423, %parallel_loop3A_424 : i32
      %parallel_loop3A_426 = arith.constant 1 : i32
      %parallel_loop3A_427 = arith.select %parallel_loop3A_425, %parallel_loop3A_426, %parallel_loop3A_423 : i32
      %parallel_loop3A_428 = arith.remsi %parallel_loop3A_396, %parallel_loop3A_427 : i32
      %parallel_loop3A_429 = arith.constant 0 : i32
      %parallel_loop3A_430 = arith.cmpi ne, %parallel_loop3A_428, %parallel_loop3A_429 : i32
      %parallel_loop3A_431 = arith.constant 0 : i32
      %parallel_loop3A_432 = arith.cmpi slt, %parallel_loop3A_428, %parallel_loop3A_431 : i32
      %parallel_loop3A_433 = arith.constant 0 : i32
      %parallel_loop3A_434 = arith.cmpi slt, %parallel_loop3A_427, %parallel_loop3A_433 : i32
      %parallel_loop3A_435 = arith.xori %parallel_loop3A_432, %parallel_loop3A_434 : i1
      %parallel_loop3A_436 = arith.andi %parallel_loop3A_435, %parallel_loop3A_430 : i1
      %parallel_loop3A_437 = arith.addi %parallel_loop3A_428, %parallel_loop3A_427 : i32
      %parallel_loop3A_438 = arith.select %parallel_loop3A_436, %parallel_loop3A_437, %parallel_loop3A_428 : i32
      %parallel_loop3A_439 = arith.constant 16 : i32
      %parallel_loop3A_440 = arith.muli %parallel_loop3A_438, %parallel_loop3A_439 : i32
      %parallel_loop3A_441 = arith.addi %parallel_loop3A_422, %parallel_loop3A_440 : i32
      %parallel_loop3A_442 = arith.constant 6400 : i32
      %parallel_loop3A_443 = arith.addi %parallel_loop3A_442, %parallel_loop3A_441 : i32
      %parallel_loop3A_444 = arith.index_cast %parallel_loop3A_443 : i32 to index
      %parallel_loop3A_445 = tpu.vector_load %arg5[%parallel_loop3A_444] {strides = array<i32>} : memref<12800xf32, #tpu.memory_space<vmem>>, vector<16xf32>,
      %parallel_loop3A_446 = vector.shape_cast %parallel_loop3A_445 : vector<16xf32> to vector<16xf32>
      %parallel_loop3A_447 = arith.constant 0 : i32
      %parallel_loop3A_448 = arith.index_cast %parallel_loop3A_447 : i32 to index
      %parallel_loop3A_449 = arith.index_cast %parallel_loop3A_441 : i32 to index
      %parallel_loop3A_450 = tpu.vector_load %arg8[%parallel_loop3A_448, %parallel_loop3A_449] {strides = array<i32>} : memref<8x3200xf32, #tpu.memory_space<vmem>>, vector<1x16xf32>,
      %parallel_loop3A_451 = vector.shape_cast %parallel_loop3A_450 : vector<1x16xf32> to vector<16xf32>
      %parallel_loop3A_452 = vector.shape_cast %parallel_loop3A_446 : vector<16xf32> to vector<1x16xf32>
      tpu.vector_store %arg8[%parallel_loop3A_448, %parallel_loop3A_449], %parallel_loop3A_452 {add = true, strides = array<i32>} : memref<8x3200xf32, #tpu.memory_space<vmem>>, vector<1x16xf32>,
      %parallel_loop3A_453 = arith.constant 1 : i32
      %parallel_loop3A_454 = arith.index_cast %parallel_loop3A_453 : i32 to index
      %parallel_loop3A_455 = arith.index_cast %parallel_loop3A_441 : i32 to index
      %parallel_loop3A_456 = tpu.vector_load %arg8[%parallel_loop3A_454, %parallel_loop3A_455] {strides = array<i32>} : memref<8x3200xf32, #tpu.memory_space<vmem>>, vector<1x16xf32>,
      %parallel_loop3A_457 = vector.shape_cast %parallel_loop3A_456 : vector<1x16xf32> to vector<16xf32>
      %parallel_loop3A_458 = vector.shape_cast %parallel_loop3A_446 : vector<16xf32> to vector<1x16xf32>
      tpu.vector_store %arg8[%parallel_loop3A_454, %parallel_loop3A_455], %parallel_loop3A_458 {add = true, strides = array<i32>} : memref<8x3200xf32, #tpu.memory_space<vmem>>, vector<1x16xf32>,
      %parallel_loop3A_459 = arith.constant 2 : i32
      %parallel_loop3A_460 = arith.index_cast %parallel_loop3A_459 : i32 to index
      %parallel_loop3A_461 = arith.index_cast %parallel_loop3A_441 : i32 to index
      %parallel_loop3A_462 = tpu.vector_load %arg8[%parallel_loop3A_460, %parallel_loop3A_461] {strides = array<i32>} : memref<8x3200xf32, #tpu.memory_space<vmem>>, vector<1x16xf32>,
      %parallel_loop3A_463 = vector.shape_cast %parallel_loop3A_462 : vector<1x16xf32> to vector<16xf32>
      %parallel_loop3A_464 = vector.shape_cast %parallel_loop3A_446 : vector<16xf32> to vector<1x16xf32>
      tpu.vector_store %arg8[%parallel_loop3A_460, %parallel_loop3A_461], %parallel_loop3A_464 {add = true, strides = array<i32>} : memref<8x3200xf32, #tpu.memory_space<vmem>>, vector<1x16xf32>,
      %parallel_loop3A_465 = arith.constant 3 : i32
      %parallel_loop3A_466 = arith.index_cast %parallel_loop3A_465 : i32 to index
      %parallel_loop3A_467 = arith.index_cast %parallel_loop3A_441 : i32 to index
      %parallel_loop3A_468 = tpu.vector_load %arg8[%parallel_loop3A_466, %parallel_loop3A_467] {strides = array<i32>} : memref<8x3200xf32, #tpu.memory_space<vmem>>, vector<1x16xf32>,
      %parallel_loop3A_469 = vector.shape_cast %parallel_loop3A_468 : vector<1x16xf32> to vector<16xf32>
      %parallel_loop3A_470 = vector.shape_cast %parallel_loop3A_446 : vector<16xf32> to vector<1x16xf32>
      tpu.vector_store %arg8[%parallel_loop3A_466, %parallel_loop3A_467], %parallel_loop3A_470 {add = true, strides = array<i32>} : memref<8x3200xf32, #tpu.memory_space<vmem>>, vector<1x16xf32>,
      %parallel_loop3A_471 = arith.constant 4 : i32
      %parallel_loop3A_472 = arith.index_cast %parallel_loop3A_471 : i32 to index
      %parallel_loop3A_473 = arith.index_cast %parallel_loop3A_441 : i32 to index
      %parallel_loop3A_474 = tpu.vector_load %arg8[%parallel_loop3A_472, %parallel_loop3A_473] {strides = array<i32>} : memref<8x3200xf32, #tpu.memory_space<vmem>>, vector<1x16xf32>,
      %parallel_loop3A_475 = vector.shape_cast %parallel_loop3A_474 : vector<1x16xf32> to vector<16xf32>
      %parallel_loop3A_476 = vector.shape_cast %parallel_loop3A_446 : vector<16xf32> to vector<1x16xf32>
      tpu.vector_store %arg8[%parallel_loop3A_472, %parallel_loop3A_473], %parallel_loop3A_476 {add = true, strides = array<i32>} : memref<8x3200xf32, #tpu.memory_space<vmem>>, vector<1x16xf32>,
      %parallel_loop3A_477 = arith.constant 5 : i32
      %parallel_loop3A_478 = arith.index_cast %parallel_loop3A_477 : i32 to index
      %parallel_loop3A_479 = arith.index_cast %parallel_loop3A_441 : i32 to index
      %parallel_loop3A_480 = tpu.vector_load %arg8[%parallel_loop3A_478, %parallel_loop3A_479] {strides = array<i32>} : memref<8x3200xf32, #tpu.memory_space<vmem>>, vector<1x16xf32>,
      %parallel_loop3A_481 = vector.shape_cast %parallel_loop3A_480 : vector<1x16xf32> to vector<16xf32>
      %parallel_loop3A_482 = vector.shape_cast %parallel_loop3A_446 : vector<16xf32> to vector<1x16xf32>
      tpu.vector_store %arg8[%parallel_loop3A_478, %parallel_loop3A_479], %parallel_loop3A_482 {add = true, strides = array<i32>} : memref<8x3200xf32, #tpu.memory_space<vmem>>, vector<1x16xf32>,
      %parallel_loop3A_483 = arith.constant 6 : i32
      %parallel_loop3A_484 = arith.index_cast %parallel_loop3A_483 : i32 to index
      %parallel_loop3A_485 = arith.index_cast %parallel_loop3A_441 : i32 to index
      %parallel_loop3A_486 = tpu.vector_load %arg8[%parallel_loop3A_484, %parallel_loop3A_485] {strides = array<i32>} : memref<8x3200xf32, #tpu.memory_space<vmem>>, vector<1x16xf32>,
      %parallel_loop3A_487 = vector.shape_cast %parallel_loop3A_486 : vector<1x16xf32> to vector<16xf32>
      %parallel_loop3A_488 = vector.shape_cast %parallel_loop3A_446 : vector<16xf32> to vector<1x16xf32>
      tpu.vector_store %arg8[%parallel_loop3A_484, %parallel_loop3A_485], %parallel_loop3A_488 {add = true, strides = array<i32>} : memref<8x3200xf32, #tpu.memory_space<vmem>>, vector<1x16xf32>,
      %parallel_loop3A_489 = arith.constant 7 : i32
      %parallel_loop3A_490 = arith.index_cast %parallel_loop3A_489 : i32 to index
      %parallel_loop3A_491 = arith.index_cast %parallel_loop3A_441 : i32 to index
      %parallel_loop3A_492 = tpu.vector_load %arg8[%parallel_loop3A_490, %parallel_loop3A_491] {strides = array<i32>} : memref<8x3200xf32, #tpu.memory_space<vmem>>, vector<1x16xf32>,
      %parallel_loop3A_493 = vector.shape_cast %parallel_loop3A_492 : vector<1x16xf32> to vector<16xf32>
      %parallel_loop3A_494 = vector.shape_cast %parallel_loop3A_446 : vector<16xf32> to vector<1x16xf32>
      tpu.vector_store %arg8[%parallel_loop3A_490, %parallel_loop3A_491], %parallel_loop3A_494 {add = true, strides = array<i32>} : memref<8x3200xf32, #tpu.memory_space<vmem>>, vector<1x16xf32>,
    } {sc.loop_unroll_factor = 2 : i64, sc.parallel_access}
    %mul3A_317 = arith.constant 16 : i32
    %mul3A_318 = arith.muli %add3A, %mul3A_317 : i32
    %add3A_319 = arith.constant 15 : i32
    %add3A_320 = arith.addi %mul3A_318, %add3A_319 : i32
    %mul3A_321 = arith.constant 8 : i32
    %mul3A_322 = arith.muli %add3A_320, %mul3A_321 : i32
    %dma_start3A_323 = arith.constant 6400 : i32
    %dma_start3A_324 = tpu.memref_slice %arg4[%mul3A_322, %dma_start3A_323] : memref<4096x12800xf32, #tpu.memory_space<hbm>> -> memref<8x3200xf32, #tpu.memory_space<hbm>>
    %dma_start3A_325 = arith.constant 6400 : i32
    %dma_start3A_326 = tpu.memref_slice %arg4[%mul3A_322, %dma_start3A_325] : memref<4096x12800xf32, #tpu.memory_space<hbm>> -> memref<8x3200xf32, #tpu.memory_space<hbm>>
    tpu.enqueue_dma source(%arg8 : memref<8x3200xf32, #tpu.memory_space<vmem>>) target(%dma_start3A_326 : memref<8x3200xf32, #tpu.memory_space<hbm>>) target_semaphore(%arg16 : memref<!tpu.dma_semaphore, #tpu.memory_space<semaphore_mem>>)
    %mul3A_327 = arith.constant 16 : i32
    %mul3A_328 = arith.muli %add3A, %mul3A_327 : i32
    %add3A_329 = arith.constant 15 : i32
    %add3A_330 = arith.addi %mul3A_328, %add3A_329 : i32
    %mul3A_331 = arith.constant 8 : i32
    %mul3A_332 = arith.muli %add3A_330, %mul3A_331 : i32
    %dma_wait3A_333 = arith.constant 0 : i32
    %dma_wait3A_334 = tpu.memref_slice %arg4[%mul3A_332, %dma_wait3A_333] : memref<4096x12800xf32, #tpu.memory_space<hbm>> -> memref<8x3200xf32, #tpu.memory_space<hbm>>
    %dma_wait3A_335 = arith.constant 0 : i32
    %dma_wait3A_336 = tpu.memref_slice %arg4[%mul3A_332, %dma_wait3A_335] : memref<4096x12800xf32, #tpu.memory_space<hbm>> -> memref<8x3200xf32, #tpu.memory_space<hbm>>
    tpu.wait_dma2 semaphore(%arg14 : memref<!tpu.dma_semaphore, #tpu.memory_space<semaphore_mem>>) src(%arg6 : memref<8x3200xf32, #tpu.memory_space<vmem>>) dst(%dma_wait3A_336 : memref<8x3200xf32, #tpu.memory_space<hbm>>)
    %mul3A_337 = arith.constant 16 : i32
    %mul3A_338 = arith.muli %add3A, %mul3A_337 : i32
    %add3A_339 = arith.constant 15 : i32
    %add3A_340 = arith.addi %mul3A_338, %add3A_339 : i32
    %mul3A_341 = arith.constant 8 : i32
    %mul3A_342 = arith.muli %add3A_340, %mul3A_341 : i32
    %dma_wait3A_343 = arith.constant 9600 : i32
    %dma_wait3A_344 = tpu.memref_slice %arg2[%mul3A_342, %dma_wait3A_343] : memref<4096x12800xf32, #tpu.memory_space<hbm>> -> memref<8x3200xf32, #tpu.memory_space<hbm>>
    %dma_wait3A_345 = arith.constant 9600 : i32
    %dma_wait3A_346 = tpu.memref_slice %arg2[%mul3A_342, %dma_wait3A_345] : memref<4096x12800xf32, #tpu.memory_space<hbm>> -> memref<8x3200xf32, #tpu.memory_space<hbm>>
    tpu.wait_dma2 semaphore(%arg13 : memref<!tpu.dma_semaphore, #tpu.memory_space<semaphore_mem>>) src(%dma_wait3A_346 : memref<8x3200xf32, #tpu.memory_space<hbm>>) dst(%arg9 : memref<8x3200xf32, #tpu.memory_space<vmem>>)
    %mul3A_347 = arith.constant 16 : i32
    %mul3A_348 = arith.muli %add3A, %mul3A_347 : i32
    %add3A_349 = arith.constant 15 : i32
    %add3A_350 = arith.addi %mul3A_348, %add3A_349 : i32
    %mul3A_351 = arith.constant 8 : i32
    %mul3A_352 = arith.muli %add3A_350, %mul3A_351 : i32
    %parallel_loop3A_353 = arith.constant 0 : i32
    %parallel_loop3A_354 = arith.constant 200 : i32
    %parallel_loop3A_355 = arith.constant 1 : i32
    scf.for %parallel_loop3A_396 = %parallel_loop3A_353 to %parallel_loop3A_354 step %parallel_loop3A_355  : i32 {
      %parallel_loop3A_397 = arith.constant 8 : i32
      %parallel_loop3A_398 = arith.divsi %parallel_loop3A_396, %parallel_loop3A_397 : i32
      %parallel_loop3A_399 = arith.constant 0 : i32
      %parallel_loop3A_400 = arith.cmpi sgt, %parallel_loop3A_396, %parallel_loop3A_399 : i32
      %parallel_loop3A_401 = arith.extui %parallel_loop3A_400 : i1 to i32
      %parallel_loop3A_402 = arith.constant 0 : i32
      %parallel_loop3A_403 = arith.cmpi slt, %parallel_loop3A_396, %parallel_loop3A_402 : i32
      %parallel_loop3A_404 = arith.extui %parallel_loop3A_403 : i1 to i32
      %parallel_loop3A_405 = arith.subi %parallel_loop3A_401, %parallel_loop3A_404 : i32
      %parallel_loop3A_406 = arith.constant 0 : i32
      %parallel_loop3A_407 = arith.cmpi sgt, %parallel_loop3A_397, %parallel_loop3A_406 : i32
      %parallel_loop3A_408 = arith.extui %parallel_loop3A_407 : i1 to i32
      %parallel_loop3A_409 = arith.constant 0 : i32
      %parallel_loop3A_410 = arith.cmpi slt, %parallel_loop3A_397, %parallel_loop3A_409 : i32
      %parallel_loop3A_411 = arith.extui %parallel_loop3A_410 : i1 to i32
      %parallel_loop3A_412 = arith.subi %parallel_loop3A_408, %parallel_loop3A_411 : i32
      %parallel_loop3A_413 = arith.cmpi ne, %parallel_loop3A_405, %parallel_loop3A_412 : i32
      %parallel_loop3A_414 = arith.remsi %parallel_loop3A_396, %parallel_loop3A_397 : i32
      %parallel_loop3A_415 = arith.constant 0 : i32
      %parallel_loop3A_416 = arith.cmpi ne, %parallel_loop3A_414, %parallel_loop3A_415 : i32
      %parallel_loop3A_417 = arith.andi %parallel_loop3A_413, %parallel_loop3A_416 : i1
      %parallel_loop3A_418 = arith.constant 1 : i32
      %parallel_loop3A_419 = arith.subi %parallel_loop3A_398, %parallel_loop3A_418 : i32
      %parallel_loop3A_420 = arith.select %parallel_loop3A_417, %parallel_loop3A_419, %parallel_loop3A_398 : i32
      %parallel_loop3A_421 = arith.constant 128 : i32
      %parallel_loop3A_422 = arith.muli %parallel_loop3A_420, %parallel_loop3A_421 : i32
      %parallel_loop3A_423 = arith.constant 8 : i32
      %parallel_loop3A_424 = arith.constant 0 : i32
      %parallel_loop3A_425 = arith.cmpi eq, %parallel_loop3A_423, %parallel_loop3A_424 : i32
      %parallel_loop3A_426 = arith.constant 1 : i32
      %parallel_loop3A_427 = arith.select %parallel_loop3A_425, %parallel_loop3A_426, %parallel_loop3A_423 : i32
      %parallel_loop3A_428 = arith.remsi %parallel_loop3A_396, %parallel_loop3A_427 : i32
      %parallel_loop3A_429 = arith.constant 0 : i32
      %parallel_loop3A_430 = arith.cmpi ne, %parallel_loop3A_428, %parallel_loop3A_429 : i32
      %parallel_loop3A_431 = arith.constant 0 : i32
      %parallel_loop3A_432 = arith.cmpi slt, %parallel_loop3A_428, %parallel_loop3A_431 : i32
      %parallel_loop3A_433 = arith.constant 0 : i32
      %parallel_loop3A_434 = arith.cmpi slt, %parallel_loop3A_427, %parallel_loop3A_433 : i32
      %parallel_loop3A_435 = arith.xori %parallel_loop3A_432, %parallel_loop3A_434 : i1
      %parallel_loop3A_436 = arith.andi %parallel_loop3A_435, %parallel_loop3A_430 : i1
      %parallel_loop3A_437 = arith.addi %parallel_loop3A_428, %parallel_loop3A_427 : i32
      %parallel_loop3A_438 = arith.select %parallel_loop3A_436, %parallel_loop3A_437, %parallel_loop3A_428 : i32
      %parallel_loop3A_439 = arith.constant 16 : i32
      %parallel_loop3A_440 = arith.muli %parallel_loop3A_438, %parallel_loop3A_439 : i32
      %parallel_loop3A_441 = arith.addi %parallel_loop3A_422, %parallel_loop3A_440 : i32
      %parallel_loop3A_442 = arith.constant 9600 : i32
      %parallel_loop3A_443 = arith.addi %parallel_loop3A_442, %parallel_loop3A_441 : i32
      %parallel_loop3A_444 = arith.index_cast %parallel_loop3A_443 : i32 to index
      %parallel_loop3A_445 = tpu.vector_load %arg5[%parallel_loop3A_444] {strides = array<i32>} : memref<12800xf32, #tpu.memory_space<vmem>>, vector<16xf32>,
      %parallel_loop3A_446 = vector.shape_cast %parallel_loop3A_445 : vector<16xf32> to vector<16xf32>
      %parallel_loop3A_447 = arith.constant 0 : i32
      %parallel_loop3A_448 = arith.index_cast %parallel_loop3A_447 : i32 to index
      %parallel_loop3A_449 = arith.index_cast %parallel_loop3A_441 : i32 to index
      %parallel_loop3A_450 = tpu.vector_load %arg9[%parallel_loop3A_448, %parallel_loop3A_449] {strides = array<i32>} : memref<8x3200xf32, #tpu.memory_space<vmem>>, vector<1x16xf32>,
      %parallel_loop3A_451 = vector.shape_cast %parallel_loop3A_450 : vector<1x16xf32> to vector<16xf32>
      %parallel_loop3A_452 = vector.shape_cast %parallel_loop3A_446 : vector<16xf32> to vector<1x16xf32>
      tpu.vector_store %arg9[%parallel_loop3A_448, %parallel_loop3A_449], %parallel_loop3A_452 {add = true, strides = array<i32>} : memref<8x3200xf32, #tpu.memory_space<vmem>>, vector<1x16xf32>,
      %parallel_loop3A_453 = arith.constant 1 : i32
      %parallel_loop3A_454 = arith.index_cast %parallel_loop3A_453 : i32 to index
      %parallel_loop3A_455 = arith.index_cast %parallel_loop3A_441 : i32 to index
      %parallel_loop3A_456 = tpu.vector_load %arg9[%parallel_loop3A_454, %parallel_loop3A_455] {strides = array<i32>} : memref<8x3200xf32, #tpu.memory_space<vmem>>, vector<1x16xf32>,
      %parallel_loop3A_457 = vector.shape_cast %parallel_loop3A_456 : vector<1x16xf32> to vector<16xf32>
      %parallel_loop3A_458 = vector.shape_cast %parallel_loop3A_446 : vector<16xf32> to vector<1x16xf32>
      tpu.vector_store %arg9[%parallel_loop3A_454, %parallel_loop3A_455], %parallel_loop3A_458 {add = true, strides = array<i32>} : memref<8x3200xf32, #tpu.memory_space<vmem>>, vector<1x16xf32>,
      %parallel_loop3A_459 = arith.constant 2 : i32
      %parallel_loop3A_460 = arith.index_cast %parallel_loop3A_459 : i32 to index
      %parallel_loop3A_461 = arith.index_cast %parallel_loop3A_441 : i32 to index
      %parallel_loop3A_462 = tpu.vector_load %arg9[%parallel_loop3A_460, %parallel_loop3A_461] {strides = array<i32>} : memref<8x3200xf32, #tpu.memory_space<vmem>>, vector<1x16xf32>,
      %parallel_loop3A_463 = vector.shape_cast %parallel_loop3A_462 : vector<1x16xf32> to vector<16xf32>
      %parallel_loop3A_464 = vector.shape_cast %parallel_loop3A_446 : vector<16xf32> to vector<1x16xf32>
      tpu.vector_store %arg9[%parallel_loop3A_460, %parallel_loop3A_461], %parallel_loop3A_464 {add = true, strides = array<i32>} : memref<8x3200xf32, #tpu.memory_space<vmem>>, vector<1x16xf32>,
      %parallel_loop3A_465 = arith.constant 3 : i32
      %parallel_loop3A_466 = arith.index_cast %parallel_loop3A_465 : i32 to index
      %parallel_loop3A_467 = arith.index_cast %parallel_loop3A_441 : i32 to index
      %parallel_loop3A_468 = tpu.vector_load %arg9[%parallel_loop3A_466, %parallel_loop3A_467] {strides = array<i32>} : memref<8x3200xf32, #tpu.memory_space<vmem>>, vector<1x16xf32>,
      %parallel_loop3A_469 = vector.shape_cast %parallel_loop3A_468 : vector<1x16xf32> to vector<16xf32>
      %parallel_loop3A_470 = vector.shape_cast %parallel_loop3A_446 : vector<16xf32> to vector<1x16xf32>
      tpu.vector_store %arg9[%parallel_loop3A_466, %parallel_loop3A_467], %parallel_loop3A_470 {add = true, strides = array<i32>} : memref<8x3200xf32, #tpu.memory_space<vmem>>, vector<1x16xf32>,
      %parallel_loop3A_471 = arith.constant 4 : i32
      %parallel_loop3A_472 = arith.index_cast %parallel_loop3A_471 : i32 to index
      %parallel_loop3A_473 = arith.index_cast %parallel_loop3A_441 : i32 to index
      %parallel_loop3A_474 = tpu.vector_load %arg9[%parallel_loop3A_472, %parallel_loop3A_473] {strides = array<i32>} : memref<8x3200xf32, #tpu.memory_space<vmem>>, vector<1x16xf32>,
      %parallel_loop3A_475 = vector.shape_cast %parallel_loop3A_474 : vector<1x16xf32> to vector<16xf32>
      %parallel_loop3A_476 = vector.shape_cast %parallel_loop3A_446 : vector<16xf32> to vector<1x16xf32>
      tpu.vector_store %arg9[%parallel_loop3A_472, %parallel_loop3A_473], %parallel_loop3A_476 {add = true, strides = array<i32>} : memref<8x3200xf32, #tpu.memory_space<vmem>>, vector<1x16xf32>,
      %parallel_loop3A_477 = arith.constant 5 : i32
      %parallel_loop3A_478 = arith.index_cast %parallel_loop3A_477 : i32 to index
      %parallel_loop3A_479 = arith.index_cast %parallel_loop3A_441 : i32 to index
      %parallel_loop3A_480 = tpu.vector_load %arg9[%parallel_loop3A_478, %parallel_loop3A_479] {strides = array<i32>} : memref<8x3200xf32, #tpu.memory_space<vmem>>, vector<1x16xf32>,
      %parallel_loop3A_481 = vector.shape_cast %parallel_loop3A_480 : vector<1x16xf32> to vector<16xf32>
      %parallel_loop3A_482 = vector.shape_cast %parallel_loop3A_446 : vector<16xf32> to vector<1x16xf32>
      tpu.vector_store %arg9[%parallel_loop3A_478, %parallel_loop3A_479], %parallel_loop3A_482 {add = true, strides = array<i32>} : memref<8x3200xf32, #tpu.memory_space<vmem>>, vector<1x16xf32>,
      %parallel_loop3A_483 = arith.constant 6 : i32
      %parallel_loop3A_484 = arith.index_cast %parallel_loop3A_483 : i32 to index
      %parallel_loop3A_485 = arith.index_cast %parallel_loop3A_441 : i32 to index
      %parallel_loop3A_486 = tpu.vector_load %arg9[%parallel_loop3A_484, %parallel_loop3A_485] {strides = array<i32>} : memref<8x3200xf32, #tpu.memory_space<vmem>>, vector<1x16xf32>,
      %parallel_loop3A_487 = vector.shape_cast %parallel_loop3A_486 : vector<1x16xf32> to vector<16xf32>
      %parallel_loop3A_488 = vector.shape_cast %parallel_loop3A_446 : vector<16xf32> to vector<1x16xf32>
      tpu.vector_store %arg9[%parallel_loop3A_484, %parallel_loop3A_485], %parallel_loop3A_488 {add = true, strides = array<i32>} : memref<8x3200xf32, #tpu.memory_space<vmem>>, vector<1x16xf32>,
      %parallel_loop3A_489 = arith.constant 7 : i32
      %parallel_loop3A_490 = arith.index_cast %parallel_loop3A_489 : i32 to index
      %parallel_loop3A_491 = arith.index_cast %parallel_loop3A_441 : i32 to index
      %parallel_loop3A_492 = tpu.vector_load %arg9[%parallel_loop3A_490, %parallel_loop3A_491] {strides = array<i32>} : memref<8x3200xf32, #tpu.memory_space<vmem>>, vector<1x16xf32>,
      %parallel_loop3A_493 = vector.shape_cast %parallel_loop3A_492 : vector<1x16xf32> to vector<16xf32>
      %parallel_loop3A_494 = vector.shape_cast %parallel_loop3A_446 : vector<16xf32> to vector<1x16xf32>
      tpu.vector_store %arg9[%parallel_loop3A_490, %parallel_loop3A_491], %parallel_loop3A_494 {add = true, strides = array<i32>} : memref<8x3200xf32, #tpu.memory_space<vmem>>, vector<1x16xf32>,
    } {sc.loop_unroll_factor = 2 : i64, sc.parallel_access}
    %mul3A_356 = arith.constant 16 : i32
    %mul3A_357 = arith.muli %add3A, %mul3A_356 : i32
    %add3A_358 = arith.constant 15 : i32
    %add3A_359 = arith.addi %mul3A_357, %add3A_358 : i32
    %mul3A_360 = arith.constant 8 : i32
    %mul3A_361 = arith.muli %add3A_359, %mul3A_360 : i32
    %dma_start3A_362 = arith.constant 9600 : i32
    %dma_start3A_363 = tpu.memref_slice %arg4[%mul3A_361, %dma_start3A_362] : memref<4096x12800xf32, #tpu.memory_space<hbm>> -> memref<8x3200xf32, #tpu.memory_space<hbm>>
    %dma_start3A_364 = arith.constant 9600 : i32
    %dma_start3A_365 = tpu.memref_slice %arg4[%mul3A_361, %dma_start3A_364] : memref<4096x12800xf32, #tpu.memory_space<hbm>> -> memref<8x3200xf32, #tpu.memory_space<hbm>>
    tpu.enqueue_dma source(%arg9 : memref<8x3200xf32, #tpu.memory_space<vmem>>) target(%dma_start3A_365 : memref<8x3200xf32, #tpu.memory_space<hbm>>) target_semaphore(%arg17 : memref<!tpu.dma_semaphore, #tpu.memory_space<semaphore_mem>>)
    %mul3A_366 = arith.constant 16 : i32
    %mul3A_367 = arith.muli %add3A, %mul3A_366 : i32
    %add3A_368 = arith.constant 15 : i32
    %add3A_369 = arith.addi %mul3A_367, %add3A_368 : i32
    %mul3A_370 = arith.constant 8 : i32
    %mul3A_371 = arith.muli %add3A_369, %mul3A_370 : i32
    %dma_wait3A_372 = arith.constant 3200 : i32
    %dma_wait3A_373 = tpu.memref_slice %arg4[%mul3A_371, %dma_wait3A_372] : memref<4096x12800xf32, #tpu.memory_space<hbm>> -> memref<8x3200xf32, #tpu.memory_space<hbm>>
    %dma_wait3A_374 = arith.constant 3200 : i32
    %dma_wait3A_375 = tpu.memref_slice %arg4[%mul3A_371, %dma_wait3A_374] : memref<4096x12800xf32, #tpu.memory_space<hbm>> -> memref<8x3200xf32, #tpu.memory_space<hbm>>
    tpu.wait_dma2 semaphore(%arg15 : memref<!tpu.dma_semaphore, #tpu.memory_space<semaphore_mem>>) src(%arg7 : memref<8x3200xf32, #tpu.memory_space<vmem>>) dst(%dma_wait3A_375 : memref<8x3200xf32, #tpu.memory_space<hbm>>)
    %mul3A_376 = arith.constant 16 : i32
    %mul3A_377 = arith.muli %add3A, %mul3A_376 : i32
    %add3A_378 = arith.constant 15 : i32
    %add3A_379 = arith.addi %mul3A_377, %add3A_378 : i32
    %mul3A_380 = arith.constant 8 : i32
    %mul3A_381 = arith.muli %add3A_379, %mul3A_380 : i32
    %dma_wait3A_382 = arith.constant 6400 : i32
    %dma_wait3A_383 = tpu.memref_slice %arg4[%mul3A_381, %dma_wait3A_382] : memref<4096x12800xf32, #tpu.memory_space<hbm>> -> memref<8x3200xf32, #tpu.memory_space<hbm>>
    %dma_wait3A_384 = arith.constant 6400 : i32
    %dma_wait3A_385 = tpu.memref_slice %arg4[%mul3A_381, %dma_wait3A_384] : memref<4096x12800xf32, #tpu.memory_space<hbm>> -> memref<8x3200xf32, #tpu.memory_space<hbm>>
    tpu.wait_dma2 semaphore(%arg16 : memref<!tpu.dma_semaphore, #tpu.memory_space<semaphore_mem>>) src(%arg8 : memref<8x3200xf32, #tpu.memory_space<vmem>>) dst(%dma_wait3A_385 : memref<8x3200xf32, #tpu.memory_space<hbm>>)
    %mul3A_386 = arith.constant 16 : i32
    %mul3A_387 = arith.muli %add3A, %mul3A_386 : i32
    %add3A_388 = arith.constant 15 : i32
    %add3A_389 = arith.addi %mul3A_387, %add3A_388 : i32
    %mul3A_390 = arith.constant 8 : i32
    %mul3A_391 = arith.muli %add3A_389, %mul3A_390 : i32
    %dma_wait3A_392 = arith.constant 9600 : i32
    %dma_wait3A_393 = tpu.memref_slice %arg4[%mul3A_391, %dma_wait3A_392] : memref<4096x12800xf32, #tpu.memory_space<hbm>> -> memref<8x3200xf32, #tpu.memory_space<hbm>>
    %dma_wait3A_394 = arith.constant 9600 : i32
    %dma_wait3A_395 = tpu.memref_slice %arg4[%mul3A_391, %dma_wait3A_394] : memref<4096x12800xf32, #tpu.memory_space<hbm>> -> memref<8x3200xf32, #tpu.memory_space<hbm>>
    tpu.wait_dma2 semaphore(%arg17 : memref<!tpu.dma_semaphore, #tpu.memory_space<semaphore_mem>>) src(%arg9 : memref<8x3200xf32, #tpu.memory_space<vmem>>) dst(%dma_wait3A_395 : memref<8x3200xf32, #tpu.memory_space<hbm>>)
    return
  }
}

</mosaic_0001>

<sc_bundles>
// kernel: kernel.3.cloned.1.call-start
scs
__scs_entry_jumppad:
0x0: {  	(pc) =	sbr.rel $0x88, $3  }
0x1: {  	(tag) =	ssettag $0x0;
	lr =	simm.s32 $0x1  }
0x2: {  	[smem:$0x3F9F] =	sst lr;
	_ =	strace $0xD0000000  }
0x3: {  	_ = 	snop  }
0x4: {  	_ = 	snop  }
0x5: {  	_ = 	snop  }
0x6: {  	_ = 	snop  }
0x7: {  	_ = 	snop  }
__scs_overlays_trampoline_lowered:
0x8: {  	[smem:$0x3FAE] =	sst s0  }
0x9: {  	[smem:$0x3FAF] =	sst s1  }
0xa: {  	[smem:$0x3FB0] =	sst s2  }
0xb: {  	[smem:$0x3FB1] =	sst s3  }
0xc: {  	[smem:$0x3FB2] =	sst s4  }
0xd: {  	[smem:$0x3FB3] =	sst s5  }
0xe: {  	[smem:$0x3FB4] =	sst s6  }
0xf: {  	[smem:$0x3FB5] =	sst s7  }
0x10: {  	[smem:$0x3FB6] =	sst s8  }
0x11: {  	[smem:$0x3FB7] =	sst s9;
	s0 =	simm.s32 @!p0 $0x0  }
0x12: {  	s1 =	sld [smem:$0x3F9D];
	s0 =	simm.s32 @p0 $0x1  }
0x13: {  	[smem:$0x3FB8] =	sst s0;
	s0 =	simm.s32 @!p1 $0x0  }
0x14: {  	s2 =	sld [smem:$0x3F9C];
	s0 =	simm.s32 @p1 $0x1  }
0x15: {  	[smem:$0x3FB9] =	sst s0;
	s0 =	simm.s32 @!p2 $0x0  }
0x16: {  	s3 =	sld [smem:$0x3FDB];
	s0 =	simm.s32 @p2 $0x1  }
0x17: {  	s4 =	simm.s32 $0x1BF5;
	[smem:$0x3FBB] =	sst s0  }
0x18: {  	s0 =	sld [smem:$0x3F9E];
	_ =	swait.ge [sflag:s4], $0x0  }
0x19: {  	s7 =	sld [smem:$0x3F9F]  }
0x1a: {  	s8 =	sadd.s32 $0xFFFFE003, lr  }
0x1b: {  	s9 =	sadd.s32 $0xFFFFFEF7, lr;
	s5 =	simm.s32 $0xFFFFFFFF;
	p2 =	slt.u32 s8, $0xFFFFF086  }
0x1c: {  	p1 =	slt.u32 s9, $0xF7A;
	s5 =	simm.s32 @!p2 $0x0  }
0x1d: {  	s5 =	simm.s32 @p1 $0x1;
	p0 =	seq.s32 s7, s2  }
0x1e: {  	s7 =	smul.u32 @!p0 $0xF7A, s2;
	p2 =	seq.s32 @!p0 s5, $0x0  }
0x1f: {  	s9 =	smul.u32 $0xF7A, s1;
	s8 =	simm.s32 @!p0 $0x1BF5;
	p2 =	por !p2, p0  }
0x20: {  	[sflag:s8] =	ssyncset.s32 @!p0 $0xFFFFF086;
	s6 =	sadd.s32 @!p0 s3, s7;
	s7 =	simm.s32 @!p0 $0x108  }
0x21: {  	s3 =	sadd.s32 s3, s9;
	s6 =	sadd.s32 @!p0 $0x88, s6;
	s7 =	simm.s32 @p2 $0x1082  }
0x22: {  	[simem:s7], [sflag:s8] =	dma.local @!p0 [hbm:s6], $0xF7A  }
0x23: {  	s9 =	sor.u32 $0xD0000000, s2;
	s6 =	simm.s32 $0x108;
	_ =	swait.ge @!p0 [sflag:s8], $0x0  }
0x24: {  	s3 =	sadd.s32 $0x88, s3;
	s6 =	simm.s32 @!p1 $0x1082;
	[sflag:s4] =	ssyncset.s32 $0xFFFFF086  }
0x25: {  	[simem:s6], [sflag:s4] =	dma.local [hbm:s3], $0xF7A  }
0x26: {  	[smem:$0x3F9F] =	sst s1;
	(tag) =	ssettag s2;
	_ =	strace s9  }
0x27: {  	s1 =	sld [smem:$0x3FAF]  }
0x28: {  	s2 =	sld [smem:$0x3FB0]  }
0x29: {  	s4 =	sld [smem:$0x3FB2]  }
0x2a: {  	p0 =	seq.s32 s5, $0x0;
	s5 =	sld [smem:$0x3FB3]  }
0x2b: {  	s6 =	sld [smem:$0x3FB4]  }
0x2c: {  	s7 =	sld [smem:$0x3FB5]  }
0x2d: {  	s3 =	simm.s32 $0x108;
	s8 =	sld [smem:$0x3FB6]  }
0x2e: {  	s3 =	simm.s32 @!p0 $0x1082;
	s9 =	sld [smem:$0x3FB7]  }
0x2f: {  	lr =	sadd.s32 s0, s3;
	s0 =	sld [smem:$0x3FAE]  }
0x30: {  	s3 =	sld [smem:$0x3FB1]  }
0x31: {  	[smem:$0x3FBA] =	sst s10  }
0x32: {  	s10 =	sld [smem:$0x3FB8];
	_ =	sdelay $0x3  }
0x33: {  	p0 =	seq.s32 s10, $0x1;
	s10 =	sld [smem:$0x3FBA];
	_ =	sdelay $0x3  }
0x34: {  	[smem:$0x3FBA] =	sst s10  }
0x35: {  	s10 =	sld [smem:$0x3FB9];
	_ =	sdelay $0x3  }
0x36: {  	p1 =	seq.s32 s10, $0x1;
	s10 =	sld [smem:$0x3FBA];
	_ =	sdelay $0x3  }
0x37: {  	[smem:$0x3FBA] =	sst s10  }
0x38: {  	s10 =	sld [smem:$0x3FBB]  }
0x39: {  	_ = 	snop;
	(pc) =	sbr.ind lr, $3  }
0x3a: {  	_ = 	snop  }
0x3b: {  	_ = 	snop  }
0x3c: {  	p2 =	seq.s32 s10, $0x1;
	s10 =	sld [smem:$0x3FBA]  }
0x3d: {  	_ =	shalt  }
0x3e: {  	_ =	shalt  }
0x3f: {  	_ =	shalt  }
0x40: {  	_ =	shalt  }
0x41: {  	_ =	shalt  }
0x42: {  	_ =	shalt  }
0x43: {  	_ =	shalt  }
0x44: {  	_ =	shalt  }
0x45: {  	_ =	shalt  }
0x46: {  	_ =	shalt  }
0x47: {  	_ =	shalt  }
0x48: {  	_ =	shalt  }
0x49: {  	_ =	shalt  }
0x4a: {  	_ =	shalt  }
0x4b: {  	_ =	shalt  }
0x4c: {  	_ =	shalt  }
0x4d: {  	_ =	shalt  }
0x4e: {  	_ =	shalt  }
0x4f: {  	_ =	shalt  }
0x50: {  	_ =	shalt  }
0x51: {  	_ =	shalt  }
0x52: {  	_ =	shalt  }
0x53: {  	_ =	shalt  }
0x54: {  	_ =	shalt  }
0x55: {  	_ =	shalt  }
0x56: {  	_ =	shalt  }
0x57: {  	_ =	shalt  }
0x58: {  	_ =	shalt  }
0x59: {  	_ =	shalt  }
0x5a: {  	_ =	shalt  }
0x5b: {  	_ =	shalt  }
0x5c: {  	_ =	shalt  }
0x5d: {  	_ =	shalt  }
0x5e: {  	_ =	shalt  }
0x5f: {  	_ =	shalt  }
0x60: {  	_ =	shalt  }
0x61: {  	_ =	shalt  }
0x62: {  	_ =	shalt  }
0x63: {  	_ =	shalt  }
0x64: {  	_ =	shalt  }
0x65: {  	_ =	shalt  }
0x66: {  	_ =	shalt  }
0x67: {  	_ =	shalt  }
0x68: {  	_ =	shalt  }
0x69: {  	_ =	shalt  }
0x6a: {  	_ =	shalt  }
0x6b: {  	_ =	shalt  }
0x6c: {  	_ =	shalt  }
0x6d: {  	_ =	shalt  }
0x6e: {  	_ =	shalt  }
0x6f: {  	_ =	shalt  }
0x70: {  	_ =	shalt  }
0x71: {  	_ =	shalt  }
0x72: {  	_ =	shalt  }
0x73: {  	_ =	shalt  }
0x74: {  	_ =	shalt  }
0x75: {  	_ =	shalt  }
0x76: {  	_ =	shalt  }
0x77: {  	_ =	shalt  }
0x78: {  	_ =	shalt  }
0x79: {  	_ =	shalt  }
0x7a: {  	_ =	shalt  }
0x7b: {  	_ =	shalt  }
0x7c: {  	_ =	shalt  }
0x7d: {  	_ =	shalt  }
0x7e: {  	_ =	shalt  }
0x7f: {  	_ =	shalt  }
0x80: {  	_ =	shalt  }
0x81: {  	_ =	shalt  }
0x82: {  	_ =	shalt  }
0x83: {  	_ =	shalt  }
0x84: {  	_ =	shalt  }
0x85: {  	_ =	shalt  }
0x86: {  	_ =	shalt  }
0x87: {  	_ =	shalt  }
.Lfunc_end0:
.L_simem_size_0:
called_computation_lowered:
.L_overlay_start_0:
0x88: {  	s2 =	sld [smem:$0x3FD9]  }
0x89: {  	s3 =	sld [smem:$0x3FFE];
	_ =	sdelay $0x1  }
0x8a: {  	s1 =	srdreg.scid  }
0x8b: {  	s0 =	sand.u32 $0x1, s1  }
0x8c: {  	s17 =	sshll.u32 s0, $0xA;
	s2 =	sadd.s32 s3, s2  }
0x8d: {  	s2 =	sadd.s32 s2, s17  }
0x8e: {  	[smem:$0x3FC6] =	sst s2  }
0x8f: {  	_ = 	snop  }
0x90: {  	s2 =	sld [smem:$0x3FD0];
	(tm) =	ssettm $0x1  }
0x91: {  	s18 =	sld [smem:$0x3FFB];
	_ =	sdelay $0x3  }
0x92: {  	_ =	strace s18  }
0x93: {  	s3 =	sld [smem:$0x3FFC];
	_ =	sdelay $0x3  }
0x94: {  	_ =	strace s3  }
0x95: {  	s3 =	sld [smem:$0x3FFD];
	_ =	sdelay $0x3  }
0x96: {  	_ =	strace s3  }
0x97: {  	_ =	strace $0x8FFFFFFF  }
0x98: {  	s19 =	sld [smem:$0x3FDB];
	_ =	sdelay $0x1  }
0x99: {  	s4 =	simm.s32 $_scs_section_size  }
0x9a: {  	s5 =	simm.s32 $_size__tile_overlayer_lowered;
	s6 =	simm.s32 $_tile_overlayer_lowered  }
0x9b: {  	s22 =	simm.s32 $0x1BFF;
	s21 =	sshll.u32 s6, $0x1;
	s3 =	sadd.s32 s4, s19  }
0x9c: {  	s7 =	simm.s32 $0x0;
	s20 =	sshll.u32 s5, $0x1;
	s5 =	sadd.s32 s21, s3  }
0x9d: {  	[timem:s7], [sflag:s22] =	dma.local [hbm:s5], s20  }
0x9e: {  	_ =	swait.ge [sflag:s22], s20  }
0x9f: {  	s4 =	ssub.s32 $0x0, s20;
	[sflag:s22] =	ssyncset.done $0x0  }
0xa0: {  	[sflag:s22] =	ssyncadd.s32 s4;
	_ =	sdelay $0x1  }
0xa1: {  	s23 =	simm.s32 $0x1B8B  }
0xa2: {  	_ =	swait.ge [sflag:s23], $0x1  }
0xa3: {  	[sflag:s23] =	ssyncset.done $0x0  }
0xa4: {  	s25 =	simm.s32 $0x1B8E;
	s24 =	sld [smem:$0x3FFE];
	[sflag:s23] =	ssyncadd.s32 $0xFFFFFFFF  }
0xa5: {  	s26 =	simm.s32 $execute0_lowered;
	[smem:$0x3FD2] =	sst s25  }
0xa6: {  	s5 =	sshll.u32 s26, $0x1;
	_ =	strace $0x80000046;
	[dreg:$0x1] =	wrdreg $0xFFFFFFFF  }
0xa7: {  	s28 =	simm.s32 $_size_execute0_lowered;
	s3 =	sadd.s32 s3, s5;
	[dreg:$0x0] =	wrdreg $0x0  }
0xa8: {  	s5 =	sshll.u32 s28, $0x1;
	[dreg:$0x2] =	wrdreg s3  }
0xa9: {  	[dreg:$0x3] =	wrdreg s5  }
0xaa: {  	[dreg:$0x4] =	wrdreg $0xC0  }
0xab: {  	_ =	task [dreg:s7], $0x5FFFF  }
0xac: {  	[dreg:$0x1] =	wrdreg $0xFFFFFFFF  }
0xad: {  	[dreg:$0x0] =	wrdreg $0x60  }
0xae: {  	[dreg:$0x2] =	wrdreg s2  }
0xaf: {  	[dreg:$0x3] =	wrdreg s24  }
0xb0: {  	[dreg:$0x4] =	wrdreg $0x9  }
0xb1: {  	_ =	task.clear_ibuf [dreg:s7], $0x5FFFF;
	_ =	strace $0x90000046  }
0xb2: {  	s29 =	simm.s32 $0x9;
	_ =	strace $0x80000048  }
0xb3: {  	_ =	swait.ge [sflag:s29], $0x1  }
0xb4: {  	[sflag:s29] =	ssyncadd.s32 $0xFFFFFFFF  }
0xb5: {  	_ =	strace $0x90000048  }
0xb6: {  	_ =	sfence  }
0xb7: {  	s30 =	sld [smem:$0x0];
	_ =	sdelay $0x2  }
0xb8: {  	s31 =	sshll.u32 s1, $0xD;
	s1 =	sshrl.u32 s1, $0x2  }
0xb9: {  	s3 =	sand.u32 $0x4000, s31;
	s1 =	sadd.s32 s1, s30  }
0xba: {  	s0 =	sor.u32 s3, s0;
	s1 =	sshll.u32 s1, $0x11  }
0xbb: {  	s0 =	sor.u32 s1, s0  }
0xbc: {  	s0 =	sadd.s32 $0x8F2B, s0  }
0xbd: {  	[sflag:s0] =	ssyncadd.remote.s32 $0x1  }
0xbe: {  	_ =	sfence.sel $0xFFFF  }
0xbf: {  	[dreg:$0x0] =	wrdreg $0xFFFFFFFF;
	(pc) =	sbr.abs _section_cstart, $3  }
0xc0: {  	[dreg:$0x1] =	wrdreg $0xFFFFFFFF  }
0xc1: {  	_ =	task.clear_ibuf [dreg:s7], $0x2FFFF;
	_ =	strace $0x9FFFFFFF  }
0xc2: {  	(tm) =	ssettm $0x7FFFFFFF  }
0xc3: {  	_ =	shalt  }
tec
execute0_lowered:
.L_overlay_start_1:
0x0: {  	(tag) =	ssettag $0x1  }
0x1: {  	s0 =	srdreg.scid  }
0x2: {  	s2 =	rddreg [dreg:$0x0];
	s3 =	stileid.u32;
	s0 =	sand.u32 $0x1, s0  }
0x3: {  	s1 =	rddreg [dreg:$0x1];
	s4 =	sshll.u32 s3, $0x5;
	s5 =	sshll.u32 s0, $0x4  }
0x4: {  	s28 =	simm.s32 $0x1;
	s29 =	simm.s32 $0xFA00;
	s4 =	sor.u32 s5, s4  }
0x5: {  	s3 =	simm.s32 $0x0;
	s0 =	ssub.s32 $0x2, s0;
	s5 =	smul.u32 $0x19000, s4  }
0x6: {  	s6 =	sadd.s32 $0x400, s1;
	[smem:$0x7FF] =	sst s3;
	s14 =	sshrl.u32 s0, $0x1  }
0x7: {  	_ =	strace $0x80000047;
	s0 =	ssub.s32 s0, s14;
	s5 =	sshrl.u32 s5, $0x3  }
0x8: {  	[dreg:$0x3] =	wrdreg s6;
	s0 =	smax.u32 s0, $0x1;
	s8 =	sor.u32 $0xC80, s5  }
0x9: {  	[dreg:$0x12] =	wrdreg s0;
	s16 =	sor.u32 $0x1900, s5;
	s15 =	sadd.s32 s2, s8  }
0xa: {  	s6 =	sadd.s32 $0xC00, s1;
	s11 =	sadd.s32 s2, s16;
	[dreg:$0x4] =	wrdreg s15  }
0xb: {  	s10 =	sadd.s32 $0x2580, s5;
	s8 =	sadd.s32 s6, s8;
	[dreg:$0x5] =	wrdreg s11  }
0xc: {  	s30 =	simm.s32 $0x2;
	s17 =	sadd.s32 s2, s10;
	[dreg:$0x6] =	wrdreg s8  }
0xd: {  	s7 =	sadd.s32 s2, s5;
	s1 =	sadd.s32 s6, s16;
	[dreg:$0x7] =	wrdreg s17  }
0xe: {  	s31 =	simm.s32 $0x15E00;
	s18 =	sadd.s32 $0x3200, s7;
	[dreg:$0x8] =	wrdreg s1  }
0xf: {  	s12 =	simm.s32 $0x0;
	s19 =	sadd.s32 s6, s10;
	[dreg:$0x9] =	wrdreg s18  }
0x10: {  	s9 =	sadd.s32 s6, s5;
	s20 =	sadd.s32 $0x3E80, s7;
	[dreg:$0xa] =	wrdreg s19  }
0x11: {  	s22 =	sadd.s32 $0x30700, s5;
	s21 =	sadd.s32 $0x2EE00, s9;
	[dreg:$0xb] =	wrdreg s20  }
0x12: {  	s0 =	simm.s32 $0x5;
	s23 =	sadd.s32 s2, s22;
	[dreg:$0xc] =	wrdreg s21  }
0x13: {  	s5 =	sadd.s32 $0x31380, s5;
	s24 =	sadd.s32 $0x2FA80, s9;
	[dreg:$0xd] =	wrdreg s23  }
0x14: {  	s25 =	sadd.s32 s2, s5;
	s26 =	sadd.s32 s6, s5;
	[dreg:$0xe] =	wrdreg s24  }
0x15: {  	s5 =	simm.s32 $0x4;
	s10 =	simm.s32 $0x7;
	[dreg:$0xf] =	wrdreg s25  }
0x16: {  	s1 =	sadd.s32 s6, s22;
	[dreg:$0x11] =	wrdreg s26;
	s24 =	simm.s32 $0x9  }
0x17: {  	s25 =	simm.s32 $0x3200;
	s26 =	simm.s32 $0x9600;
	s8 =	simm.s32 $0x6  }
0x18: {  	s11 =	simm.s32 $0x8;
	[dreg:$0x10] =	wrdreg s1;
	s1 =	simm.s32 $0x3  }
.LBB2_1:
0x19: {  	s13 =	rddreg [dreg:$0x3]  }
0x1a: {  	[tilespmem:s3], [sflag:$0x9] =	stream.linear.gather [hbm4b:s13+s3], $0x3200, $0x38;
	[tilespmem:$0x1C200] =	vst v63  }
0x1b: {  	_ =	swait.ge [sflag:s24], $0x3200  }
0x1c: {  	[sflag:s24] =	ssyncset.done $0x0  }
0x1d: {  	[sflag:s24] =	ssyncadd.s32 $0xFFFFCE00  }
0x1e: {  	[tilespmem:s25], [sflag:$0x1] =	stream.linear.gather [hbm4b:s7+s3], $0x6400, $0x38;
	[tilespmem:$0x1C200] =	vst v63  }
0x1f: {  	s19 =	rddreg [dreg:$0x4]  }
0x20: {  	[tilespmem:s26], [sflag:$0x2] =	stream.linear.gather [hbm4b:s19+s3], $0x6400, $0x38;
	[tilespmem:$0x1C200] =	vst v63  }
0x21: {  	s14 =	sand.u32 $0x60, s3;
	s20 =	simm.s32 $0x0;
	_ =	swait.ge [sflag:s28], $0x6400  }
0x22: {  	s13 =	sand.u32 $0x3FFFFF80, s20;
	s15 =	sor.u32 $0x10, s14;
	[sflag:s28] =	ssyncset.done $0x0  }
0x23: {  	s16 =	sor.u32 s15, s13;
	[sflag:s28] =	ssyncadd.s32 $0xFFFF9C00  }
0x24: {  	v0 =	vld [tilespmem:s16+$0x0]  }
0x25: {  	s21 =	simm.s32 $0x0  }
0x26: {  	s13 =	sor.u32 s14, s13;
	s16 =	sand.u32 $0x3FFFFC00, s21  }
0x27: {  	v1 =	vld [tilespmem:s13+$0x0];
	s16 =	sadd.s32 $0x3200, s16  }
0x28: {  	s13 =	sor.u32 s15, s16  }
0x29: {  	s15 =	sor.u32 $0x80, s13;
	[tilespmem:s13+$0x0] =	vst.add.f32.msk $0xffff, v0  }
0x2a: {  	s22 =	sor.u32 $0x100, s13;
	[tilespmem:s15+$0x0] =	vst.add.f32.msk $0xffff, v0  }
0x2b: {  	s15 =	sor.u32 s14, s16;
	[tilespmem:s22+$0x0] =	vst.add.f32.msk $0xffff, v0  }
0x2c: {  	s23 =	sor.u32 $0x180, s13;
	[tilespmem:s15+$0x0] =	vst.add.f32.msk $0xffff, v1  }
0x2d: {  	s14 =	sor.u32 $0x80, s15;
	[tilespmem:s23+$0x0] =	vst.add.f32.msk $0xffff, v0  }
0x2e: {  	[tilespmem:s14+$0x0] =	vst.add.f32.msk $0xffff, v1  }
0x2f: {  	s16 =	sor.u32 $0x100, s15;
	[tilespmem:s13+$0x380] =	vst.add.f32.msk $0xffff, v0  }
0x30: {  	s17 =	sor.u32 $0x180, s15;
	[tilespmem:s16+$0x0] =	vst.add.f32.msk $0xffff, v1  }
0x31: {  	s14 =	simm.s32 $0x0;
	s16 =	simm.s32 $0x0;
	[tilespmem:s17+$0x0] =	vst.add.f32.msk $0xffff, v1  }
.LBB2_2:
0x32: {  	s14 =	sadd.s32 $0x2, s14;
	[tilespmem:s15+$0x200] =	vst.add.f32.msk $0xffff, v1;
	s16 =	sadd.s32 $0x20, s16  }
0x33: {  	s17 =	sand.u32 $0x60, s16;
	s18 =	sshll.u32 s14, $0x4;
	[tilespmem:s15+$0x280] =	vst.add.f32.msk $0xffff, v1  }
0x34: {  	s18 =	sand.u32 $0x3FFFFF80, s18;
	s19 =	sor.u32 $0x10, s17;
	[tilespmem:s15+$0x300] =	vst.add.f32.msk $0xffff, v1  }
0x35: {  	s20 =	sor.u32 s17, s18;
	s18 =	sor.u32 s19, s18;
	[tilespmem:s15+$0x380] =	vst.add.f32.msk $0xffff, v1  }
0x36: {  	p0 =	slt.u32 s14, $0xC6;
	v2 =	vld [tilespmem:s18+$0x0]  }
0x37: {  	s15 =	sshll.u32 s14, $0x7;
	v1 =	vld [tilespmem:s20+$0x0]  }
0x38: {  	s15 =	sand.u32 $0x3FFFFC00, s15;
	[tilespmem:s13+$0x200] =	vst.add.f32.msk $0xffff, v0  }
0x39: {  	s18 =	sadd.s32 $0x3200, s15;
	[tilespmem:s13+$0x280] =	vst.add.f32.msk $0xffff, v0  }
0x3a: {  	s15 =	sor.u32 s17, s18;
	[tilespmem:s13+$0x300] =	vst.add.f32.msk $0xffff, v0;
	s13 =	sor.u32 s19, s18  }
0x3b: {  	s17 =	sor.u32 $0x80, s15;
	s18 =	sor.u32 $0x100, s15;
	[tilespmem:s13+$0x0] =	vst.add.f32.msk $0xffff, v2;
	s19 =	sor.u32 $0x80, s13;
	v0 =	vmov v2  }
0x3c: {  	s20 =	sor.u32 $0x180, s15;
	[tilespmem:s19+$0x0] =	vst.add.f32.msk $0xffff, v0;
	s19 =	sor.u32 $0x100, s13  }
0x3d: {  	[tilespmem:s19+$0x0] =	vst.add.f32.msk $0xffff, v0;
	s19 =	sor.u32 $0x180, s13  }
0x3e: {  	[tilespmem:s19+$0x0] =	vst.add.f32.msk $0xffff, v0  }
.Ltmp0:
0x3f: {  	[tilespmem:s13+$0x380] =	vst.add.f32.msk $0xffff, v0;
	(pc) =	sbr.rel @p0 .LBB2_2-.Ltmp0, $4  }
0x40: {  	[tilespmem:s15+$0x0] =	vst.add.f32.msk $0xffff, v1  }
0x41: {  	[tilespmem:s17+$0x0] =	vst.add.f32.msk $0xffff, v1  }
0x42: {  	[tilespmem:s18+$0x0] =	vst.add.f32.msk $0xffff, v1  }
0x43: {  	[tilespmem:s20+$0x0] =	vst.add.f32.msk $0xffff, v1  }
0x44: {  	[tilespmem:s15+$0x200] =	vst.add.f32.msk $0xffff, v1  }
0x45: {  	[tilespmem:s15+$0x280] =	vst.add.f32.msk $0xffff, v1  }
0x46: {  	[tilespmem:s15+$0x300] =	vst.add.f32.msk $0xffff, v1  }
0x47: {  	[tilespmem:s15+$0x380] =	vst.add.f32.msk $0xffff, v1  }
0x48: {  	[tilespmem:s13+$0x200] =	vst.add.f32.msk $0xffff, v0  }
0x49: {  	[tilespmem:s13+$0x280] =	vst.add.f32.msk $0xffff, v0  }
0x4a: {  	[tilespmem:s13+$0x300] =	vst.add.f32.msk $0xffff, v0;
	s13 =	simm.s32 $0x0  }
0x4b: {  	[hbm4b:s9+s13] =	stream.linear.scatter [tilespmem:s25], [sflag:$0x5], $0x6400, $0x38;
	[tilespmem:$0x1C200] =	vst v63  }
0x4c: {  	s19 =	simm.s32 $0x0;
	s14 =	rddreg [dreg:$0x5]  }
0x4d: {  	[tilespmem:s29], [sflag:$0x3] =	stream.linear.gather [hbm4b:s14+s13], $0x6400, $0x38;
	[tilespmem:$0x1C200] =	vst v63  }
0x4e: {  	s20 =	sand.u32 $0x60, s13;
	s14 =	sand.u32 $0x3FFFFF80, s19;
	_ =	swait.ge [sflag:s30], $0x6400  }
0x4f: {  	s16 =	sor.u32 $0x10, s20;
	s14 =	sadd.s32 $0xC80, s14;
	[sflag:s30] =	ssyncset.done $0x0  }
0x50: {  	s17 =	sor.u32 s16, s14;
	[sflag:s30] =	ssyncadd.s32 $0xFFFF9C00  }
0x51: {  	v0 =	vld [tilespmem:s17+$0x0]  }
0x52: {  	s21 =	simm.s32 $0x0  }
0x53: {  	s14 =	sor.u32 s20, s14;
	s17 =	sand.u32 $0x3FFFFC00, s21  }
0x54: {  	v1 =	vld [tilespmem:s14+$0x0];
	s17 =	sadd.s32 $0x9600, s17  }
0x55: {  	s14 =	sor.u32 s16, s17  }
0x56: {  	s16 =	sor.u32 $0x80, s14;
	[tilespmem:s14+$0x0] =	vst.add.f32.msk $0xffff, v0  }
0x57: {  	s22 =	sor.u32 $0x100, s14;
	[tilespmem:s16+$0x0] =	vst.add.f32.msk $0xffff, v0  }
0x58: {  	s16 =	sor.u32 s20, s17;
	[tilespmem:s22+$0x0] =	vst.add.f32.msk $0xffff, v0  }
0x59: {  	s23 =	sor.u32 $0x180, s14;
	[tilespmem:s16+$0x0] =	vst.add.f32.msk $0xffff, v1  }
0x5a: {  	s15 =	sor.u32 $0x80, s16;
	[tilespmem:s23+$0x0] =	vst.add.f32.msk $0xffff, v0  }
0x5b: {  	[tilespmem:s15+$0x0] =	vst.add.f32.msk $0xffff, v1  }
0x5c: {  	s18 =	sor.u32 $0x100, s16;
	[tilespmem:s14+$0x380] =	vst.add.f32.msk $0xffff, v0  }
0x5d: {  	s17 =	sor.u32 $0x180, s16;
	s15 =	simm.s32 $0x0;
	[tilespmem:s18+$0x0] =	vst.add.f32.msk $0xffff, v1  }
.LBB2_4:
0x5e: {  	s15 =	sadd.s32 $0x2, s15;
	[tilespmem:s17+$0x0] =	vst.add.f32.msk $0xffff, v1  }
0x5f: {  	s13 =	sadd.s32 $0x20, s13;
	s17 =	sshll.u32 s15, $0x4;
	[tilespmem:s16+$0x200] =	vst.add.f32.msk $0xffff, v1  }
0x60: {  	s18 =	sand.u32 $0x60, s13;
	s17 =	sand.u32 $0x3FFFFF80, s17;
	[tilespmem:s16+$0x280] =	vst.add.f32.msk $0xffff, v1  }
0x61: {  	s19 =	sor.u32 $0x10, s18;
	s17 =	sadd.s32 $0xC80, s17;
	[tilespmem:s16+$0x300] =	vst.add.f32.msk $0xffff, v1  }
0x62: {  	p0 =	slt.u32 s15, $0xC6;
	s20 =	sor.u32 s18, s17;
	s17 =	sor.u32 s19, s17;
	[tilespmem:s16+$0x380] =	vst.add.f32.msk $0xffff, v1  }
0x63: {  	v2 =	vld [tilespmem:s17+$0x0]  }
0x64: {  	s16 =	sshll.u32 s15, $0x7;
	v1 =	vld [tilespmem:s20+$0x0]  }
0x65: {  	s16 =	sand.u32 $0x3FFFFC00, s16;
	[tilespmem:s14+$0x200] =	vst.add.f32.msk $0xffff, v0  }
0x66: {  	s17 =	sadd.s32 $0x9600, s16;
	[tilespmem:s14+$0x280] =	vst.add.f32.msk $0xffff, v0  }
0x67: {  	s16 =	sor.u32 s18, s17;
	[tilespmem:s14+$0x300] =	vst.add.f32.msk $0xffff, v0;
	s14 =	sor.u32 s19, s17  }
0x68: {  	s18 =	sor.u32 $0x80, s16;
	s19 =	sor.u32 $0x100, s16;
	[tilespmem:s14+$0x0] =	vst.add.f32.msk $0xffff, v2;
	s20 =	sor.u32 $0x80, s14;
	v0 =	vmov v2  }
0x69: {  	s17 =	sor.u32 $0x180, s16;
	[tilespmem:s20+$0x0] =	vst.add.f32.msk $0xffff, v0;
	s20 =	sor.u32 $0x100, s14  }
0x6a: {  	[tilespmem:s20+$0x0] =	vst.add.f32.msk $0xffff, v0;
	s20 =	sor.u32 $0x180, s14  }
.Ltmp1:
0x6b: {  	[tilespmem:s20+$0x0] =	vst.add.f32.msk $0xffff, v0;
	(pc) =	sbr.rel @p0 .LBB2_4-.Ltmp1, $4  }
0x6c: {  	[tilespmem:s14+$0x380] =	vst.add.f32.msk $0xffff, v0  }
0x6d: {  	[tilespmem:s16+$0x0] =	vst.add.f32.msk $0xffff, v1  }
0x6e: {  	[tilespmem:s18+$0x0] =	vst.add.f32.msk $0xffff, v1  }
0x6f: {  	[tilespmem:s19+$0x0] =	vst.add.f32.msk $0xffff, v1  }
0x70: {  	[tilespmem:s17+$0x0] =	vst.add.f32.msk $0xffff, v1  }
0x71: {  	[tilespmem:s14+$0x200] =	vst.add.f32.msk $0xffff, v0  }
0x72: {  	[tilespmem:s14+$0x280] =	vst.add.f32.msk $0xffff, v0  }
0x73: {  	[tilespmem:s14+$0x300] =	vst.add.f32.msk $0xffff, v0  }
0x74: {  	[tilespmem:s16+$0x200] =	vst.add.f32.msk $0xffff, v1  }
0x75: {  	[tilespmem:s16+$0x280] =	vst.add.f32.msk $0xffff, v1  }
0x76: {  	[tilespmem:s16+$0x300] =	vst.add.f32.msk $0xffff, v1  }
0x77: {  	[tilespmem:s16+$0x380] =	vst.add.f32.msk $0xffff, v1  }
0x78: {  	s13 =	simm.s32 $0x0;
	s14 =	rddreg [dreg:$0x6]  }
0x79: {  	[hbm4b:s14+s13] =	stream.linear.scatter [tilespmem:s26], [sflag:$0x6], $0x6400, $0x38;
	[tilespmem:$0x1C200] =	vst v63  }
0x7a: {  	s18 =	simm.s32 $0x0;
	s17 =	rddreg [dreg:$0x7]  }
0x7b: {  	[tilespmem:s31], [sflag:$0x4] =	stream.linear.gather [hbm4b:s17+s13], $0x6400, $0x38;
	[tilespmem:$0x1C200] =	vst v63  }
0x7c: {  	s15 =	sand.u32 $0x60, s13;
	s14 =	sand.u32 $0x3FFFFF80, s18;
	_ =	swait.ge [sflag:s1], $0x6400  }
0x7d: {  	s19 =	sor.u32 $0x10, s15;
	s14 =	sadd.s32 $0x1900, s14;
	[sflag:s1] =	ssyncset.done $0x0  }
0x7e: {  	s20 =	sor.u32 s19, s14;
	[sflag:s1] =	ssyncadd.s32 $0xFFFF9C00  }
0x7f: {  	v0 =	vld [tilespmem:s20+$0x0]  }
0x80: {  	s21 =	simm.s32 $0x0  }
0x81: {  	s17 =	sand.u32 $0x3FFFFC00, s21;
	s14 =	sor.u32 s15, s14  }
0x82: {  	s17 =	sadd.s32 $0xFA00, s17;
	v1 =	vld [tilespmem:s14+$0x0]  }
0x83: {  	s14 =	sor.u32 s19, s17  }
0x84: {  	s16 =	sor.u32 $0x80, s14;
	[tilespmem:s14+$0x0] =	vst.add.f32.msk $0xffff, v0  }
0x85: {  	s22 =	sor.u32 $0x100, s14;
	[tilespmem:s16+$0x0] =	vst.add.f32.msk $0xffff, v0  }
0x86: {  	s16 =	sor.u32 s15, s17;
	[tilespmem:s22+$0x0] =	vst.add.f32.msk $0xffff, v0  }
0x87: {  	s23 =	sor.u32 $0x180, s14;
	[tilespmem:s16+$0x0] =	vst.add.f32.msk $0xffff, v1  }
0x88: {  	s15 =	sor.u32 $0x80, s16;
	[tilespmem:s23+$0x0] =	vst.add.f32.msk $0xffff, v0  }
0x89: {  	[tilespmem:s15+$0x0] =	vst.add.f32.msk $0xffff, v1  }
0x8a: {  	s18 =	sor.u32 $0x100, s16;
	[tilespmem:s14+$0x380] =	vst.add.f32.msk $0xffff, v0  }
0x8b: {  	s17 =	sor.u32 $0x180, s16;
	s15 =	simm.s32 $0x0;
	[tilespmem:s18+$0x0] =	vst.add.f32.msk $0xffff, v1  }
.LBB2_6:
0x8c: {  	s15 =	sadd.s32 $0x2, s15;
	[tilespmem:s17+$0x0] =	vst.add.f32.msk $0xffff, v1  }
0x8d: {  	s13 =	sadd.s32 $0x20, s13;
	s17 =	sshll.u32 s15, $0x4;
	[tilespmem:s16+$0x200] =	vst.add.f32.msk $0xffff, v1  }
0x8e: {  	s18 =	sand.u32 $0x60, s13;
	s17 =	sand.u32 $0x3FFFFF80, s17;
	[tilespmem:s16+$0x280] =	vst.add.f32.msk $0xffff, v1  }
0x8f: {  	s19 =	sor.u32 $0x10, s18;
	s17 =	sadd.s32 $0x1900, s17;
	[tilespmem:s16+$0x300] =	vst.add.f32.msk $0xffff, v1  }
0x90: {  	p0 =	slt.u32 s15, $0xC6;
	s20 =	sor.u32 s18, s17;
	s17 =	sor.u32 s19, s17;
	[tilespmem:s16+$0x380] =	vst.add.f32.msk $0xffff, v1  }
0x91: {  	v2 =	vld [tilespmem:s17+$0x0]  }
0x92: {  	s16 =	sshll.u32 s15, $0x7;
	v1 =	vld [tilespmem:s20+$0x0]  }
0x93: {  	s16 =	sand.u32 $0x3FFFFC00, s16;
	[tilespmem:s14+$0x200] =	vst.add.f32.msk $0xffff, v0  }
0x94: {  	s17 =	sadd.s32 $0xFA00, s16;
	[tilespmem:s14+$0x280] =	vst.add.f32.msk $0xffff, v0  }
0x95: {  	s16 =	sor.u32 s18, s17;
	[tilespmem:s14+$0x300] =	vst.add.f32.msk $0xffff, v0;
	s14 =	sor.u32 s19, s17  }
0x96: {  	s18 =	sor.u32 $0x80, s16;
	s19 =	sor.u32 $0x100, s16;
	[tilespmem:s14+$0x0] =	vst.add.f32.msk $0xffff, v2;
	s20 =	sor.u32 $0x80, s14;
	v0 =	vmov v2  }
0x97: {  	s17 =	sor.u32 $0x180, s16;
	[tilespmem:s20+$0x0] =	vst.add.f32.msk $0xffff, v0;
	s20 =	sor.u32 $0x100, s14  }
0x98: {  	[tilespmem:s20+$0x0] =	vst.add.f32.msk $0xffff, v0;
	s20 =	sor.u32 $0x180, s14  }
.Ltmp2:
0x99: {  	[tilespmem:s20+$0x0] =	vst.add.f32.msk $0xffff, v0;
	(pc) =	sbr.rel @p0 .LBB2_6-.Ltmp2, $4  }
0x9a: {  	[tilespmem:s14+$0x380] =	vst.add.f32.msk $0xffff, v0  }
0x9b: {  	[tilespmem:s16+$0x0] =	vst.add.f32.msk $0xffff, v1  }
0x9c: {  	[tilespmem:s18+$0x0] =	vst.add.f32.msk $0xffff, v1  }
0x9d: {  	[tilespmem:s19+$0x0] =	vst.add.f32.msk $0xffff, v1  }
0x9e: {  	[tilespmem:s17+$0x0] =	vst.add.f32.msk $0xffff, v1  }
0x9f: {  	[tilespmem:s14+$0x200] =	vst.add.f32.msk $0xffff, v0  }
0xa0: {  	[tilespmem:s14+$0x280] =	vst.add.f32.msk $0xffff, v0  }
0xa1: {  	[tilespmem:s14+$0x300] =	vst.add.f32.msk $0xffff, v0  }
0xa2: {  	[tilespmem:s16+$0x200] =	vst.add.f32.msk $0xffff, v1  }
0xa3: {  	[tilespmem:s16+$0x280] =	vst.add.f32.msk $0xffff, v1  }
0xa4: {  	[tilespmem:s16+$0x300] =	vst.add.f32.msk $0xffff, v1  }
0xa5: {  	[tilespmem:s16+$0x380] =	vst.add.f32.msk $0xffff, v1  }
0xa6: {  	s13 =	simm.s32 $0x0;
	s14 =	rddreg [dreg:$0x8]  }
0xa7: {  	[hbm4b:s14+s13] =	stream.linear.scatter [tilespmem:s29], [sflag:$0x7], $0x6400, $0x38;
	[tilespmem:$0x1C200] =	vst v63  }
0xa8: {  	_ =	swait.ge [sflag:s0], $0x6400  }
0xa9: {  	[sflag:s0] =	ssyncset.done $0x0  }
0xaa: {  	s18 =	simm.s32 $0x0;
	s17 =	rddreg [dreg:$0x9];
	[sflag:s0] =	ssyncadd.s32 $0xFFFF9C00  }
0xab: {  	[tilespmem:s25], [sflag:$0x1] =	stream.linear.gather [hbm4b:s17+s13], $0x6400, $0x38;
	[tilespmem:$0x1C200] =	vst v63  }
0xac: {  	s15 =	sand.u32 $0x60, s13;
	s14 =	sand.u32 $0x3FFFFF80, s18;
	_ =	swait.ge [sflag:s5], $0x6400  }
0xad: {  	s19 =	sor.u32 $0x10, s15;
	s14 =	sadd.s32 $0x2580, s14;
	[sflag:s5] =	ssyncset.done $0x0  }
0xae: {  	s20 =	sor.u32 s19, s14;
	[sflag:s5] =	ssyncadd.s32 $0xFFFF9C00  }
0xaf: {  	v0 =	vld [tilespmem:s20+$0x0]  }
0xb0: {  	s21 =	simm.s32 $0x0  }
0xb1: {  	s14 =	sor.u32 s15, s14;
	s17 =	sand.u32 $0x3FFFFC00, s21  }
0xb2: {  	s17 =	sadd.s32 $0x15E00, s17;
	v1 =	vld [tilespmem:s14+$0x0]  }
0xb3: {  	s14 =	sor.u32 s19, s17  }
0xb4: {  	s16 =	sor.u32 $0x80, s14;
	[tilespmem:s14+$0x0] =	vst.add.f32.msk $0xffff, v0  }
0xb5: {  	s22 =	sor.u32 $0x100, s14;
	[tilespmem:s16+$0x0] =	vst.add.f32.msk $0xffff, v0  }
0xb6: {  	s16 =	sor.u32 s15, s17;
	[tilespmem:s22+$0x0] =	vst.add.f32.msk $0xffff, v0  }
0xb7: {  	s23 =	sor.u32 $0x180, s14;
	[tilespmem:s16+$0x0] =	vst.add.f32.msk $0xffff, v1  }
0xb8: {  	s15 =	sor.u32 $0x80, s16;
	[tilespmem:s23+$0x0] =	vst.add.f32.msk $0xffff, v0  }
0xb9: {  	[tilespmem:s15+$0x0] =	vst.add.f32.msk $0xffff, v1  }
0xba: {  	s18 =	sor.u32 $0x100, s16;
	[tilespmem:s14+$0x380] =	vst.add.f32.msk $0xffff, v0  }
0xbb: {  	s17 =	sor.u32 $0x180, s16;
	s15 =	simm.s32 $0x0;
	[tilespmem:s18+$0x0] =	vst.add.f32.msk $0xffff, v1  }
.LBB2_8:
0xbc: {  	s15 =	sadd.s32 $0x2, s15;
	[tilespmem:s17+$0x0] =	vst.add.f32.msk $0xffff, v1  }
0xbd: {  	s13 =	sadd.s32 $0x20, s13;
	s17 =	sshll.u32 s15, $0x4;
	[tilespmem:s16+$0x200] =	vst.add.f32.msk $0xffff, v1  }
0xbe: {  	s18 =	sand.u32 $0x60, s13;
	s17 =	sand.u32 $0x3FFFFF80, s17;
	[tilespmem:s16+$0x280] =	vst.add.f32.msk $0xffff, v1  }
0xbf: {  	s19 =	sor.u32 $0x10, s18;
	s17 =	sadd.s32 $0x2580, s17;
	[tilespmem:s16+$0x300] =	vst.add.f32.msk $0xffff, v1  }
0xc0: {  	p0 =	slt.u32 s15, $0xC6;
	s20 =	sor.u32 s18, s17;
	s17 =	sor.u32 s19, s17;
	[tilespmem:s16+$0x380] =	vst.add.f32.msk $0xffff, v1  }
0xc1: {  	v2 =	vld [tilespmem:s17+$0x0]  }
0xc2: {  	s16 =	sshll.u32 s15, $0x7;
	v1 =	vld [tilespmem:s20+$0x0]  }
0xc3: {  	s16 =	sand.u32 $0x3FFFFC00, s16;
	[tilespmem:s14+$0x200] =	vst.add.f32.msk $0xffff, v0  }
0xc4: {  	s17 =	sadd.s32 $0x15E00, s16;
	[tilespmem:s14+$0x280] =	vst.add.f32.msk $0xffff, v0  }
0xc5: {  	s16 =	sor.u32 s18, s17;
	[tilespmem:s14+$0x300] =	vst.add.f32.msk $0xffff, v0;
	s14 =	sor.u32 s19, s17  }
0xc6: {  	s18 =	sor.u32 $0x80, s16;
	s19 =	sor.u32 $0x100, s16;
	[tilespmem:s14+$0x0] =	vst.add.f32.msk $0xffff, v2;
	s20 =	sor.u32 $0x80, s14;
	v0 =	vmov v2  }
0xc7: {  	s17 =	sor.u32 $0x180, s16;
	[tilespmem:s20+$0x0] =	vst.add.f32.msk $0xffff, v0;
	s20 =	sor.u32 $0x100, s14  }
0xc8: {  	[tilespmem:s20+$0x0] =	vst.add.f32.msk $0xffff, v0;
	s20 =	sor.u32 $0x180, s14  }
.Ltmp3:
0xc9: {  	[tilespmem:s20+$0x0] =	vst.add.f32.msk $0xffff, v0;
	(pc) =	sbr.rel @p0 .LBB2_8-.Ltmp3, $4  }
0xca: {  	[tilespmem:s14+$0x380] =	vst.add.f32.msk $0xffff, v0  }
0xcb: {  	[tilespmem:s16+$0x0] =	vst.add.f32.msk $0xffff, v1  }
0xcc: {  	[tilespmem:s18+$0x0] =	vst.add.f32.msk $0xffff, v1  }
0xcd: {  	[tilespmem:s19+$0x0] =	vst.add.f32.msk $0xffff, v1  }
0xce: {  	[tilespmem:s17+$0x0] =	vst.add.f32.msk $0xffff, v1  }
0xcf: {  	[tilespmem:s14+$0x200] =	vst.add.f32.msk $0xffff, v0  }
0xd0: {  	[tilespmem:s14+$0x280] =	vst.add.f32.msk $0xffff, v0  }
0xd1: {  	[tilespmem:s14+$0x300] =	vst.add.f32.msk $0xffff, v0  }
0xd2: {  	[tilespmem:s16+$0x200] =	vst.add.f32.msk $0xffff, v1  }
0xd3: {  	[tilespmem:s16+$0x280] =	vst.add.f32.msk $0xffff, v1  }
0xd4: {  	[tilespmem:s16+$0x300] =	vst.add.f32.msk $0xffff, v1  }
0xd5: {  	[tilespmem:s16+$0x380] =	vst.add.f32.msk $0xffff, v1  }
0xd6: {  	s13 =	rddreg [dreg:$0xa]  }
0xd7: {  	[hbm4b:s13+s3] =	stream.linear.scatter [tilespmem:s31], [sflag:$0x8], $0x6400, $0x38;
	[tilespmem:$0x1C200] =	vst v63  }
0xd8: {  	_ =	swait.ge [sflag:s8], $0x6400  }
0xd9: {  	[sflag:s8] =	ssyncset.done $0x0  }
0xda: {  	s13 =	simm.s32 $0x1;
	s23 =	rddreg [dreg:$0xb];
	[sflag:s8] =	ssyncadd.s32 $0xFFFF9C00  }
0xdb: {  	[tilespmem:s26], [sflag:$0x2] =	stream.linear.gather [hbm4b:s23+s3], $0x6400, $0x38;
	[tilespmem:$0x1C200] =	vst v63  }
.LBB2_10:
0xdc: {  	s14 =	simm.s32 $0x0  }
0xdd: {  	_ =	swait.ge [sflag:s28], $0x6400;
	s15 =	simm.s32 $0x0;
	s16 =	sand.u32 $0x60, s14  }
0xde: {  	[sflag:s28] =	ssyncset.done $0x0;
	s15 =	sand.u32 $0x3FFFFF80, s15;
	s17 =	sor.u32 $0x10, s16  }
0xdf: {  	[sflag:s28] =	ssyncadd.s32 $0xFFFF9C00;
	s18 =	sor.u32 s17, s15  }
0xe0: {  	v0 =	vld [tilespmem:s18+$0x0]  }
0xe1: {  	s21 =	simm.s32 $0x0  }
0xe2: {  	s15 =	sor.u32 s16, s15;
	s18 =	sand.u32 $0x3FFFFC00, s21  }
0xe3: {  	v1 =	vld [tilespmem:s15+$0x0];
	s18 =	sadd.s32 $0x3200, s18  }
0xe4: {  	s15 =	sor.u32 s17, s18  }
0xe5: {  	s17 =	sor.u32 $0x80, s15;
	[tilespmem:s15+$0x0] =	vst.add.f32.msk $0xffff, v0  }
0xe6: {  	s22 =	sor.u32 $0x100, s15;
	[tilespmem:s17+$0x0] =	vst.add.f32.msk $0xffff, v0  }
0xe7: {  	s17 =	sor.u32 s16, s18;
	[tilespmem:s22+$0x0] =	vst.add.f32.msk $0xffff, v0  }
0xe8: {  	s23 =	sor.u32 $0x180, s15;
	[tilespmem:s17+$0x0] =	vst.add.f32.msk $0xffff, v1  }
0xe9: {  	s16 =	sor.u32 $0x80, s17;
	[tilespmem:s23+$0x0] =	vst.add.f32.msk $0xffff, v0  }
0xea: {  	[tilespmem:s16+$0x0] =	vst.add.f32.msk $0xffff, v1  }
0xeb: {  	s18 =	sor.u32 $0x100, s17;
	[tilespmem:s15+$0x380] =	vst.add.f32.msk $0xffff, v0  }
0xec: {  	s19 =	sor.u32 $0x180, s17;
	[tilespmem:s18+$0x0] =	vst.add.f32.msk $0xffff, v1  }
0xed: {  	s16 =	simm.s32 $0x0;
	[tilespmem:s19+$0x0] =	vst.add.f32.msk $0xffff, v1  }
.LBB2_11:
0xee: {  	s16 =	sadd.s32 $0x2, s16;
	[tilespmem:s17+$0x200] =	vst.add.f32.msk $0xffff, v1;
	s14 =	sadd.s32 $0x20, s14  }
0xef: {  	s18 =	sand.u32 $0x60, s14;
	s19 =	sshll.u32 s16, $0x4;
	[tilespmem:s17+$0x280] =	vst.add.f32.msk $0xffff, v1  }
0xf0: {  	s19 =	sand.u32 $0x3FFFFF80, s19;
	s20 =	sor.u32 $0x10, s18;
	[tilespmem:s17+$0x300] =	vst.add.f32.msk $0xffff, v1  }
0xf1: {  	s21 =	sor.u32 s18, s19;
	s19 =	sor.u32 s20, s19;
	[tilespmem:s17+$0x380] =	vst.add.f32.msk $0xffff, v1  }
0xf2: {  	p0 =	slt.u32 s16, $0xC6;
	v2 =	vld [tilespmem:s19+$0x0]  }
0xf3: {  	s17 =	sshll.u32 s16, $0x7;
	v1 =	vld [tilespmem:s21+$0x0]  }
0xf4: {  	s17 =	sand.u32 $0x3FFFFC00, s17;
	[tilespmem:s15+$0x200] =	vst.add.f32.msk $0xffff, v0  }
0xf5: {  	s19 =	sadd.s32 $0x3200, s17;
	[tilespmem:s15+$0x280] =	vst.add.f32.msk $0xffff, v0  }
0xf6: {  	s17 =	sor.u32 s18, s19;
	[tilespmem:s15+$0x300] =	vst.add.f32.msk $0xffff, v0;
	s15 =	sor.u32 s20, s19  }
0xf7: {  	s18 =	sor.u32 $0x80, s17;
	s19 =	sor.u32 $0x100, s17;
	[tilespmem:s15+$0x0] =	vst.add.f32.msk $0xffff, v2;
	s20 =	sor.u32 $0x80, s15;
	v0 =	vmov v2  }
0xf8: {  	s21 =	sor.u32 $0x180, s17;
	[tilespmem:s20+$0x0] =	vst.add.f32.msk $0xffff, v0;
	s20 =	sor.u32 $0x100, s15  }
0xf9: {  	[tilespmem:s20+$0x0] =	vst.add.f32.msk $0xffff, v0;
	s20 =	sor.u32 $0x180, s15  }
0xfa: {  	[tilespmem:s20+$0x0] =	vst.add.f32.msk $0xffff, v0  }
.Ltmp4:
0xfb: {  	[tilespmem:s15+$0x380] =	vst.add.f32.msk $0xffff, v0;
	(pc) =	sbr.rel @p0 .LBB2_11-.Ltmp4, $4  }
0xfc: {  	[tilespmem:s17+$0x0] =	vst.add.f32.msk $0xffff, v1  }
0xfd: {  	[tilespmem:s18+$0x0] =	vst.add.f32.msk $0xffff, v1  }
0xfe: {  	[tilespmem:s19+$0x0] =	vst.add.f32.msk $0xffff, v1  }
0xff: {  	[tilespmem:s21+$0x0] =	vst.add.f32.msk $0xffff, v1  }
0x100: {  	[tilespmem:s17+$0x200] =	vst.add.f32.msk $0xffff, v1  }
0x101: {  	[tilespmem:s17+$0x280] =	vst.add.f32.msk $0xffff, v1  }
0x102: {  	[tilespmem:s17+$0x300] =	vst.add.f32.msk $0xffff, v1  }
0x103: {  	[tilespmem:s17+$0x380] =	vst.add.f32.msk $0xffff, v1;
	s14 =	sor.u32 s4, s13  }
0x104: {  	[tilespmem:s15+$0x200] =	vst.add.f32.msk $0xffff, v0;
	s16 =	smul.u32 $0x3200, s14  }
0x105: {  	[tilespmem:s15+$0x280] =	vst.add.f32.msk $0xffff, v0  }
0x106: {  	[tilespmem:s15+$0x300] =	vst.add.f32.msk $0xffff, v0;
	s14 =	smul.u32 $0x19000, s14;
	s18 =	sadd.s32 s6, s16;
	s16 =	simm.s32 $0x0  }
0x107: {  	[hbm4b:s18+s16] =	stream.linear.scatter [tilespmem:s25], [sflag:$0x5], $0x6400, $0x38;
	[tilespmem:$0x1C200] =	vst v63  }
0x108: {  	s14 =	sshrl.u32 s14, $0x3;
	_ =	swait.ge [sflag:s10], $0x6400  }
0x109: {  	s15 =	sadd.s32 $0x1900, s14;
	[sflag:s10] =	ssyncset.done $0x0  }
0x10a: {  	s20 =	simm.s32 $0x0;
	s19 =	sadd.s32 s2, s15;
	[sflag:s10] =	ssyncadd.s32 $0xFFFF9C00  }
0x10b: {  	[tilespmem:s29], [sflag:$0x3] =	stream.linear.gather [hbm4b:s19+s16], $0x6400, $0x38;
	[tilespmem:$0x1C200] =	vst v63  }
0x10c: {  	s17 =	sand.u32 $0x3FFFFF80, s20;
	s18 =	sand.u32 $0x60, s16;
	_ =	swait.ge [sflag:s30], $0x6400  }
0x10d: {  	s17 =	sadd.s32 $0xC80, s17;
	s19 =	sor.u32 $0x10, s18;
	[sflag:s30] =	ssyncset.done $0x0  }
0x10e: {  	s20 =	sor.u32 s19, s17;
	[sflag:s30] =	ssyncadd.s32 $0xFFFF9C00  }
0x10f: {  	v0 =	vld [tilespmem:s20+$0x0]  }
0x110: {  	s21 =	simm.s32 $0x0  }
0x111: {  	s17 =	sor.u32 s18, s17;
	s20 =	sand.u32 $0x3FFFFC00, s21  }
0x112: {  	v1 =	vld [tilespmem:s17+$0x0];
	s20 =	sadd.s32 $0x9600, s20  }
0x113: {  	s17 =	sor.u32 s19, s20  }
0x114: {  	s19 =	sor.u32 $0x80, s17;
	[tilespmem:s17+$0x0] =	vst.add.f32.msk $0xffff, v0  }
0x115: {  	s22 =	sor.u32 $0x100, s17;
	[tilespmem:s19+$0x0] =	vst.add.f32.msk $0xffff, v0  }
0x116: {  	s19 =	sor.u32 s18, s20;
	[tilespmem:s22+$0x0] =	vst.add.f32.msk $0xffff, v0  }
0x117: {  	s23 =	sor.u32 $0x180, s17;
	[tilespmem:s19+$0x0] =	vst.add.f32.msk $0xffff, v1  }
0x118: {  	s18 =	sor.u32 $0x80, s19;
	[tilespmem:s23+$0x0] =	vst.add.f32.msk $0xffff, v0  }
0x119: {  	[tilespmem:s18+$0x0] =	vst.add.f32.msk $0xffff, v1  }
0x11a: {  	s21 =	sor.u32 $0x100, s19;
	[tilespmem:s17+$0x380] =	vst.add.f32.msk $0xffff, v0  }
0x11b: {  	s20 =	sor.u32 $0x180, s19;
	s18 =	simm.s32 $0x0;
	[tilespmem:s21+$0x0] =	vst.add.f32.msk $0xffff, v1  }
.LBB2_13:
0x11c: {  	s18 =	sadd.s32 $0x2, s18;
	[tilespmem:s20+$0x0] =	vst.add.f32.msk $0xffff, v1  }
0x11d: {  	s16 =	sadd.s32 $0x20, s16;
	s20 =	sshll.u32 s18, $0x4;
	[tilespmem:s19+$0x200] =	vst.add.f32.msk $0xffff, v1  }
0x11e: {  	s21 =	sand.u32 $0x60, s16;
	s20 =	sand.u32 $0x3FFFFF80, s20;
	[tilespmem:s19+$0x280] =	vst.add.f32.msk $0xffff, v1  }
0x11f: {  	s22 =	sor.u32 $0x10, s21;
	s20 =	sadd.s32 $0xC80, s20;
	[tilespmem:s19+$0x300] =	vst.add.f32.msk $0xffff, v1  }
0x120: {  	p0 =	slt.u32 s18, $0xC6;
	s23 =	sor.u32 s21, s20;
	s20 =	sor.u32 s22, s20;
	[tilespmem:s19+$0x380] =	vst.add.f32.msk $0xffff, v1  }
0x121: {  	v2 =	vld [tilespmem:s20+$0x0]  }
0x122: {  	s19 =	sshll.u32 s18, $0x7;
	v1 =	vld [tilespmem:s23+$0x0]  }
0x123: {  	s19 =	sand.u32 $0x3FFFFC00, s19;
	[tilespmem:s17+$0x200] =	vst.add.f32.msk $0xffff, v0  }
0x124: {  	s20 =	sadd.s32 $0x9600, s19;
	[tilespmem:s17+$0x280] =	vst.add.f32.msk $0xffff, v0  }
0x125: {  	s19 =	sor.u32 s21, s20;
	[tilespmem:s17+$0x300] =	vst.add.f32.msk $0xffff, v0;
	s17 =	sor.u32 s22, s20  }
0x126: {  	s21 =	sor.u32 $0x80, s19;
	s22 =	sor.u32 $0x100, s19;
	[tilespmem:s17+$0x0] =	vst.add.f32.msk $0xffff, v2;
	s23 =	sor.u32 $0x80, s17;
	v0 =	vmov v2  }
0x127: {  	s20 =	sor.u32 $0x180, s19;
	[tilespmem:s23+$0x0] =	vst.add.f32.msk $0xffff, v0;
	s23 =	sor.u32 $0x100, s17  }
0x128: {  	[tilespmem:s23+$0x0] =	vst.add.f32.msk $0xffff, v0;
	s23 =	sor.u32 $0x180, s17  }
.Ltmp5:
0x129: {  	[tilespmem:s23+$0x0] =	vst.add.f32.msk $0xffff, v0;
	(pc) =	sbr.rel @p0 .LBB2_13-.Ltmp5, $4  }
0x12a: {  	[tilespmem:s17+$0x380] =	vst.add.f32.msk $0xffff, v0  }
0x12b: {  	[tilespmem:s19+$0x0] =	vst.add.f32.msk $0xffff, v1  }
0x12c: {  	[tilespmem:s21+$0x0] =	vst.add.f32.msk $0xffff, v1  }
0x12d: {  	[tilespmem:s22+$0x0] =	vst.add.f32.msk $0xffff, v1  }
0x12e: {  	[tilespmem:s20+$0x0] =	vst.add.f32.msk $0xffff, v1  }
0x12f: {  	[tilespmem:s17+$0x200] =	vst.add.f32.msk $0xffff, v0  }
0x130: {  	[tilespmem:s17+$0x280] =	vst.add.f32.msk $0xffff, v0  }
0x131: {  	[tilespmem:s17+$0x300] =	vst.add.f32.msk $0xffff, v0  }
0x132: {  	[tilespmem:s19+$0x200] =	vst.add.f32.msk $0xffff, v1  }
0x133: {  	[tilespmem:s19+$0x280] =	vst.add.f32.msk $0xffff, v1  }
0x134: {  	s16 =	sadd.s32 s6, s14;
	[tilespmem:s19+$0x300] =	vst.add.f32.msk $0xffff, v1  }
0x135: {  	[tilespmem:s19+$0x380] =	vst.add.f32.msk $0xffff, v1;
	s19 =	sadd.s32 $0xC80, s16;
	s16 =	simm.s32 $0x0  }
0x136: {  	[hbm4b:s19+s16] =	stream.linear.scatter [tilespmem:s26], [sflag:$0x6], $0x6400, $0x38;
	[tilespmem:$0x1C200] =	vst v63  }
0x137: {  	_ =	swait.ge [sflag:s11], $0x6400  }
0x138: {  	s14 =	sadd.s32 $0x2580, s14;
	[sflag:s11] =	ssyncset.done $0x0  }
0x139: {  	s21 =	simm.s32 $0x0;
	s20 =	sadd.s32 s2, s14;
	[sflag:s11] =	ssyncadd.s32 $0xFFFF9C00  }
0x13a: {  	[tilespmem:s31], [sflag:$0x4] =	stream.linear.gather [hbm4b:s20+s16], $0x6400, $0x38;
	[tilespmem:$0x1C200] =	vst v63  }
0x13b: {  	s17 =	sand.u32 $0x3FFFFF80, s21;
	s18 =	sand.u32 $0x60, s16;
	_ =	swait.ge [sflag:s1], $0x6400  }
0x13c: {  	s17 =	sadd.s32 $0x1900, s17;
	s22 =	sor.u32 $0x10, s18;
	[sflag:s1] =	ssyncset.done $0x0  }
0x13d: {  	s23 =	sor.u32 s22, s17;
	[sflag:s1] =	ssyncadd.s32 $0xFFFF9C00  }
0x13e: {  	v0 =	vld [tilespmem:s23+$0x0]  }
0x13f: {  	s21 =	simm.s32 $0x0  }
0x140: {  	s17 =	sor.u32 s18, s17;
	s20 =	sand.u32 $0x3FFFFC00, s21  }
0x141: {  	s20 =	sadd.s32 $0xFA00, s20;
	v1 =	vld [tilespmem:s17+$0x0]  }
0x142: {  	s17 =	sor.u32 s22, s20  }
0x143: {  	s19 =	sor.u32 $0x80, s17;
	[tilespmem:s17+$0x0] =	vst.add.f32.msk $0xffff, v0  }
0x144: {  	s22 =	sor.u32 $0x100, s17;
	[tilespmem:s19+$0x0] =	vst.add.f32.msk $0xffff, v0  }
0x145: {  	s19 =	sor.u32 s18, s20;
	[tilespmem:s22+$0x0] =	vst.add.f32.msk $0xffff, v0  }
0x146: {  	s23 =	sor.u32 $0x180, s17;
	[tilespmem:s19+$0x0] =	vst.add.f32.msk $0xffff, v1  }
0x147: {  	s18 =	sor.u32 $0x80, s19;
	[tilespmem:s23+$0x0] =	vst.add.f32.msk $0xffff, v0  }
0x148: {  	[tilespmem:s18+$0x0] =	vst.add.f32.msk $0xffff, v1  }
0x149: {  	s21 =	sor.u32 $0x100, s19;
	[tilespmem:s17+$0x380] =	vst.add.f32.msk $0xffff, v0  }
0x14a: {  	s20 =	sor.u32 $0x180, s19;
	s18 =	simm.s32 $0x0;
	[tilespmem:s21+$0x0] =	vst.add.f32.msk $0xffff, v1  }
.LBB2_15:
0x14b: {  	s18 =	sadd.s32 $0x2, s18;
	[tilespmem:s20+$0x0] =	vst.add.f32.msk $0xffff, v1  }
0x14c: {  	s16 =	sadd.s32 $0x20, s16;
	s20 =	sshll.u32 s18, $0x4;
	[tilespmem:s19+$0x200] =	vst.add.f32.msk $0xffff, v1  }
0x14d: {  	s21 =	sand.u32 $0x60, s16;
	s20 =	sand.u32 $0x3FFFFF80, s20;
	[tilespmem:s19+$0x280] =	vst.add.f32.msk $0xffff, v1  }
0x14e: {  	s22 =	sor.u32 $0x10, s21;
	s20 =	sadd.s32 $0x1900, s20;
	[tilespmem:s19+$0x300] =	vst.add.f32.msk $0xffff, v1  }
0x14f: {  	p0 =	slt.u32 s18, $0xC6;
	s23 =	sor.u32 s21, s20;
	s20 =	sor.u32 s22, s20;
	[tilespmem:s19+$0x380] =	vst.add.f32.msk $0xffff, v1  }
0x150: {  	v2 =	vld [tilespmem:s20+$0x0]  }
0x151: {  	s19 =	sshll.u32 s18, $0x7;
	v1 =	vld [tilespmem:s23+$0x0]  }
0x152: {  	s19 =	sand.u32 $0x3FFFFC00, s19;
	[tilespmem:s17+$0x200] =	vst.add.f32.msk $0xffff, v0  }
0x153: {  	s20 =	sadd.s32 $0xFA00, s19;
	[tilespmem:s17+$0x280] =	vst.add.f32.msk $0xffff, v0  }
0x154: {  	s19 =	sor.u32 s21, s20;
	[tilespmem:s17+$0x300] =	vst.add.f32.msk $0xffff, v0;
	s17 =	sor.u32 s22, s20  }
0x155: {  	s21 =	sor.u32 $0x80, s19;
	s22 =	sor.u32 $0x100, s19;
	[tilespmem:s17+$0x0] =	vst.add.f32.msk $0xffff, v2;
	s23 =	sor.u32 $0x80, s17;
	v0 =	vmov v2  }
0x156: {  	s20 =	sor.u32 $0x180, s19;
	[tilespmem:s23+$0x0] =	vst.add.f32.msk $0xffff, v0;
	s23 =	sor.u32 $0x100, s17  }
0x157: {  	[tilespmem:s23+$0x0] =	vst.add.f32.msk $0xffff, v0;
	s23 =	sor.u32 $0x180, s17  }
.Ltmp6:
0x158: {  	[tilespmem:s23+$0x0] =	vst.add.f32.msk $0xffff, v0;
	(pc) =	sbr.rel @p0 .LBB2_15-.Ltmp6, $4  }
0x159: {  	[tilespmem:s17+$0x380] =	vst.add.f32.msk $0xffff, v0  }
0x15a: {  	[tilespmem:s19+$0x0] =	vst.add.f32.msk $0xffff, v1  }
0x15b: {  	[tilespmem:s21+$0x0] =	vst.add.f32.msk $0xffff, v1  }
0x15c: {  	[tilespmem:s22+$0x0] =	vst.add.f32.msk $0xffff, v1  }
0x15d: {  	[tilespmem:s20+$0x0] =	vst.add.f32.msk $0xffff, v1  }
0x15e: {  	[tilespmem:s17+$0x200] =	vst.add.f32.msk $0xffff, v0  }
0x15f: {  	[tilespmem:s17+$0x280] =	vst.add.f32.msk $0xffff, v0  }
0x160: {  	[tilespmem:s17+$0x300] =	vst.add.f32.msk $0xffff, v0  }
0x161: {  	[tilespmem:s19+$0x200] =	vst.add.f32.msk $0xffff, v1  }
0x162: {  	[tilespmem:s19+$0x280] =	vst.add.f32.msk $0xffff, v1  }
0x163: {  	[tilespmem:s19+$0x300] =	vst.add.f32.msk $0xffff, v1  }
0x164: {  	s15 =	sadd.s32 s6, s15;
	s16 =	simm.s32 $0x0;
	s13 =	sadd.s32 $0x1, s13;
	[tilespmem:s19+$0x380] =	vst.add.f32.msk $0xffff, v1  }
0x165: {  	[hbm4b:s15+s16] =	stream.linear.scatter [tilespmem:s29], [sflag:$0x7], $0x6400, $0x38;
	[tilespmem:$0x1C200] =	vst v63  }
0x166: {  	s15 =	sadd.s32 s4, s13  }
0x167: {  	_ =	swait.ge [sflag:s0], $0x6400;
	s20 =	smul.u32 $0x3200, s15  }
0x168: {  	[sflag:s0] =	ssyncset.done $0x0  }
0x169: {  	s21 =	simm.s32 $0x0;
	[sflag:s0] =	ssyncadd.s32 $0xFFFF9C00;
	s17 =	sadd.s32 s2, s20  }
0x16a: {  	[tilespmem:s25], [sflag:$0x1] =	stream.linear.gather [hbm4b:s17+s16], $0x6400, $0x38;
	[tilespmem:$0x1C200] =	vst v63  }
0x16b: {  	s18 =	sand.u32 $0x60, s16;
	s17 =	sand.u32 $0x3FFFFF80, s21;
	_ =	swait.ge [sflag:s5], $0x6400  }
0x16c: {  	s22 =	sor.u32 $0x10, s18;
	s17 =	sadd.s32 $0x2580, s17;
	[sflag:s5] =	ssyncset.done $0x0  }
0x16d: {  	s23 =	sor.u32 s22, s17;
	[sflag:s5] =	ssyncadd.s32 $0xFFFF9C00  }
0x16e: {  	v0 =	vld [tilespmem:s23+$0x0]  }
0x16f: {  	s21 =	simm.s32 $0x0  }
0x170: {  	s20 =	sand.u32 $0x3FFFFC00, s21;
	s17 =	sor.u32 s18, s17  }
0x171: {  	s20 =	sadd.s32 $0x15E00, s20;
	v1 =	vld [tilespmem:s17+$0x0]  }
0x172: {  	s17 =	sor.u32 s22, s20  }
0x173: {  	s19 =	sor.u32 $0x80, s17;
	[tilespmem:s17+$0x0] =	vst.add.f32.msk $0xffff, v0  }
0x174: {  	s22 =	sor.u32 $0x100, s17;
	[tilespmem:s19+$0x0] =	vst.add.f32.msk $0xffff, v0  }
0x175: {  	s19 =	sor.u32 s18, s20;
	[tilespmem:s22+$0x0] =	vst.add.f32.msk $0xffff, v0  }
0x176: {  	s23 =	sor.u32 $0x180, s17;
	[tilespmem:s19+$0x0] =	vst.add.f32.msk $0xffff, v1  }
0x177: {  	s18 =	sor.u32 $0x80, s19;
	[tilespmem:s23+$0x0] =	vst.add.f32.msk $0xffff, v0  }
0x178: {  	[tilespmem:s18+$0x0] =	vst.add.f32.msk $0xffff, v1  }
0x179: {  	s21 =	sor.u32 $0x100, s19;
	[tilespmem:s17+$0x380] =	vst.add.f32.msk $0xffff, v0  }
0x17a: {  	s20 =	sor.u32 $0x180, s19;
	s18 =	simm.s32 $0x0;
	[tilespmem:s21+$0x0] =	vst.add.f32.msk $0xffff, v1  }
.LBB2_17:
0x17b: {  	s18 =	sadd.s32 $0x2, s18;
	[tilespmem:s20+$0x0] =	vst.add.f32.msk $0xffff, v1  }
0x17c: {  	s16 =	sadd.s32 $0x20, s16;
	s20 =	sshll.u32 s18, $0x4;
	[tilespmem:s19+$0x200] =	vst.add.f32.msk $0xffff, v1  }
0x17d: {  	s21 =	sand.u32 $0x60, s16;
	s20 =	sand.u32 $0x3FFFFF80, s20;
	[tilespmem:s19+$0x280] =	vst.add.f32.msk $0xffff, v1  }
0x17e: {  	s22 =	sor.u32 $0x10, s21;
	s20 =	sadd.s32 $0x2580, s20;
	[tilespmem:s19+$0x300] =	vst.add.f32.msk $0xffff, v1  }
0x17f: {  	p0 =	slt.u32 s18, $0xC6;
	s23 =	sor.u32 s21, s20;
	s20 =	sor.u32 s22, s20;
	[tilespmem:s19+$0x380] =	vst.add.f32.msk $0xffff, v1  }
0x180: {  	v2 =	vld [tilespmem:s20+$0x0]  }
0x181: {  	s19 =	sshll.u32 s18, $0x7;
	v1 =	vld [tilespmem:s23+$0x0]  }
0x182: {  	s19 =	sand.u32 $0x3FFFFC00, s19;
	[tilespmem:s17+$0x200] =	vst.add.f32.msk $0xffff, v0  }
0x183: {  	s20 =	sadd.s32 $0x15E00, s19;
	[tilespmem:s17+$0x280] =	vst.add.f32.msk $0xffff, v0  }
0x184: {  	s19 =	sor.u32 s21, s20;
	[tilespmem:s17+$0x300] =	vst.add.f32.msk $0xffff, v0;
	s17 =	sor.u32 s22, s20  }
0x185: {  	s21 =	sor.u32 $0x80, s19;
	s22 =	sor.u32 $0x100, s19;
	[tilespmem:s17+$0x0] =	vst.add.f32.msk $0xffff, v2;
	s23 =	sor.u32 $0x80, s17;
	v0 =	vmov v2  }
0x186: {  	s20 =	sor.u32 $0x180, s19;
	[tilespmem:s23+$0x0] =	vst.add.f32.msk $0xffff, v0;
	s23 =	sor.u32 $0x100, s17  }
0x187: {  	[tilespmem:s23+$0x0] =	vst.add.f32.msk $0xffff, v0;
	s23 =	sor.u32 $0x180, s17  }
.Ltmp7:
0x188: {  	[tilespmem:s23+$0x0] =	vst.add.f32.msk $0xffff, v0;
	(pc) =	sbr.rel @p0 .LBB2_17-.Ltmp7, $4  }
0x189: {  	[tilespmem:s17+$0x380] =	vst.add.f32.msk $0xffff, v0  }
0x18a: {  	[tilespmem:s19+$0x0] =	vst.add.f32.msk $0xffff, v1  }
0x18b: {  	[tilespmem:s21+$0x0] =	vst.add.f32.msk $0xffff, v1  }
0x18c: {  	[tilespmem:s22+$0x0] =	vst.add.f32.msk $0xffff, v1  }
0x18d: {  	[tilespmem:s20+$0x0] =	vst.add.f32.msk $0xffff, v1  }
0x18e: {  	[tilespmem:s17+$0x200] =	vst.add.f32.msk $0xffff, v0  }
0x18f: {  	[tilespmem:s17+$0x280] =	vst.add.f32.msk $0xffff, v0  }
0x190: {  	[tilespmem:s17+$0x300] =	vst.add.f32.msk $0xffff, v0  }
0x191: {  	[tilespmem:s19+$0x200] =	vst.add.f32.msk $0xffff, v1  }
0x192: {  	[tilespmem:s19+$0x280] =	vst.add.f32.msk $0xffff, v1  }
0x193: {  	[tilespmem:s19+$0x300] =	vst.add.f32.msk $0xffff, v1  }
0x194: {  	s14 =	sadd.s32 s6, s14;
	s15 =	smul.u32 $0x19000, s15;
	p0 =	sne.s32 s13, $0xF;
	[tilespmem:s19+$0x380] =	vst.add.f32.msk $0xffff, v1  }
0x195: {  	[hbm4b:s14+s3] =	stream.linear.scatter [tilespmem:s31], [sflag:$0x8], $0x6400, $0x38;
	[tilespmem:$0x1C200] =	vst v63  }
.Ltmp8:
0x196: {  	_ = 	snop;
	(pc) =	sbr.rel @p0 .LBB2_10-.Ltmp8, $4  }
0x197: {  	s23 =	sshrl.u32 s15, $0x3;
	_ =	swait.ge [sflag:s8], $0x6400  }
0x198: {  	s14 =	sadd.s32 s2, s23;
	[sflag:s8] =	ssyncset.done $0x0  }
0x199: {  	s14 =	sadd.s32 $0xC80, s14;
	[sflag:s8] =	ssyncadd.s32 $0xFFFF9C00  }
0x19a: {  	[tilespmem:s26], [sflag:$0x2] =	stream.linear.gather [hbm4b:s14+s3], $0x6400, $0x38;
	[tilespmem:$0x1C200] =	vst v63  }
0x19b: {  	s13 =	simm.s32 $0x0  }
0x19c: {  	_ =	swait.ge [sflag:s28], $0x6400;
	s14 =	simm.s32 $0x0;
	s15 =	sand.u32 $0x60, s13  }
0x19d: {  	[sflag:s28] =	ssyncset.done $0x0;
	s14 =	sand.u32 $0x3FFFFF80, s14;
	s16 =	sor.u32 $0x10, s15  }
0x19e: {  	[sflag:s28] =	ssyncadd.s32 $0xFFFF9C00;
	s17 =	sor.u32 s16, s14  }
0x19f: {  	v0 =	vld [tilespmem:s17+$0x0]  }
0x1a0: {  	s21 =	simm.s32 $0x0  }
0x1a1: {  	s14 =	sor.u32 s15, s14;
	s17 =	sand.u32 $0x3FFFFC00, s21  }
0x1a2: {  	v1 =	vld [tilespmem:s14+$0x0];
	s17 =	sadd.s32 $0x3200, s17  }
0x1a3: {  	s14 =	sor.u32 s16, s17  }
0x1a4: {  	s16 =	sor.u32 $0x80, s14;
	[tilespmem:s14+$0x0] =	vst.add.f32.msk $0xffff, v0  }
0x1a5: {  	s22 =	sor.u32 $0x100, s14;
	[tilespmem:s16+$0x0] =	vst.add.f32.msk $0xffff, v0  }
0x1a6: {  	s16 =	sor.u32 s15, s17;
	[tilespmem:s22+$0x0] =	vst.add.f32.msk $0xffff, v0  }
0x1a7: {  	s23 =	sor.u32 $0x180, s14;
	[tilespmem:s16+$0x0] =	vst.add.f32.msk $0xffff, v1  }
0x1a8: {  	s15 =	sor.u32 $0x80, s16;
	[tilespmem:s23+$0x0] =	vst.add.f32.msk $0xffff, v0  }
0x1a9: {  	[tilespmem:s15+$0x0] =	vst.add.f32.msk $0xffff, v1  }
0x1aa: {  	s17 =	sor.u32 $0x100, s16;
	[tilespmem:s14+$0x380] =	vst.add.f32.msk $0xffff, v0  }
0x1ab: {  	s18 =	sor.u32 $0x180, s16;
	[tilespmem:s17+$0x0] =	vst.add.f32.msk $0xffff, v1  }
0x1ac: {  	s15 =	simm.s32 $0x0;
	[tilespmem:s18+$0x0] =	vst.add.f32.msk $0xffff, v1  }
.LBB2_20:
0x1ad: {  	s15 =	sadd.s32 $0x2, s15;
	[tilespmem:s16+$0x200] =	vst.add.f32.msk $0xffff, v1;
	s13 =	sadd.s32 $0x20, s13  }
0x1ae: {  	s17 =	sand.u32 $0x60, s13;
	s18 =	sshll.u32 s15, $0x4;
	[tilespmem:s16+$0x280] =	vst.add.f32.msk $0xffff, v1  }
0x1af: {  	s18 =	sand.u32 $0x3FFFFF80, s18;
	s19 =	sor.u32 $0x10, s17;
	[tilespmem:s16+$0x300] =	vst.add.f32.msk $0xffff, v1  }
0x1b0: {  	s20 =	sor.u32 s17, s18;
	s18 =	sor.u32 s19, s18;
	[tilespmem:s16+$0x380] =	vst.add.f32.msk $0xffff, v1  }
0x1b1: {  	p0 =	slt.u32 s15, $0xC6;
	v2 =	vld [tilespmem:s18+$0x0]  }
0x1b2: {  	s16 =	sshll.u32 s15, $0x7;
	v1 =	vld [tilespmem:s20+$0x0]  }
0x1b3: {  	s16 =	sand.u32 $0x3FFFFC00, s16;
	[tilespmem:s14+$0x200] =	vst.add.f32.msk $0xffff, v0  }
0x1b4: {  	s18 =	sadd.s32 $0x3200, s16;
	[tilespmem:s14+$0x280] =	vst.add.f32.msk $0xffff, v0  }
0x1b5: {  	s16 =	sor.u32 s17, s18;
	[tilespmem:s14+$0x300] =	vst.add.f32.msk $0xffff, v0;
	s14 =	sor.u32 s19, s18  }
0x1b6: {  	s17 =	sor.u32 $0x80, s16;
	s18 =	sor.u32 $0x100, s16;
	[tilespmem:s14+$0x0] =	vst.add.f32.msk $0xffff, v2;
	s19 =	sor.u32 $0x80, s14;
	v0 =	vmov v2  }
0x1b7: {  	s20 =	sor.u32 $0x180, s16;
	[tilespmem:s19+$0x0] =	vst.add.f32.msk $0xffff, v0;
	s19 =	sor.u32 $0x100, s14  }
0x1b8: {  	[tilespmem:s19+$0x0] =	vst.add.f32.msk $0xffff, v0;
	s19 =	sor.u32 $0x180, s14  }
0x1b9: {  	[tilespmem:s19+$0x0] =	vst.add.f32.msk $0xffff, v0  }
.Ltmp9:
0x1ba: {  	[tilespmem:s14+$0x380] =	vst.add.f32.msk $0xffff, v0;
	(pc) =	sbr.rel @p0 .LBB2_20-.Ltmp9, $4  }
0x1bb: {  	[tilespmem:s16+$0x0] =	vst.add.f32.msk $0xffff, v1  }
0x1bc: {  	[tilespmem:s17+$0x0] =	vst.add.f32.msk $0xffff, v1  }
0x1bd: {  	[tilespmem:s18+$0x0] =	vst.add.f32.msk $0xffff, v1  }
0x1be: {  	[tilespmem:s20+$0x0] =	vst.add.f32.msk $0xffff, v1  }
0x1bf: {  	[tilespmem:s16+$0x200] =	vst.add.f32.msk $0xffff, v1  }
0x1c0: {  	[tilespmem:s16+$0x280] =	vst.add.f32.msk $0xffff, v1  }
0x1c1: {  	[tilespmem:s16+$0x300] =	vst.add.f32.msk $0xffff, v1  }
0x1c2: {  	[tilespmem:s16+$0x380] =	vst.add.f32.msk $0xffff, v1  }
0x1c3: {  	[tilespmem:s14+$0x200] =	vst.add.f32.msk $0xffff, v0  }
0x1c4: {  	[tilespmem:s14+$0x280] =	vst.add.f32.msk $0xffff, v0  }
0x1c5: {  	[tilespmem:s14+$0x300] =	vst.add.f32.msk $0xffff, v0  }
0x1c6: {  	s13 =	simm.s32 $0x0;
	s14 =	rddreg [dreg:$0xc]  }
0x1c7: {  	[hbm4b:s14+s13] =	stream.linear.scatter [tilespmem:s25], [sflag:$0x5], $0x6400, $0x38;
	[tilespmem:$0x1C200] =	vst v63  }
0x1c8: {  	_ =	swait.ge [sflag:s10], $0x6400  }
0x1c9: {  	[sflag:s10] =	ssyncset.done $0x0  }
0x1ca: {  	s19 =	simm.s32 $0x0;
	s18 =	rddreg [dreg:$0xd];
	[sflag:s10] =	ssyncadd.s32 $0xFFFF9C00  }
0x1cb: {  	[tilespmem:s29], [sflag:$0x3] =	stream.linear.gather [hbm4b:s18+s13], $0x6400, $0x38;
	[tilespmem:$0x1C200] =	vst v63  }
0x1cc: {  	s15 =	sand.u32 $0x60, s13;
	s14 =	sand.u32 $0x3FFFFF80, s19;
	_ =	swait.ge [sflag:s30], $0x6400  }
0x1cd: {  	s20 =	sor.u32 $0x10, s15;
	s14 =	sadd.s32 $0xC80, s14;
	[sflag:s30] =	ssyncset.done $0x0  }
0x1ce: {  	s17 =	sor.u32 s20, s14;
	[sflag:s30] =	ssyncadd.s32 $0xFFFF9C00  }
0x1cf: {  	v0 =	vld [tilespmem:s17+$0x0]  }
0x1d0: {  	s21 =	simm.s32 $0x0  }
0x1d1: {  	s14 =	sor.u32 s15, s14;
	s17 =	sand.u32 $0x3FFFFC00, s21  }
0x1d2: {  	v1 =	vld [tilespmem:s14+$0x0];
	s17 =	sadd.s32 $0x9600, s17  }
0x1d3: {  	s14 =	sor.u32 s20, s17  }
0x1d4: {  	s16 =	sor.u32 $0x80, s14;
	[tilespmem:s14+$0x0] =	vst.add.f32.msk $0xffff, v0  }
0x1d5: {  	s22 =	sor.u32 $0x100, s14;
	[tilespmem:s16+$0x0] =	vst.add.f32.msk $0xffff, v0  }
0x1d6: {  	s16 =	sor.u32 s15, s17;
	[tilespmem:s22+$0x0] =	vst.add.f32.msk $0xffff, v0  }
0x1d7: {  	s23 =	sor.u32 $0x180, s14;
	[tilespmem:s16+$0x0] =	vst.add.f32.msk $0xffff, v1  }
0x1d8: {  	s15 =	sor.u32 $0x80, s16;
	[tilespmem:s23+$0x0] =	vst.add.f32.msk $0xffff, v0  }
0x1d9: {  	[tilespmem:s15+$0x0] =	vst.add.f32.msk $0xffff, v1  }
0x1da: {  	s18 =	sor.u32 $0x100, s16;
	[tilespmem:s14+$0x380] =	vst.add.f32.msk $0xffff, v0  }
0x1db: {  	s17 =	sor.u32 $0x180, s16;
	s15 =	simm.s32 $0x0;
	[tilespmem:s18+$0x0] =	vst.add.f32.msk $0xffff, v1  }
.LBB2_22:
0x1dc: {  	s15 =	sadd.s32 $0x2, s15;
	[tilespmem:s17+$0x0] =	vst.add.f32.msk $0xffff, v1  }
0x1dd: {  	s13 =	sadd.s32 $0x20, s13;
	s17 =	sshll.u32 s15, $0x4;
	[tilespmem:s16+$0x200] =	vst.add.f32.msk $0xffff, v1  }
0x1de: {  	s18 =	sand.u32 $0x60, s13;
	s17 =	sand.u32 $0x3FFFFF80, s17;
	[tilespmem:s16+$0x280] =	vst.add.f32.msk $0xffff, v1  }
0x1df: {  	s19 =	sor.u32 $0x10, s18;
	s17 =	sadd.s32 $0xC80, s17;
	[tilespmem:s16+$0x300] =	vst.add.f32.msk $0xffff, v1  }
0x1e0: {  	p0 =	slt.u32 s15, $0xC6;
	s20 =	sor.u32 s18, s17;
	s17 =	sor.u32 s19, s17;
	[tilespmem:s16+$0x380] =	vst.add.f32.msk $0xffff, v1  }
0x1e1: {  	v2 =	vld [tilespmem:s17+$0x0]  }
0x1e2: {  	s16 =	sshll.u32 s15, $0x7;
	v1 =	vld [tilespmem:s20+$0x0]  }
0x1e3: {  	s16 =	sand.u32 $0x3FFFFC00, s16;
	[tilespmem:s14+$0x200] =	vst.add.f32.msk $0xffff, v0  }
0x1e4: {  	s17 =	sadd.s32 $0x9600, s16;
	[tilespmem:s14+$0x280] =	vst.add.f32.msk $0xffff, v0  }
0x1e5: {  	s16 =	sor.u32 s18, s17;
	[tilespmem:s14+$0x300] =	vst.add.f32.msk $0xffff, v0;
	s14 =	sor.u32 s19, s17  }
0x1e6: {  	s18 =	sor.u32 $0x80, s16;
	s19 =	sor.u32 $0x100, s16;
	[tilespmem:s14+$0x0] =	vst.add.f32.msk $0xffff, v2;
	s20 =	sor.u32 $0x80, s14;
	v0 =	vmov v2  }
0x1e7: {  	s17 =	sor.u32 $0x180, s16;
	[tilespmem:s20+$0x0] =	vst.add.f32.msk $0xffff, v0;
	s20 =	sor.u32 $0x100, s14  }
0x1e8: {  	[tilespmem:s20+$0x0] =	vst.add.f32.msk $0xffff, v0;
	s20 =	sor.u32 $0x180, s14  }
.Ltmp10:
0x1e9: {  	[tilespmem:s20+$0x0] =	vst.add.f32.msk $0xffff, v0;
	(pc) =	sbr.rel @p0 .LBB2_22-.Ltmp10, $4  }
0x1ea: {  	[tilespmem:s14+$0x380] =	vst.add.f32.msk $0xffff, v0  }
0x1eb: {  	[tilespmem:s16+$0x0] =	vst.add.f32.msk $0xffff, v1  }
0x1ec: {  	[tilespmem:s18+$0x0] =	vst.add.f32.msk $0xffff, v1  }
0x1ed: {  	[tilespmem:s19+$0x0] =	vst.add.f32.msk $0xffff, v1  }
0x1ee: {  	[tilespmem:s17+$0x0] =	vst.add.f32.msk $0xffff, v1  }
0x1ef: {  	[tilespmem:s14+$0x200] =	vst.add.f32.msk $0xffff, v0  }
0x1f0: {  	[tilespmem:s14+$0x280] =	vst.add.f32.msk $0xffff, v0  }
0x1f1: {  	[tilespmem:s14+$0x300] =	vst.add.f32.msk $0xffff, v0  }
0x1f2: {  	[tilespmem:s16+$0x200] =	vst.add.f32.msk $0xffff, v1  }
0x1f3: {  	[tilespmem:s16+$0x280] =	vst.add.f32.msk $0xffff, v1  }
0x1f4: {  	[tilespmem:s16+$0x300] =	vst.add.f32.msk $0xffff, v1  }
0x1f5: {  	[tilespmem:s16+$0x380] =	vst.add.f32.msk $0xffff, v1  }
0x1f6: {  	s13 =	simm.s32 $0x0;
	s14 =	rddreg [dreg:$0xe]  }
0x1f7: {  	[hbm4b:s14+s13] =	stream.linear.scatter [tilespmem:s26], [sflag:$0x6], $0x6400, $0x38;
	[tilespmem:$0x1C200] =	vst v63  }
0x1f8: {  	_ =	swait.ge [sflag:s11], $0x6400  }
0x1f9: {  	[sflag:s11] =	ssyncset.done $0x0  }
0x1fa: {  	s18 =	simm.s32 $0x0;
	s17 =	rddreg [dreg:$0xf];
	[sflag:s11] =	ssyncadd.s32 $0xFFFF9C00  }
0x1fb: {  	[tilespmem:s31], [sflag:$0x4] =	stream.linear.gather [hbm4b:s17+s13], $0x6400, $0x38;
	[tilespmem:$0x1C200] =	vst v63  }
0x1fc: {  	s15 =	sand.u32 $0x60, s13;
	s14 =	sand.u32 $0x3FFFFF80, s18;
	_ =	swait.ge [sflag:s1], $0x6400  }
0x1fd: {  	s19 =	sor.u32 $0x10, s15;
	s14 =	sadd.s32 $0x1900, s14;
	[sflag:s1] =	ssyncset.done $0x0  }
0x1fe: {  	s20 =	sor.u32 s19, s14;
	[sflag:s1] =	ssyncadd.s32 $0xFFFF9C00  }
0x1ff: {  	v0 =	vld [tilespmem:s20+$0x0]  }
0x200: {  	s21 =	simm.s32 $0x0  }
0x201: {  	s14 =	sor.u32 s15, s14;
	s17 =	sand.u32 $0x3FFFFC00, s21  }
0x202: {  	s17 =	sadd.s32 $0xFA00, s17;
	v1 =	vld [tilespmem:s14+$0x0]  }
0x203: {  	s14 =	sor.u32 s19, s17  }
0x204: {  	s16 =	sor.u32 $0x80, s14;
	[tilespmem:s14+$0x0] =	vst.add.f32.msk $0xffff, v0  }
0x205: {  	s22 =	sor.u32 $0x100, s14;
	[tilespmem:s16+$0x0] =	vst.add.f32.msk $0xffff, v0  }
0x206: {  	s16 =	sor.u32 s15, s17;
	[tilespmem:s22+$0x0] =	vst.add.f32.msk $0xffff, v0  }
0x207: {  	s23 =	sor.u32 $0x180, s14;
	[tilespmem:s16+$0x0] =	vst.add.f32.msk $0xffff, v1  }
0x208: {  	s15 =	sor.u32 $0x80, s16;
	[tilespmem:s23+$0x0] =	vst.add.f32.msk $0xffff, v0  }
0x209: {  	[tilespmem:s15+$0x0] =	vst.add.f32.msk $0xffff, v1  }
0x20a: {  	s18 =	sor.u32 $0x100, s16;
	[tilespmem:s14+$0x380] =	vst.add.f32.msk $0xffff, v0  }
0x20b: {  	s17 =	sor.u32 $0x180, s16;
	s15 =	simm.s32 $0x0;
	[tilespmem:s18+$0x0] =	vst.add.f32.msk $0xffff, v1  }
.LBB2_24:
0x20c: {  	s15 =	sadd.s32 $0x2, s15;
	[tilespmem:s17+$0x0] =	vst.add.f32.msk $0xffff, v1  }
0x20d: {  	s13 =	sadd.s32 $0x20, s13;
	s17 =	sshll.u32 s15, $0x4;
	[tilespmem:s16+$0x200] =	vst.add.f32.msk $0xffff, v1  }
0x20e: {  	s18 =	sand.u32 $0x60, s13;
	s17 =	sand.u32 $0x3FFFFF80, s17;
	[tilespmem:s16+$0x280] =	vst.add.f32.msk $0xffff, v1  }
0x20f: {  	s19 =	sor.u32 $0x10, s18;
	s17 =	sadd.s32 $0x1900, s17;
	[tilespmem:s16+$0x300] =	vst.add.f32.msk $0xffff, v1  }
0x210: {  	p0 =	slt.u32 s15, $0xC6;
	s20 =	sor.u32 s18, s17;
	s17 =	sor.u32 s19, s17;
	[tilespmem:s16+$0x380] =	vst.add.f32.msk $0xffff, v1  }
0x211: {  	v2 =	vld [tilespmem:s17+$0x0]  }
0x212: {  	s16 =	sshll.u32 s15, $0x7;
	v1 =	vld [tilespmem:s20+$0x0]  }
0x213: {  	s16 =	sand.u32 $0x3FFFFC00, s16;
	[tilespmem:s14+$0x200] =	vst.add.f32.msk $0xffff, v0  }
0x214: {  	s17 =	sadd.s32 $0xFA00, s16;
	[tilespmem:s14+$0x280] =	vst.add.f32.msk $0xffff, v0  }
0x215: {  	s16 =	sor.u32 s18, s17;
	[tilespmem:s14+$0x300] =	vst.add.f32.msk $0xffff, v0;
	s14 =	sor.u32 s19, s17  }
0x216: {  	s18 =	sor.u32 $0x80, s16;
	s19 =	sor.u32 $0x100, s16;
	[tilespmem:s14+$0x0] =	vst.add.f32.msk $0xffff, v2;
	s20 =	sor.u32 $0x80, s14;
	v0 =	vmov v2  }
0x217: {  	s17 =	sor.u32 $0x180, s16;
	[tilespmem:s20+$0x0] =	vst.add.f32.msk $0xffff, v0;
	s20 =	sor.u32 $0x100, s14  }
0x218: {  	[tilespmem:s20+$0x0] =	vst.add.f32.msk $0xffff, v0;
	s20 =	sor.u32 $0x180, s14  }
.Ltmp11:
0x219: {  	[tilespmem:s20+$0x0] =	vst.add.f32.msk $0xffff, v0;
	(pc) =	sbr.rel @p0 .LBB2_24-.Ltmp11, $4  }
0x21a: {  	[tilespmem:s14+$0x380] =	vst.add.f32.msk $0xffff, v0  }
0x21b: {  	[tilespmem:s16+$0x0] =	vst.add.f32.msk $0xffff, v1  }
0x21c: {  	[tilespmem:s18+$0x0] =	vst.add.f32.msk $0xffff, v1  }
0x21d: {  	[tilespmem:s19+$0x0] =	vst.add.f32.msk $0xffff, v1  }
0x21e: {  	[tilespmem:s17+$0x0] =	vst.add.f32.msk $0xffff, v1  }
0x21f: {  	[tilespmem:s14+$0x200] =	vst.add.f32.msk $0xffff, v0  }
0x220: {  	[tilespmem:s14+$0x280] =	vst.add.f32.msk $0xffff, v0  }
0x221: {  	[tilespmem:s14+$0x300] =	vst.add.f32.msk $0xffff, v0  }
0x222: {  	[tilespmem:s16+$0x200] =	vst.add.f32.msk $0xffff, v1  }
0x223: {  	[tilespmem:s16+$0x280] =	vst.add.f32.msk $0xffff, v1  }
0x224: {  	[tilespmem:s16+$0x300] =	vst.add.f32.msk $0xffff, v1  }
0x225: {  	[tilespmem:s16+$0x380] =	vst.add.f32.msk $0xffff, v1  }
0x226: {  	s13 =	simm.s32 $0x0;
	s14 =	rddreg [dreg:$0x10]  }
0x227: {  	[hbm4b:s14+s13] =	stream.linear.scatter [tilespmem:s29], [sflag:$0x7], $0x6400, $0x38;
	[tilespmem:$0x1C200] =	vst v63  }
0x228: {  	_ =	swait.ge [sflag:s0], $0x6400  }
0x229: {  	[sflag:s0] =	ssyncset.done $0x0  }
0x22a: {  	s18 =	simm.s32 $0x0;
	[sflag:s0] =	ssyncadd.s32 $0xFFFF9C00  }
0x22b: {  	s15 =	sand.u32 $0x60, s13;
	s14 =	sand.u32 $0x3FFFFF80, s18;
	_ =	swait.ge [sflag:s5], $0x6400  }
0x22c: {  	s19 =	sor.u32 $0x10, s15;
	s14 =	sadd.s32 $0x2580, s14;
	[sflag:s5] =	ssyncset.done $0x0  }
0x22d: {  	s20 =	sor.u32 s19, s14;
	[sflag:s5] =	ssyncadd.s32 $0xFFFF9C00  }
0x22e: {  	v0 =	vld [tilespmem:s20+$0x0]  }
0x22f: {  	s21 =	simm.s32 $0x0  }
0x230: {  	s17 =	sand.u32 $0x3FFFFC00, s21;
	s14 =	sor.u32 s15, s14  }
0x231: {  	s17 =	sadd.s32 $0x15E00, s17;
	v1 =	vld [tilespmem:s14+$0x0]  }
0x232: {  	s14 =	sor.u32 s19, s17  }
0x233: {  	s16 =	sor.u32 $0x80, s14;
	[tilespmem:s14+$0x0] =	vst.add.f32.msk $0xffff, v0  }
0x234: {  	s22 =	sor.u32 $0x100, s14;
	[tilespmem:s16+$0x0] =	vst.add.f32.msk $0xffff, v0  }
0x235: {  	s16 =	sor.u32 s15, s17;
	[tilespmem:s22+$0x0] =	vst.add.f32.msk $0xffff, v0  }
0x236: {  	s23 =	sor.u32 $0x180, s14;
	[tilespmem:s16+$0x0] =	vst.add.f32.msk $0xffff, v1  }
0x237: {  	s15 =	sor.u32 $0x80, s16;
	[tilespmem:s23+$0x0] =	vst.add.f32.msk $0xffff, v0  }
0x238: {  	[tilespmem:s15+$0x0] =	vst.add.f32.msk $0xffff, v1  }
0x239: {  	s18 =	sor.u32 $0x100, s16;
	[tilespmem:s14+$0x380] =	vst.add.f32.msk $0xffff, v0  }
0x23a: {  	s17 =	sor.u32 $0x180, s16;
	s15 =	simm.s32 $0x0;
	[tilespmem:s18+$0x0] =	vst.add.f32.msk $0xffff, v1  }
.LBB2_26:
0x23b: {  	s15 =	sadd.s32 $0x2, s15;
	[tilespmem:s17+$0x0] =	vst.add.f32.msk $0xffff, v1  }
0x23c: {  	s13 =	sadd.s32 $0x20, s13;
	s17 =	sshll.u32 s15, $0x4;
	[tilespmem:s16+$0x200] =	vst.add.f32.msk $0xffff, v1  }
0x23d: {  	s18 =	sand.u32 $0x60, s13;
	s17 =	sand.u32 $0x3FFFFF80, s17;
	[tilespmem:s16+$0x280] =	vst.add.f32.msk $0xffff, v1  }
0x23e: {  	s19 =	sor.u32 $0x10, s18;
	s17 =	sadd.s32 $0x2580, s17;
	[tilespmem:s16+$0x300] =	vst.add.f32.msk $0xffff, v1  }
0x23f: {  	p0 =	slt.u32 s15, $0xC6;
	s20 =	sor.u32 s18, s17;
	s17 =	sor.u32 s19, s17;
	[tilespmem:s16+$0x380] =	vst.add.f32.msk $0xffff, v1  }
0x240: {  	v2 =	vld [tilespmem:s17+$0x0]  }
0x241: {  	s16 =	sshll.u32 s15, $0x7;
	v1 =	vld [tilespmem:s20+$0x0]  }
0x242: {  	s16 =	sand.u32 $0x3FFFFC00, s16;
	[tilespmem:s14+$0x200] =	vst.add.f32.msk $0xffff, v0  }
0x243: {  	s17 =	sadd.s32 $0x15E00, s16;
	[tilespmem:s14+$0x280] =	vst.add.f32.msk $0xffff, v0  }
0x244: {  	s16 =	sor.u32 s18, s17;
	[tilespmem:s14+$0x300] =	vst.add.f32.msk $0xffff, v0;
	s14 =	sor.u32 s19, s17  }
0x245: {  	s18 =	sor.u32 $0x80, s16;
	s19 =	sor.u32 $0x100, s16;
	[tilespmem:s14+$0x0] =	vst.add.f32.msk $0xffff, v2;
	s20 =	sor.u32 $0x80, s14;
	v0 =	vmov v2  }
0x246: {  	s17 =	sor.u32 $0x180, s16;
	[tilespmem:s20+$0x0] =	vst.add.f32.msk $0xffff, v0;
	s20 =	sor.u32 $0x100, s14  }
0x247: {  	[tilespmem:s20+$0x0] =	vst.add.f32.msk $0xffff, v0;
	s20 =	sor.u32 $0x180, s14  }
.Ltmp12:
0x248: {  	[tilespmem:s20+$0x0] =	vst.add.f32.msk $0xffff, v0;
	(pc) =	sbr.rel @p0 .LBB2_26-.Ltmp12, $4  }
0x249: {  	[tilespmem:s14+$0x380] =	vst.add.f32.msk $0xffff, v0  }
0x24a: {  	[tilespmem:s16+$0x0] =	vst.add.f32.msk $0xffff, v1  }
0x24b: {  	[tilespmem:s18+$0x0] =	vst.add.f32.msk $0xffff, v1  }
0x24c: {  	[tilespmem:s19+$0x0] =	vst.add.f32.msk $0xffff, v1  }
0x24d: {  	[tilespmem:s17+$0x0] =	vst.add.f32.msk $0xffff, v1  }
0x24e: {  	[tilespmem:s14+$0x200] =	vst.add.f32.msk $0xffff, v0  }
0x24f: {  	[tilespmem:s14+$0x280] =	vst.add.f32.msk $0xffff, v0  }
0x250: {  	[tilespmem:s14+$0x300] =	vst.add.f32.msk $0xffff, v0  }
0x251: {  	[tilespmem:s16+$0x200] =	vst.add.f32.msk $0xffff, v1  }
0x252: {  	[tilespmem:s16+$0x280] =	vst.add.f32.msk $0xffff, v1  }
0x253: {  	[tilespmem:s16+$0x300] =	vst.add.f32.msk $0xffff, v1  }
0x254: {  	[tilespmem:s16+$0x380] =	vst.add.f32.msk $0xffff, v1  }
0x255: {  	s13 =	rddreg [dreg:$0x11]  }
0x256: {  	[hbm4b:s13+s3] =	stream.linear.scatter [tilespmem:s31], [sflag:$0x8], $0x6400, $0x38;
	[tilespmem:$0x1C200] =	vst v63  }
0x257: {  	_ =	swait.ge [sflag:s8], $0x6400  }
0x258: {  	[sflag:s8] =	ssyncset.done $0x0  }
0x259: {  	[sflag:s8] =	ssyncadd.s32 $0xFFFF9C00  }
0x25a: {  	_ =	swait.ge [sflag:s10], $0x6400  }
0x25b: {  	[sflag:s10] =	ssyncset.done $0x0  }
0x25c: {  	[sflag:s10] =	ssyncadd.s32 $0xFFFF9C00  }
0x25d: {  	_ =	swait.ge [sflag:s11], $0x6400  }
0x25e: {  	s12 =	sadd.s32 $0x1, s12;
	s23 =	rddreg [dreg:$0x12]  }
0x25f: {  	p0 =	sne.s32 s12, s23  }
.Ltmp13:
0x260: {  	_ = 	snop;
	(pc) =	sbr.rel @p0 .LBB2_1-.Ltmp13, $3  }
0x261: {  	_ =	sdelay $0x1  }
0x262: {  	[sflag:s11] =	ssyncset.done $0x0  }
0x263: {  	[sflag:s11] =	ssyncadd.s32 $0xFFFF9C00  }
0x264: {  	_ =	sfence.sel $0x180000  }
0x265: {  	[bflag:$0x0] =	sbarrier.arrive $0xFFFF  }
0x266: {  	_ =	strace $0x90000047  }
0x267: {  	s0 =	stileid.u32;
	[bflag:$0x2] =	sbarrier.arrive $0xFFFF  }
0x268: {  	p0 =	sne.s32 s0, $0x0;
	s0 =	rddreg [dreg:$0x2]  }
0x269: {  	s0 =	sadd.s32 @!p0 $0x100000, s0  }
0x26a: {  	[sflag:s0] =	ssyncadd.tile.s32 @!p0 $0x1;
	_ =	shalt  }
.Lfunc_end2:
_tile_overlayer_lowered:
.L_overlay_start_2:
0x26b: {  	(tag) =	ssettag $0x2  }
0x26c: {  	s0 =	rddreg [dreg:$0x0];
	s2 =	stileid.u32  }
0x26d: {  	s1 =	rddreg [dreg:$0x1];
	p0 =	sne.s32 s2, $0x0  }
0x26e: {  	s3 =	rddreg [dreg:$0x2];
	[bflag:$0x3] =	sbarrier.arrive $0xFFFF;
	s2 =	simm.s32 @!p0 $0x1C09  }
0x26f: {  	[timem:s3], [sflag:s2] =	dma.local @!p0 [hbm:s0], s1  }
0x270: {  	s0 =	simm.s32 @!p0 $0x9  }
0x271: {  	_ =	swait.ge @!p0 [sflag:s0], s1  }
0x272: {  	s1 =	ssub.s32 @!p0 $0x0, s1;
	[sflag:s0] =	ssyncset.done @!p0 $0x0  }
0x273: {  	[sflag:s0] =	ssyncadd.s32 @!p0 s1  }
0x274: {  	[bflag:$0x3] =	sbarrier.arrive $0xFFFF  }
0x275: {  	_ =	shalt  }

</sc_bundles>
